<compile_context>
chip_gen: v7x
topology: tpu7x:2x2x1
jax: 0.10.2.dev20260603
libtpu: 0.0.44.dev20260713+nightly
codegen_flags: <defaults>
</compile_context>

<pallas_src>
import functools

import numpy as np
import jax
import jax.numpy as jnp
from jax import lax
from jax.experimental import pallas as pl
from jax.experimental.pallas import tpu as pltpu
from jax.experimental.pallas import tpu_sc as plsc

_INPUT_SIZE = 416.0
_ANCHORS = np.array([[[116, 90], [156, 198], [373, 326]],
                     [[30, 61], [62, 45], [59, 119]],
                     [[10, 13], [16, 30], [33, 23]]], dtype=np.float32)
_SCORE_THR = 0.5
_IOU_THR = 0.5
_MAX_DET = 100

_N = 16
_SCALES = (13, 26, 52)
_SEGS = []
_r0 = 0
for _S in _SCALES:
    _n = 3 * _S * _S
    _rows = -(-(-(-_n // 128)) // 8) * 8
    _SEGS.append((_r0, _rows, _n))
    _r0 += _rows
_ROWS_TOT = _r0
_NPAD = _ROWS_TOT * 128


def _make_consts():
    cx = np.zeros((_ROWS_TOT, 128), np.float32)
    cy = np.zeros((_ROWS_TOT, 128), np.float32)
    aw = np.ones((_ROWS_TOT, 128), np.float32)
    ah = np.ones((_ROWS_TOT, 128), np.float32)
    valid = np.zeros((_ROWS_TOT, 128), np.int32)
    for si, S in enumerate(_SCALES):
        r0, rows, n = _SEGS[si]
        idx = np.arange(rows * 128)
        a = np.minimum(idx // (S * S), 2)
        rem = idx % (S * S)
        cyv = (rem // S).astype(np.float32)
        cxv = (rem % S).astype(np.float32)
        blk = slice(r0, r0 + rows)
        cx[blk] = cxv.reshape(rows, 128)
        cy[blk] = cyv.reshape(rows, 128)
        aw[blk] = _ANCHORS[si][a, 0].reshape(rows, 128)
        ah[blk] = _ANCHORS[si][a, 1].reshape(rows, 128)
        v = (idx < n).astype(np.int32)
        valid[blk] = v.reshape(rows, 128)
    return cx, cy, aw, ah, valid


_CX, _CY, _AW, _AH, _VALID = _make_consts()


def _decode_body(p0, p1, p2, q0, q1, q2, cx, cy, aw, ah, valid,
                 x1o, y1o, x2o, y2o, sthr, lab):
    preds = (p0, p1, p2)
    planes = (q0, q1, q2)
    for si, S in enumerate(_SCALES):
        r0, rows, n = _SEGS[si]
        r = preds[si][...]
        lbl = jnp.argmax(r[..., 5:], axis=-1)
        lbl = lbl.reshape(n).astype(jnp.int32)

        pad = rows * 128 - n

        def to2d(v, fill):
            v = jnp.concatenate([v, jnp.full((pad,), fill, v.dtype)])
            return v.reshape(rows, 128)

        q = planes[si][0]
        s2 = q[0 * rows:1 * rows, :]
        tx = q[1 * rows:2 * rows, :]
        ty = q[2 * rows:3 * rows, :]
        tw = q[3 * rows:4 * rows, :]
        th = q[4 * rows:5 * rows, :]
        lb = to2d(lbl, 0)

        sl = slice(r0, r0 + rows)
        cxs, cys = cx[sl], cy[sl]
        aws, ahs = aw[sl], ah[sl]
        vals = valid[sl]

        stride = _INPUT_SIZE / S
        score = jax.nn.sigmoid(s2)
        bx = (jax.nn.sigmoid(tx) + cxs) * stride
        by = (jax.nn.sigmoid(ty) + cys) * stride
        bw = aws * jnp.exp(tw)
        bh = ahs * jnp.exp(th)
        x1 = jnp.clip(bx - bw / 2.0, 0.0, _INPUT_SIZE)
        y1 = jnp.clip(by - bh / 2.0, 0.0, _INPUT_SIZE)
        x2 = jnp.clip(bx + bw / 2.0, 0.0, _INPUT_SIZE)
        y2 = jnp.clip(by + bh / 2.0, 0.0, _INPUT_SIZE)

        off = lb.astype(jnp.float32) * (_INPUT_SIZE + 1.0)
        x1v = x1 + off
        y1v = y1 + off
        x2v = x2 + off
        y2v = y2 + off
        sv = jnp.where((vals != 0) & (score > _SCORE_THR), score,
                       -jnp.inf)

        x1o[0, sl, :] = x1v
        y1o[0, sl, :] = y1v
        x2o[0, sl, :] = x2v
        y2o[0, sl, :] = y2v
        sthr[0, sl, :] = sv
        lab[0, sl, :] = lb



_NC, _NS = 2, 16
_NVREG = _NPAD // 16
_NCACHE1 = -(-_NVREG // 16)
_L2PAD = 48


def _sc_nms_body(x1h, y1h, x2h, y2h, sh, labh,
                 south, louth, ox1h, oy1h, ox2h, oy2h,
                 x1v, y1v, x2v, y2v, sv, labv,
                 cachev, l2v, kx1, ky1, kx2, ky2, karea,
                 outs, outl, o1, o2, o3, o4):
    wid = lax.axis_index("s") * _NC + lax.axis_index("c")

    @pl.when(wid < _N)
    def _():
        b = wid
        pltpu.sync_copy(x1h.at[b], x1v)
        pltpu.sync_copy(y1h.at[b], y1v)
        pltpu.sync_copy(x2h.at[b], x2v)
        pltpu.sync_copy(y2h.at[b], y2v)
        pltpu.sync_copy(sh.at[b], sv)
        pltpu.sync_copy(labh.at[b], labv)

        neg = jnp.float32(-jnp.inf)
        f32 = jnp.float32
        iota = lax.iota(jnp.int32, 16)
        big_i = jnp.int32(1 << 30)
        sent16 = jnp.full((16,), 1e9, f32)
        zero16 = jnp.zeros((16,), f32)
        neg16 = jnp.full((16,), -jnp.inf, f32)
        lane0 = iota == 0

        def vld1(ref, i):
            return plsc.load_gather(ref, [jnp.full((16,), i, jnp.int32)])

        def vst1(ref, i, val16):
            plsc.store_scatter(ref, [jnp.full((16,), i, jnp.int32)],
                               val16, mask=lane0)

        def g16(ref, ci):
            return ref[ci // 8,
                       pl.ds(pl.multiple_of((ci % 8) * 16, 16), 16)]

        def vld2(ref, j):
            return plsc.load_gather(
                ref, [jnp.full((16,), j // 128, jnp.int32),
                      jnp.full((16,), j % 128, jnp.int32)])

        def vst2(ref, j, val16):
            plsc.store_scatter(
                ref, [jnp.full((16,), j // 128, jnp.int32),
                      jnp.full((16,), j % 128, jnp.int32)],
                val16, mask=lane0)

        for t in range(7):
            kx1[pl.ds(t * 16, 16)] = sent16
            ky1[pl.ds(t * 16, 16)] = sent16
            kx2[pl.ds(t * 16, 16)] = sent16
            ky2[pl.ds(t * 16, 16)] = sent16
            karea[pl.ds(t * 16, 16)] = zero16
        for t in range(8):
            outs[pl.ds(t * 16, 16)] = zero16
            outl[pl.ds(t * 16, 16)] = jnp.full((16,), -1, jnp.int32)
            o1[pl.ds(t * 16, 16)] = zero16
            o2[pl.ds(t * 16, 16)] = zero16
            o3[pl.ds(t * 16, 16)] = zero16
            o4[pl.ds(t * 16, 16)] = zero16

        for t in range(_NCACHE1, 48):
            cachev[pl.ds(t * 16, 16)] = neg16

        def cb(ci, _):
            m = jnp.max(g16(sv, ci))
            vst1(cachev, ci, jnp.broadcast_to(m, (16,)))
            return 0
        lax.fori_loop(0, _NVREG, cb, 0, unroll=8)

        for t in range(3):
            l2v[pl.ds(t * 16, 16)] = neg16

        def l2b(q, _):
            m = jnp.max(cachev[pl.ds(pl.multiple_of(q * 16, 16), 16)])
            vst1(l2v, q, jnp.broadcast_to(m, (16,)))
            return 0
        lax.fori_loop(0, _NCACHE1, l2b, 0, unroll=8)

        def locate():
            m = jnp.maximum(l2v[pl.ds(0, 16)], l2v[pl.ds(16, 16)])
            m = jnp.maximum(m, l2v[pl.ds(32, 16)])
            gmax = jnp.max(m)
            qidx = big_i
            for t in range(3):
                v = l2v[pl.ds(t * 16, 16)]
                qidx = jnp.minimum(
                    qidx, jnp.min(jnp.where(v == gmax, iota + t * 16, big_i)))
            q = jnp.minimum(qidx, _NCACHE1 - 1)
            cvec = cachev[pl.ds(pl.multiple_of(q * 16, 16), 16)]
            lq = jnp.min(jnp.where(cvec == gmax, iota, big_i))
            ci = jnp.minimum(q * 16 + lq, _NVREG - 1)
            svec = g16(sv, ci)
            ll = jnp.minimum(
                jnp.min(jnp.where(svec == gmax, iota, big_i)), 15)
            return gmax, ci * 16 + ll

        def cond(carry):
            nk, gmax, j = carry
            return (nk < _MAX_DET) & (gmax > neg)

        def body(carry):
            nk, gmax, j = carry
            x1c = vld2(x1v, j)
            y1c = vld2(y1v, j)
            x2c = vld2(x2v, j)
            y2c = vld2(y2v, j)
            labc = vld2(labv, j)
            areac = (x2c - x1c) * (y2c - y1c)

            miou = jnp.zeros((16,), f32)
            for t in range(7):
                ka1 = kx1[pl.ds(t * 16, 16)]
                kb1 = ky1[pl.ds(t * 16, 16)]
                ka2 = kx2[pl.ds(t * 16, 16)]
                kb2 = ky2[pl.ds(t * 16, 16)]
                kar = karea[pl.ds(t * 16, 16)]
                xx1 = jnp.maximum(ka1, x1c)
                yy1 = jnp.maximum(kb1, y1c)
                xx2 = jnp.minimum(ka2, x2c)
                yy2 = jnp.minimum(kb2, y2c)
                inter = (jnp.clip(xx2 - xx1, 0.0) *
                         jnp.clip(yy2 - yy1, 0.0))
                iou = inter / (kar + areac - inter + 1e-9)
                miou = jnp.maximum(miou, iou)
            supp = jnp.max(miou) > _IOU_THR

            @pl.when(jnp.logical_not(supp))
            def _():
                vst1(kx1, nk, x1c)
                vst1(ky1, nk, y1c)
                vst1(kx2, nk, x2c)
                vst1(ky2, nk, y2c)
                vst1(karea, nk, areac)
                off = labc.astype(f32) * (_INPUT_SIZE + 1.0)
                vst1(outs, nk, jnp.broadcast_to(gmax, (16,)))
                vst1(outl, nk, labc)
                vst1(o1, nk, x1c - off)
                vst1(o2, nk, y1c - off)
                vst1(o3, nk, x2c - off)
                vst1(o4, nk, y2c - off)

            nk = nk + jnp.where(supp, jnp.int32(0), jnp.int32(1))

            vst2(sv, j, neg16)
            ci = j // 16
            q = ci // 16
            m1 = jnp.max(g16(sv, ci))
            vst1(cachev, ci, jnp.broadcast_to(m1, (16,)))
            m2 = jnp.max(cachev[pl.ds(pl.multiple_of(q * 16, 16), 16)])
            vst1(l2v, q, jnp.broadcast_to(m2, (16,)))
            gmax2, j2 = locate()
            return nk, gmax2, j2

        g0, j0 = locate()
        lax.while_loop(cond, body, (jnp.int32(0), g0, j0))

        pltpu.sync_copy(outs, south.at[b])
        pltpu.sync_copy(outl, louth.at[b])
        pltpu.sync_copy(o1, ox1h.at[b])
        pltpu.sync_copy(o2, oy1h.at[b])
        pltpu.sync_copy(o3, ox2h.at[b])
        pltpu.sync_copy(o4, oy2h.at[b])


def kernel(pred0, pred1, pred2):
    p0 = pred0.reshape(_N * 3, 13, 13, 85)
    p1 = pred1.reshape(_N * 3, 26, 26, 85)
    p2 = pred2.reshape(_N * 3, 52, 52, 85)

    def box_planes(p, seg):
        _, rows, n = seg
        q = jnp.transpose(p[..., :5], (0, 4, 1, 2, 3))
        q = q.reshape(_N, 5, n)
        q = jnp.pad(q, ((0, 0), (0, 0), (0, rows * 128 - n)))
        return q.reshape(_N, 5 * rows, 128)

    q0 = box_planes(pred0, _SEGS[0])
    q1 = box_planes(pred1, _SEGS[1])
    q2 = box_planes(pred2, _SEGS[2])

    consts = (jnp.asarray(_CX), jnp.asarray(_CY), jnp.asarray(_AW),
              jnp.asarray(_AH), jnp.asarray(_VALID))

    f32 = jnp.float32
    dec_out = [jax.ShapeDtypeStruct((_N, _ROWS_TOT, 128), f32)] * 5
    dec_out.append(jax.ShapeDtypeStruct((_N, _ROWS_TOT, 128), jnp.int32))

    in_specs = [
        pl.BlockSpec((3, 13, 13, 85), lambda b: (b, 0, 0, 0)),
        pl.BlockSpec((3, 26, 26, 85), lambda b: (b, 0, 0, 0)),
        pl.BlockSpec((3, 52, 52, 85), lambda b: (b, 0, 0, 0)),
        pl.BlockSpec((1, q0.shape[1], 128), lambda b: (b, 0, 0)),
        pl.BlockSpec((1, q1.shape[1], 128), lambda b: (b, 0, 0)),
        pl.BlockSpec((1, q2.shape[1], 128), lambda b: (b, 0, 0)),
    ] + [pl.BlockSpec((_ROWS_TOT, 128), lambda b: (0, 0))] * 5
    out_specs = [pl.BlockSpec((1, _ROWS_TOT, 128), lambda b: (b, 0, 0))] * 6

    x1o, y1o, x2o, y2o, sthr, lab = pl.pallas_call(
        _decode_body,
        grid=(_N,),
        in_specs=in_specs,
        out_specs=out_specs,
        out_shape=dec_out,
    )(p0, p1, p2, q0, q1, q2, *consts)

    sc_nms = functools.partial(
        pl.kernel,
        out_type=[jax.ShapeDtypeStruct((_N, 128), f32),
                  jax.ShapeDtypeStruct((_N, 128), jnp.int32)]
        + [jax.ShapeDtypeStruct((_N, 128), f32)] * 4,
        mesh=plsc.VectorSubcoreMesh(core_axis_name="c", subcore_axis_name="s",
                                    num_cores=_NC, num_subcores=_NS),
        compiler_params=pltpu.CompilerParams(needs_layout_passes=False),
        scratch_types=[pltpu.VMEM((_ROWS_TOT, 128), f32)] * 5
        + [pltpu.VMEM((_ROWS_TOT, 128), jnp.int32),
           pltpu.VMEM((768,), f32),
           pltpu.VMEM((_L2PAD,), f32)]
        + [pltpu.VMEM((112,), f32)] * 5
        + [pltpu.VMEM((128,), f32),
           pltpu.VMEM((128,), jnp.int32)]
        + [pltpu.VMEM((128,), f32)] * 4,
    )(_sc_nms_body)

    sacc, lacc, x1a, y1a, x2a, y2a = sc_nms(x1o, y1o, x2o, y2o, sthr, lab)

    b_out = jnp.stack([x1a, y1a, x2a, y2a], axis=-1)[:, :_MAX_DET, :]
    s_out = sacc[:, :_MAX_DET]
    l_out = lacc[:, :_MAX_DET]
    return b_out, s_out, l_out

# --- scband reference (transcript-rebuilt; emitter-appended) ---
"""Pipeline reference for scband-model-55671366090805 (READ-ONLY COPY).

The authoritative reference and input builder live on the scoring server;
editing this copy changes nothing except your own understanding.
"""

import jax, jax.numpy as jnp
import numpy as np

INPUT_SIZE = 416.0
ANCHORS = np.array([[[116, 90], [156, 198], [373, 326]],
                    [[30, 61], [62, 45], [59, 119]],
                    [[10, 13], [16, 30], [33, 23]]], dtype=np.float32)
SCORE_THR = 0.5
IOU_THR = 0.5
MAX_DET = 100


def setup_inputs(seed: int = 0) -> dict:
    key = jax.random.key(seed)
    k0, k1, k2 = jax.random.split(key, 3)
    return {
        "pred0": jax.random.normal(k0, (16, 3, 13, 13, 85), dtype=jnp.float32),
        "pred1": jax.random.normal(k1, (16, 3, 26, 26, 85), dtype=jnp.float32),
        "pred2": jax.random.normal(k2, (16, 3, 52, 52, 85), dtype=jnp.float32),
    }


def _decode(pred, anchor):
    # pred: [N, 3, S, S, 5 + num_classes]
    N = pred.shape[0]
    S = pred.shape[2]
    cx = jnp.broadcast_to(jnp.arange(S, dtype=jnp.float32)[None, None, None, :], (N, 3, S, S))
    cy = jnp.transpose(cx, (0, 1, 3, 2))
    scores = jax.nn.sigmoid(pred[..., 0]).reshape(N, -1)
    labels = jnp.argmax(pred[..., 5:], axis=-1).reshape(N, -1)
    stride = INPUT_SIZE / S
    bx = (jax.nn.sigmoid(pred[..., 1]) + cx) * stride
    by = (jax.nn.sigmoid(pred[..., 2]) + cy) * stride
    bxy = jnp.stack([bx, by], axis=-1)
    anc = anchor.reshape(1, 3, 1, 1, 2)
    bwh = anc * jnp.exp(pred[..., 3:5])
    x1y1 = bxy - bwh / 2.0
    x2y2 = bxy + bwh / 2.0
    boxes = jnp.concatenate([x1y1, x2y2], axis=-1).reshape(N, -1, 4)
    boxes = jnp.clip(boxes, 0.0, INPUT_SIZE)
    return boxes, scores, labels


def _nms_single(boxes, scores, labels):
    # class-aware NMS via per-class coordinate offset (equivalent to torchvision batched_nms)
    offset = labels.astype(jnp.float32) * (INPUT_SIZE + 1.0)
    boxes_off = boxes + offset[:, None]
    s = jnp.where(scores > SCORE_THR, scores, -jnp.inf)
    areas = (boxes_off[:, 2] - boxes_off[:, 0]) * (boxes_off[:, 3] - boxes_off[:, 1])

    def body(i, state):
        s_cur, sel = state
        j = jnp.argmax(s_cur)
        valid = s_cur[j] > -jnp.inf
        sel = sel.at[i].set(jnp.where(valid, j.astype(jnp.int32), jnp.int32(-1)))
        bj = boxes_off[j]
        x1 = jnp.maximum(bj[0], boxes_off[:, 0])
        y1 = jnp.maximum(bj[1], boxes_off[:, 1])
        x2 = jnp.minimum(bj[2], boxes_off[:, 2])
        y2 = jnp.minimum(bj[3], boxes_off[:, 3])
        inter = jnp.clip(x2 - x1, 0.0) * jnp.clip(y2 - y1, 0.0)
        area_j = (bj[2] - bj[0]) * (bj[3] - bj[1])
        iou = inter / (area_j + areas - inter + 1e-9)
        s_new = jnp.where(iou > IOU_THR, -jnp.inf, s_cur)
        s_new = s_new.at[j].set(-jnp.inf)
        s_new = jnp.where(valid, s_new, s_cur)
        return (s_new, sel)

    sel0 = jnp.full((MAX_DET,), -1, dtype=jnp.int32)
    _, sel = jax.lax.fori_loop(0, MAX_DET, body, (s, sel0))
    return sel


def reference(pred0, pred1, pred2):
    all_b, all_s, all_l = [], [], []
    for i, p in enumerate([pred0, pred1, pred2]):
        b, s, l = _decode(p, jnp.asarray(ANCHORS[i]))
        all_b.append(b)
        all_s.append(s)
        all_l.append(l)
    boxes = jnp.concatenate(all_b, axis=1)
    scores = jnp.concatenate(all_s, axis=1)
    labels = jnp.concatenate(all_l, axis=1)
    sel = jax.vmap(_nms_single)(boxes, scores, labels)  # [N, MAX_DET]
    valid = sel >= 0
    sel_c = jnp.clip(sel, 0).astype(jnp.int32)
    b_out = jnp.take_along_axis(boxes, sel_c[..., None], axis=1) * valid[..., None].astype(jnp.float32)
    s_out = jnp.take_along_axis(scores, sel_c, axis=1) * valid.astype(jnp.float32)
    l_out = jnp.where(valid, jnp.take_along_axis(labels, sel_c, axis=1), -1)
    return b_out, s_out, l_out

if __name__ == "__main__":
    import jax
    _d = setup_inputs()
    print(jax.jit(kernel)(*tuple(_d.values())))

</pallas_src>

<mosaic_0001>
#map = affine_map<(d0, d1) -> (0, 0, 0)>
#map1 = affine_map<(d0, d1) -> (0, 0)>
module attributes {stable_mosaic.version = 14 : i64} {
  func.func @_sc_nms_body(%arg0: i32, %arg1: i32, %arg2: memref<16x88x128xf32, #tpu.memory_space<hbm>>, %arg3: memref<16x88x128xf32, #tpu.memory_space<hbm>>, %arg4: memref<16x88x128xf32, #tpu.memory_space<hbm>>, %arg5: memref<16x88x128xf32, #tpu.memory_space<hbm>>, %arg6: memref<16x88x128xf32, #tpu.memory_space<hbm>>, %arg7: memref<16x88x128xi32, #tpu.memory_space<hbm>>, %arg8: memref<16x128xf32, #tpu.memory_space<hbm>>, %arg9: memref<16x128xi32, #tpu.memory_space<hbm>>, %arg10: memref<16x128xf32, #tpu.memory_space<hbm>>, %arg11: memref<16x128xf32, #tpu.memory_space<hbm>>, %arg12: memref<16x128xf32, #tpu.memory_space<hbm>>, %arg13: memref<16x128xf32, #tpu.memory_space<hbm>>, %arg14: memref<88x128xf32, #tpu.memory_space<vmem>>, %arg15: memref<88x128xf32, #tpu.memory_space<vmem>>, %arg16: memref<88x128xf32, #tpu.memory_space<vmem>>, %arg17: memref<88x128xf32, #tpu.memory_space<vmem>>, %arg18: memref<88x128xf32, #tpu.memory_space<vmem>>, %arg19: memref<88x128xi32, #tpu.memory_space<vmem>>, %arg20: memref<768xf32, #tpu.memory_space<vmem>>, %arg21: memref<48xf32, #tpu.memory_space<vmem>>, %arg22: memref<112xf32, #tpu.memory_space<vmem>>, %arg23: memref<112xf32, #tpu.memory_space<vmem>>, %arg24: memref<112xf32, #tpu.memory_space<vmem>>, %arg25: memref<112xf32, #tpu.memory_space<vmem>>, %arg26: memref<112xf32, #tpu.memory_space<vmem>>, %arg27: memref<128xf32, #tpu.memory_space<vmem>>, %arg28: memref<128xi32, #tpu.memory_space<vmem>>, %arg29: memref<128xf32, #tpu.memory_space<vmem>>, %arg30: memref<128xf32, #tpu.memory_space<vmem>>, %arg31: memref<128xf32, #tpu.memory_space<vmem>>, %arg32: memref<128xf32, #tpu.memory_space<vmem>>) attributes {dimension_semantics = [#tpu.dimension_semantics<core_parallel>, #tpu.dimension_semantics<subcore_parallel>], iteration_bounds = array<i64: 2, 16>, scalar_prefetch = 0 : i64, scratch_operands = 19 : i64, tpu.core_type = #tpu.core_type<sc_vector_subcore>, window_params = [{transform_indices = #map}, {transform_indices = #map}, {transform_indices = #map}, {transform_indices = #map}, {transform_indices = #map}, {transform_indices = #map}, {transform_indices = #map1}, {transform_indices = #map1}, {transform_indices = #map1}, {transform_indices = #map1}, {transform_indices = #map1}, {transform_indices = #map1}]} {
    %mul3A = arith.constant 2 : i32
    %mul3A_0 = arith.muli %arg1, %mul3A : i32
    %add3A = arith.addi %mul3A_0, %arg0 : i32
    %lt3A = arith.constant 16 : i32
    %lt3A_1 = arith.cmpi slt, %add3A, %lt3A : i32
    %convert_element_type3A = arith.extui %lt3A_1 : i1 to i32
    %cond3A = arith.constant 0 : i32
    %cond3A_2 = arith.cmpi ne, %convert_element_type3A, %cond3A : i32
    scf.if %cond3A_2 {
      "tpu.region"() ({
        %run_scoped3A = tpu.sem_alloc : memref<!tpu.dma_semaphore, #tpu.memory_space<semaphore_mem>>
        %dma_start3A = arith.constant 0 : i32
        %dma_start3A_422 = arith.constant 0 : i32
        %dma_start3A_423 = tpu.memref_slice %arg2[%add3A, %dma_start3A, %dma_start3A_422] : memref<16x88x128xf32, #tpu.memory_space<hbm>> -> memref<1x88x128xf32, #tpu.memory_space<hbm>>
        %dma_start3A_424 = tpu.memref_squeeze %dma_start3A_423 : memref<1x88x128xf32, #tpu.memory_space<hbm>> -> memref<88x128xf32, #tpu.memory_space<hbm>>
        %dma_start3A_425 = arith.constant 0 : i32
        %dma_start3A_426 = arith.constant 0 : i32
        %dma_start3A_427 = tpu.memref_slice %arg2[%add3A, %dma_start3A_425, %dma_start3A_426] : memref<16x88x128xf32, #tpu.memory_space<hbm>> -> memref<1x88x128xf32, #tpu.memory_space<hbm>>
        %dma_start3A_428 = tpu.memref_squeeze %dma_start3A_427 : memref<1x88x128xf32, #tpu.memory_space<hbm>> -> memref<88x128xf32, #tpu.memory_space<hbm>>
        tpu.enqueue_dma source(%dma_start3A_428 : memref<88x128xf32, #tpu.memory_space<hbm>>) target(%arg14 : memref<88x128xf32, #tpu.memory_space<vmem>>) target_semaphore(%run_scoped3A : memref<!tpu.dma_semaphore, #tpu.memory_space<semaphore_mem>>)
        %dma_wait3A = arith.constant 0 : i32
        %dma_wait3A_429 = arith.constant 0 : i32
        %dma_wait3A_430 = tpu.memref_slice %arg2[%add3A, %dma_wait3A, %dma_wait3A_429] : memref<16x88x128xf32, #tpu.memory_space<hbm>> -> memref<1x88x128xf32, #tpu.memory_space<hbm>>
        %dma_wait3A_431 = tpu.memref_squeeze %dma_wait3A_430 : memref<1x88x128xf32, #tpu.memory_space<hbm>> -> memref<88x128xf32, #tpu.memory_space<hbm>>
        %dma_wait3A_432 = arith.constant 0 : i32
        %dma_wait3A_433 = arith.constant 0 : i32
        %dma_wait3A_434 = tpu.memref_slice %arg2[%add3A, %dma_wait3A_432, %dma_wait3A_433] : memref<16x88x128xf32, #tpu.memory_space<hbm>> -> memref<1x88x128xf32, #tpu.memory_space<hbm>>
        %dma_wait3A_435 = tpu.memref_squeeze %dma_wait3A_434 : memref<1x88x128xf32, #tpu.memory_space<hbm>> -> memref<88x128xf32, #tpu.memory_space<hbm>>
        tpu.wait_dma2 semaphore(%run_scoped3A : memref<!tpu.dma_semaphore, #tpu.memory_space<semaphore_mem>>) src(%dma_wait3A_435 : memref<88x128xf32, #tpu.memory_space<hbm>>) dst(%arg14 : memref<88x128xf32, #tpu.memory_space<vmem>>)
        tpu.yield
      }) : () -> ()
      "tpu.region"() ({
        %run_scoped3A = tpu.sem_alloc : memref<!tpu.dma_semaphore, #tpu.memory_space<semaphore_mem>>
        %dma_start3A = arith.constant 0 : i32
        %dma_start3A_422 = arith.constant 0 : i32
        %dma_start3A_423 = tpu.memref_slice %arg3[%add3A, %dma_start3A, %dma_start3A_422] : memref<16x88x128xf32, #tpu.memory_space<hbm>> -> memref<1x88x128xf32, #tpu.memory_space<hbm>>
        %dma_start3A_424 = tpu.memref_squeeze %dma_start3A_423 : memref<1x88x128xf32, #tpu.memory_space<hbm>> -> memref<88x128xf32, #tpu.memory_space<hbm>>
        %dma_start3A_425 = arith.constant 0 : i32
        %dma_start3A_426 = arith.constant 0 : i32
        %dma_start3A_427 = tpu.memref_slice %arg3[%add3A, %dma_start3A_425, %dma_start3A_426] : memref<16x88x128xf32, #tpu.memory_space<hbm>> -> memref<1x88x128xf32, #tpu.memory_space<hbm>>
        %dma_start3A_428 = tpu.memref_squeeze %dma_start3A_427 : memref<1x88x128xf32, #tpu.memory_space<hbm>> -> memref<88x128xf32, #tpu.memory_space<hbm>>
        tpu.enqueue_dma source(%dma_start3A_428 : memref<88x128xf32, #tpu.memory_space<hbm>>) target(%arg15 : memref<88x128xf32, #tpu.memory_space<vmem>>) target_semaphore(%run_scoped3A : memref<!tpu.dma_semaphore, #tpu.memory_space<semaphore_mem>>)
        %dma_wait3A = arith.constant 0 : i32
        %dma_wait3A_429 = arith.constant 0 : i32
        %dma_wait3A_430 = tpu.memref_slice %arg3[%add3A, %dma_wait3A, %dma_wait3A_429] : memref<16x88x128xf32, #tpu.memory_space<hbm>> -> memref<1x88x128xf32, #tpu.memory_space<hbm>>
        %dma_wait3A_431 = tpu.memref_squeeze %dma_wait3A_430 : memref<1x88x128xf32, #tpu.memory_space<hbm>> -> memref<88x128xf32, #tpu.memory_space<hbm>>
        %dma_wait3A_432 = arith.constant 0 : i32
        %dma_wait3A_433 = arith.constant 0 : i32
        %dma_wait3A_434 = tpu.memref_slice %arg3[%add3A, %dma_wait3A_432, %dma_wait3A_433] : memref<16x88x128xf32, #tpu.memory_space<hbm>> -> memref<1x88x128xf32, #tpu.memory_space<hbm>>
        %dma_wait3A_435 = tpu.memref_squeeze %dma_wait3A_434 : memref<1x88x128xf32, #tpu.memory_space<hbm>> -> memref<88x128xf32, #tpu.memory_space<hbm>>
        tpu.wait_dma2 semaphore(%run_scoped3A : memref<!tpu.dma_semaphore, #tpu.memory_space<semaphore_mem>>) src(%dma_wait3A_435 : memref<88x128xf32, #tpu.memory_space<hbm>>) dst(%arg15 : memref<88x128xf32, #tpu.memory_space<vmem>>)
        tpu.yield
      }) : () -> ()
      "tpu.region"() ({
        %run_scoped3A = tpu.sem_alloc : memref<!tpu.dma_semaphore, #tpu.memory_space<semaphore_mem>>
        %dma_start3A = arith.constant 0 : i32
        %dma_start3A_422 = arith.constant 0 : i32
        %dma_start3A_423 = tpu.memref_slice %arg4[%add3A, %dma_start3A, %dma_start3A_422] : memref<16x88x128xf32, #tpu.memory_space<hbm>> -> memref<1x88x128xf32, #tpu.memory_space<hbm>>
        %dma_start3A_424 = tpu.memref_squeeze %dma_start3A_423 : memref<1x88x128xf32, #tpu.memory_space<hbm>> -> memref<88x128xf32, #tpu.memory_space<hbm>>
        %dma_start3A_425 = arith.constant 0 : i32
        %dma_start3A_426 = arith.constant 0 : i32
        %dma_start3A_427 = tpu.memref_slice %arg4[%add3A, %dma_start3A_425, %dma_start3A_426] : memref<16x88x128xf32, #tpu.memory_space<hbm>> -> memref<1x88x128xf32, #tpu.memory_space<hbm>>
        %dma_start3A_428 = tpu.memref_squeeze %dma_start3A_427 : memref<1x88x128xf32, #tpu.memory_space<hbm>> -> memref<88x128xf32, #tpu.memory_space<hbm>>
        tpu.enqueue_dma source(%dma_start3A_428 : memref<88x128xf32, #tpu.memory_space<hbm>>) target(%arg16 : memref<88x128xf32, #tpu.memory_space<vmem>>) target_semaphore(%run_scoped3A : memref<!tpu.dma_semaphore, #tpu.memory_space<semaphore_mem>>)
        %dma_wait3A = arith.constant 0 : i32
        %dma_wait3A_429 = arith.constant 0 : i32
        %dma_wait3A_430 = tpu.memref_slice %arg4[%add3A, %dma_wait3A, %dma_wait3A_429] : memref<16x88x128xf32, #tpu.memory_space<hbm>> -> memref<1x88x128xf32, #tpu.memory_space<hbm>>
        %dma_wait3A_431 = tpu.memref_squeeze %dma_wait3A_430 : memref<1x88x128xf32, #tpu.memory_space<hbm>> -> memref<88x128xf32, #tpu.memory_space<hbm>>
        %dma_wait3A_432 = arith.constant 0 : i32
        %dma_wait3A_433 = arith.constant 0 : i32
        %dma_wait3A_434 = tpu.memref_slice %arg4[%add3A, %dma_wait3A_432, %dma_wait3A_433] : memref<16x88x128xf32, #tpu.memory_space<hbm>> -> memref<1x88x128xf32, #tpu.memory_space<hbm>>
        %dma_wait3A_435 = tpu.memref_squeeze %dma_wait3A_434 : memref<1x88x128xf32, #tpu.memory_space<hbm>> -> memref<88x128xf32, #tpu.memory_space<hbm>>
        tpu.wait_dma2 semaphore(%run_scoped3A : memref<!tpu.dma_semaphore, #tpu.memory_space<semaphore_mem>>) src(%dma_wait3A_435 : memref<88x128xf32, #tpu.memory_space<hbm>>) dst(%arg16 : memref<88x128xf32, #tpu.memory_space<vmem>>)
        tpu.yield
      }) : () -> ()
      "tpu.region"() ({
        %run_scoped3A = tpu.sem_alloc : memref<!tpu.dma_semaphore, #tpu.memory_space<semaphore_mem>>
        %dma_start3A = arith.constant 0 : i32
        %dma_start3A_422 = arith.constant 0 : i32
        %dma_start3A_423 = tpu.memref_slice %arg5[%add3A, %dma_start3A, %dma_start3A_422] : memref<16x88x128xf32, #tpu.memory_space<hbm>> -> memref<1x88x128xf32, #tpu.memory_space<hbm>>
        %dma_start3A_424 = tpu.memref_squeeze %dma_start3A_423 : memref<1x88x128xf32, #tpu.memory_space<hbm>> -> memref<88x128xf32, #tpu.memory_space<hbm>>
        %dma_start3A_425 = arith.constant 0 : i32
        %dma_start3A_426 = arith.constant 0 : i32
        %dma_start3A_427 = tpu.memref_slice %arg5[%add3A, %dma_start3A_425, %dma_start3A_426] : memref<16x88x128xf32, #tpu.memory_space<hbm>> -> memref<1x88x128xf32, #tpu.memory_space<hbm>>
        %dma_start3A_428 = tpu.memref_squeeze %dma_start3A_427 : memref<1x88x128xf32, #tpu.memory_space<hbm>> -> memref<88x128xf32, #tpu.memory_space<hbm>>
        tpu.enqueue_dma source(%dma_start3A_428 : memref<88x128xf32, #tpu.memory_space<hbm>>) target(%arg17 : memref<88x128xf32, #tpu.memory_space<vmem>>) target_semaphore(%run_scoped3A : memref<!tpu.dma_semaphore, #tpu.memory_space<semaphore_mem>>)
        %dma_wait3A = arith.constant 0 : i32
        %dma_wait3A_429 = arith.constant 0 : i32
        %dma_wait3A_430 = tpu.memref_slice %arg5[%add3A, %dma_wait3A, %dma_wait3A_429] : memref<16x88x128xf32, #tpu.memory_space<hbm>> -> memref<1x88x128xf32, #tpu.memory_space<hbm>>
        %dma_wait3A_431 = tpu.memref_squeeze %dma_wait3A_430 : memref<1x88x128xf32, #tpu.memory_space<hbm>> -> memref<88x128xf32, #tpu.memory_space<hbm>>
        %dma_wait3A_432 = arith.constant 0 : i32
        %dma_wait3A_433 = arith.constant 0 : i32
        %dma_wait3A_434 = tpu.memref_slice %arg5[%add3A, %dma_wait3A_432, %dma_wait3A_433] : memref<16x88x128xf32, #tpu.memory_space<hbm>> -> memref<1x88x128xf32, #tpu.memory_space<hbm>>
        %dma_wait3A_435 = tpu.memref_squeeze %dma_wait3A_434 : memref<1x88x128xf32, #tpu.memory_space<hbm>> -> memref<88x128xf32, #tpu.memory_space<hbm>>
        tpu.wait_dma2 semaphore(%run_scoped3A : memref<!tpu.dma_semaphore, #tpu.memory_space<semaphore_mem>>) src(%dma_wait3A_435 : memref<88x128xf32, #tpu.memory_space<hbm>>) dst(%arg17 : memref<88x128xf32, #tpu.memory_space<vmem>>)
        tpu.yield
      }) : () -> ()
      "tpu.region"() ({
        %run_scoped3A = tpu.sem_alloc : memref<!tpu.dma_semaphore, #tpu.memory_space<semaphore_mem>>
        %dma_start3A = arith.constant 0 : i32
        %dma_start3A_422 = arith.constant 0 : i32
        %dma_start3A_423 = tpu.memref_slice %arg6[%add3A, %dma_start3A, %dma_start3A_422] : memref<16x88x128xf32, #tpu.memory_space<hbm>> -> memref<1x88x128xf32, #tpu.memory_space<hbm>>
        %dma_start3A_424 = tpu.memref_squeeze %dma_start3A_423 : memref<1x88x128xf32, #tpu.memory_space<hbm>> -> memref<88x128xf32, #tpu.memory_space<hbm>>
        %dma_start3A_425 = arith.constant 0 : i32
        %dma_start3A_426 = arith.constant 0 : i32
        %dma_start3A_427 = tpu.memref_slice %arg6[%add3A, %dma_start3A_425, %dma_start3A_426] : memref<16x88x128xf32, #tpu.memory_space<hbm>> -> memref<1x88x128xf32, #tpu.memory_space<hbm>>
        %dma_start3A_428 = tpu.memref_squeeze %dma_start3A_427 : memref<1x88x128xf32, #tpu.memory_space<hbm>> -> memref<88x128xf32, #tpu.memory_space<hbm>>
        tpu.enqueue_dma source(%dma_start3A_428 : memref<88x128xf32, #tpu.memory_space<hbm>>) target(%arg18 : memref<88x128xf32, #tpu.memory_space<vmem>>) target_semaphore(%run_scoped3A : memref<!tpu.dma_semaphore, #tpu.memory_space<semaphore_mem>>)
        %dma_wait3A = arith.constant 0 : i32
        %dma_wait3A_429 = arith.constant 0 : i32
        %dma_wait3A_430 = tpu.memref_slice %arg6[%add3A, %dma_wait3A, %dma_wait3A_429] : memref<16x88x128xf32, #tpu.memory_space<hbm>> -> memref<1x88x128xf32, #tpu.memory_space<hbm>>
        %dma_wait3A_431 = tpu.memref_squeeze %dma_wait3A_430 : memref<1x88x128xf32, #tpu.memory_space<hbm>> -> memref<88x128xf32, #tpu.memory_space<hbm>>
        %dma_wait3A_432 = arith.constant 0 : i32
        %dma_wait3A_433 = arith.constant 0 : i32
        %dma_wait3A_434 = tpu.memref_slice %arg6[%add3A, %dma_wait3A_432, %dma_wait3A_433] : memref<16x88x128xf32, #tpu.memory_space<hbm>> -> memref<1x88x128xf32, #tpu.memory_space<hbm>>
        %dma_wait3A_435 = tpu.memref_squeeze %dma_wait3A_434 : memref<1x88x128xf32, #tpu.memory_space<hbm>> -> memref<88x128xf32, #tpu.memory_space<hbm>>
        tpu.wait_dma2 semaphore(%run_scoped3A : memref<!tpu.dma_semaphore, #tpu.memory_space<semaphore_mem>>) src(%dma_wait3A_435 : memref<88x128xf32, #tpu.memory_space<hbm>>) dst(%arg18 : memref<88x128xf32, #tpu.memory_space<vmem>>)
        tpu.yield
      }) : () -> ()
      "tpu.region"() ({
        %run_scoped3A = tpu.sem_alloc : memref<!tpu.dma_semaphore, #tpu.memory_space<semaphore_mem>>
        %dma_start3A = arith.constant 0 : i32
        %dma_start3A_422 = arith.constant 0 : i32
        %dma_start3A_423 = tpu.memref_slice %arg7[%add3A, %dma_start3A, %dma_start3A_422] : memref<16x88x128xi32, #tpu.memory_space<hbm>> -> memref<1x88x128xi32, #tpu.memory_space<hbm>>
        %dma_start3A_424 = tpu.memref_squeeze %dma_start3A_423 : memref<1x88x128xi32, #tpu.memory_space<hbm>> -> memref<88x128xi32, #tpu.memory_space<hbm>>
        %dma_start3A_425 = arith.constant 0 : i32
        %dma_start3A_426 = arith.constant 0 : i32
        %dma_start3A_427 = tpu.memref_slice %arg7[%add3A, %dma_start3A_425, %dma_start3A_426] : memref<16x88x128xi32, #tpu.memory_space<hbm>> -> memref<1x88x128xi32, #tpu.memory_space<hbm>>
        %dma_start3A_428 = tpu.memref_squeeze %dma_start3A_427 : memref<1x88x128xi32, #tpu.memory_space<hbm>> -> memref<88x128xi32, #tpu.memory_space<hbm>>
        tpu.enqueue_dma source(%dma_start3A_428 : memref<88x128xi32, #tpu.memory_space<hbm>>) target(%arg19 : memref<88x128xi32, #tpu.memory_space<vmem>>) target_semaphore(%run_scoped3A : memref<!tpu.dma_semaphore, #tpu.memory_space<semaphore_mem>>)
        %dma_wait3A = arith.constant 0 : i32
        %dma_wait3A_429 = arith.constant 0 : i32
        %dma_wait3A_430 = tpu.memref_slice %arg7[%add3A, %dma_wait3A, %dma_wait3A_429] : memref<16x88x128xi32, #tpu.memory_space<hbm>> -> memref<1x88x128xi32, #tpu.memory_space<hbm>>
        %dma_wait3A_431 = tpu.memref_squeeze %dma_wait3A_430 : memref<1x88x128xi32, #tpu.memory_space<hbm>> -> memref<88x128xi32, #tpu.memory_space<hbm>>
        %dma_wait3A_432 = arith.constant 0 : i32
        %dma_wait3A_433 = arith.constant 0 : i32
        %dma_wait3A_434 = tpu.memref_slice %arg7[%add3A, %dma_wait3A_432, %dma_wait3A_433] : memref<16x88x128xi32, #tpu.memory_space<hbm>> -> memref<1x88x128xi32, #tpu.memory_space<hbm>>
        %dma_wait3A_435 = tpu.memref_squeeze %dma_wait3A_434 : memref<1x88x128xi32, #tpu.memory_space<hbm>> -> memref<88x128xi32, #tpu.memory_space<hbm>>
        tpu.wait_dma2 semaphore(%run_scoped3A : memref<!tpu.dma_semaphore, #tpu.memory_space<semaphore_mem>>) src(%dma_wait3A_435 : memref<88x128xi32, #tpu.memory_space<hbm>>) dst(%arg19 : memref<88x128xi32, #tpu.memory_space<vmem>>)
        tpu.yield
      }) : () -> ()
      %iota3A = tpu.iota {dimensions = array<i32: 0>} : vector<16xi32>
      %broadcast_in_dim3A = arith.constant 1.000000e+09 : f32
      %broadcast_in_dim3A_3 = vector.broadcast %broadcast_in_dim3A : f32 to vector<16xf32>
      %broadcast_in_dim3A_4 = arith.constant 0.000000e+00 : f32
      %broadcast_in_dim3A_5 = vector.broadcast %broadcast_in_dim3A_4 : f32 to vector<16xf32>
      %broadcast_in_dim3A_6 = arith.constant 0xFF800000 : f32
      %broadcast_in_dim3A_7 = vector.broadcast %broadcast_in_dim3A_6 : f32 to vector<16xf32>
      %eq3A = arith.constant 0 : i32
      %eq3A_8 = vector.broadcast %eq3A : i32 to vector<16xi32>
      %eq3A_9 = arith.cmpi eq, %iota3A, %eq3A_8 : vector<16xi32>
      %swap3A = arith.constant 0 : index
      %swap3A_10 = tpu.vector_load %arg22[%swap3A] {strides = array<i32>} : memref<112xf32, #tpu.memory_space<vmem>>, vector<16xf32>,
      tpu.vector_store %arg22[%swap3A], %broadcast_in_dim3A_3 {strides = array<i32>} : memref<112xf32, #tpu.memory_space<vmem>>, vector<16xf32>,
      %swap3A_11 = arith.constant 0 : index
      %swap3A_12 = tpu.vector_load %arg23[%swap3A_11] {strides = array<i32>} : memref<112xf32, #tpu.memory_space<vmem>>, vector<16xf32>,
      tpu.vector_store %arg23[%swap3A_11], %broadcast_in_dim3A_3 {strides = array<i32>} : memref<112xf32, #tpu.memory_space<vmem>>, vector<16xf32>,
      %swap3A_13 = arith.constant 0 : index
      %swap3A_14 = tpu.vector_load %arg24[%swap3A_13] {strides = array<i32>} : memref<112xf32, #tpu.memory_space<vmem>>, vector<16xf32>,
      tpu.vector_store %arg24[%swap3A_13], %broadcast_in_dim3A_3 {strides = array<i32>} : memref<112xf32, #tpu.memory_space<vmem>>, vector<16xf32>,
      %swap3A_15 = arith.constant 0 : index
      %swap3A_16 = tpu.vector_load %arg25[%swap3A_15] {strides = array<i32>} : memref<112xf32, #tpu.memory_space<vmem>>, vector<16xf32>,
      tpu.vector_store %arg25[%swap3A_15], %broadcast_in_dim3A_3 {strides = array<i32>} : memref<112xf32, #tpu.memory_space<vmem>>, vector<16xf32>,
      %swap3A_17 = arith.constant 0 : index
      %swap3A_18 = tpu.vector_load %arg26[%swap3A_17] {strides = array<i32>} : memref<112xf32, #tpu.memory_space<vmem>>, vector<16xf32>,
      tpu.vector_store %arg26[%swap3A_17], %broadcast_in_dim3A_5 {strides = array<i32>} : memref<112xf32, #tpu.memory_space<vmem>>, vector<16xf32>,
      %swap3A_19 = arith.constant 16 : index
      %swap3A_20 = tpu.vector_load %arg22[%swap3A_19] {strides = array<i32>} : memref<112xf32, #tpu.memory_space<vmem>>, vector<16xf32>,
      tpu.vector_store %arg22[%swap3A_19], %broadcast_in_dim3A_3 {strides = array<i32>} : memref<112xf32, #tpu.memory_space<vmem>>, vector<16xf32>,
      %swap3A_21 = arith.constant 16 : index
      %swap3A_22 = tpu.vector_load %arg23[%swap3A_21] {strides = array<i32>} : memref<112xf32, #tpu.memory_space<vmem>>, vector<16xf32>,
      tpu.vector_store %arg23[%swap3A_21], %broadcast_in_dim3A_3 {strides = array<i32>} : memref<112xf32, #tpu.memory_space<vmem>>, vector<16xf32>,
      %swap3A_23 = arith.constant 16 : index
      %swap3A_24 = tpu.vector_load %arg24[%swap3A_23] {strides = array<i32>} : memref<112xf32, #tpu.memory_space<vmem>>, vector<16xf32>,
      tpu.vector_store %arg24[%swap3A_23], %broadcast_in_dim3A_3 {strides = array<i32>} : memref<112xf32, #tpu.memory_space<vmem>>, vector<16xf32>,
      %swap3A_25 = arith.constant 16 : index
      %swap3A_26 = tpu.vector_load %arg25[%swap3A_25] {strides = array<i32>} : memref<112xf32, #tpu.memory_space<vmem>>, vector<16xf32>,
      tpu.vector_store %arg25[%swap3A_25], %broadcast_in_dim3A_3 {strides = array<i32>} : memref<112xf32, #tpu.memory_space<vmem>>, vector<16xf32>,
      %swap3A_27 = arith.constant 16 : index
      %swap3A_28 = tpu.vector_load %arg26[%swap3A_27] {strides = array<i32>} : memref<112xf32, #tpu.memory_space<vmem>>, vector<16xf32>,
      tpu.vector_store %arg26[%swap3A_27], %broadcast_in_dim3A_5 {strides = array<i32>} : memref<112xf32, #tpu.memory_space<vmem>>, vector<16xf32>,
      %swap3A_29 = arith.constant 32 : index
      %swap3A_30 = tpu.vector_load %arg22[%swap3A_29] {strides = array<i32>} : memref<112xf32, #tpu.memory_space<vmem>>, vector<16xf32>,
      tpu.vector_store %arg22[%swap3A_29], %broadcast_in_dim3A_3 {strides = array<i32>} : memref<112xf32, #tpu.memory_space<vmem>>, vector<16xf32>,
      %swap3A_31 = arith.constant 32 : index
      %swap3A_32 = tpu.vector_load %arg23[%swap3A_31] {strides = array<i32>} : memref<112xf32, #tpu.memory_space<vmem>>, vector<16xf32>,
      tpu.vector_store %arg23[%swap3A_31], %broadcast_in_dim3A_3 {strides = array<i32>} : memref<112xf32, #tpu.memory_space<vmem>>, vector<16xf32>,
      %swap3A_33 = arith.constant 32 : index
      %swap3A_34 = tpu.vector_load %arg24[%swap3A_33] {strides = array<i32>} : memref<112xf32, #tpu.memory_space<vmem>>, vector<16xf32>,
      tpu.vector_store %arg24[%swap3A_33], %broadcast_in_dim3A_3 {strides = array<i32>} : memref<112xf32, #tpu.memory_space<vmem>>, vector<16xf32>,
      %swap3A_35 = arith.constant 32 : index
      %swap3A_36 = tpu.vector_load %arg25[%swap3A_35] {strides = array<i32>} : memref<112xf32, #tpu.memory_space<vmem>>, vector<16xf32>,
      tpu.vector_store %arg25[%swap3A_35], %broadcast_in_dim3A_3 {strides = array<i32>} : memref<112xf32, #tpu.memory_space<vmem>>, vector<16xf32>,
      %swap3A_37 = arith.constant 32 : index
      %swap3A_38 = tpu.vector_load %arg26[%swap3A_37] {strides = array<i32>} : memref<112xf32, #tpu.memory_space<vmem>>, vector<16xf32>,
      tpu.vector_store %arg26[%swap3A_37], %broadcast_in_dim3A_5 {strides = array<i32>} : memref<112xf32, #tpu.memory_space<vmem>>, vector<16xf32>,
      %swap3A_39 = arith.constant 48 : index
      %swap3A_40 = tpu.vector_load %arg22[%swap3A_39] {strides = array<i32>} : memref<112xf32, #tpu.memory_space<vmem>>, vector<16xf32>,
      tpu.vector_store %arg22[%swap3A_39], %broadcast_in_dim3A_3 {strides = array<i32>} : memref<112xf32, #tpu.memory_space<vmem>>, vector<16xf32>,
      %swap3A_41 = arith.constant 48 : index
      %swap3A_42 = tpu.vector_load %arg23[%swap3A_41] {strides = array<i32>} : memref<112xf32, #tpu.memory_space<vmem>>, vector<16xf32>,
      tpu.vector_store %arg23[%swap3A_41], %broadcast_in_dim3A_3 {strides = array<i32>} : memref<112xf32, #tpu.memory_space<vmem>>, vector<16xf32>,
      %swap3A_43 = arith.constant 48 : index
      %swap3A_44 = tpu.vector_load %arg24[%swap3A_43] {strides = array<i32>} : memref<112xf32, #tpu.memory_space<vmem>>, vector<16xf32>,
      tpu.vector_store %arg24[%swap3A_43], %broadcast_in_dim3A_3 {strides = array<i32>} : memref<112xf32, #tpu.memory_space<vmem>>, vector<16xf32>,
      %swap3A_45 = arith.constant 48 : index
      %swap3A_46 = tpu.vector_load %arg25[%swap3A_45] {strides = array<i32>} : memref<112xf32, #tpu.memory_space<vmem>>, vector<16xf32>,
      tpu.vector_store %arg25[%swap3A_45], %broadcast_in_dim3A_3 {strides = array<i32>} : memref<112xf32, #tpu.memory_space<vmem>>, vector<16xf32>,
      %swap3A_47 = arith.constant 48 : index
      %swap3A_48 = tpu.vector_load %arg26[%swap3A_47] {strides = array<i32>} : memref<112xf32, #tpu.memory_space<vmem>>, vector<16xf32>,
      tpu.vector_store %arg26[%swap3A_47], %broadcast_in_dim3A_5 {strides = array<i32>} : memref<112xf32, #tpu.memory_space<vmem>>, vector<16xf32>,
      %swap3A_49 = arith.constant 64 : index
      %swap3A_50 = tpu.vector_load %arg22[%swap3A_49] {strides = array<i32>} : memref<112xf32, #tpu.memory_space<vmem>>, vector<16xf32>,
      tpu.vector_store %arg22[%swap3A_49], %broadcast_in_dim3A_3 {strides = array<i32>} : memref<112xf32, #tpu.memory_space<vmem>>, vector<16xf32>,
      %swap3A_51 = arith.constant 64 : index
      %swap3A_52 = tpu.vector_load %arg23[%swap3A_51] {strides = array<i32>} : memref<112xf32, #tpu.memory_space<vmem>>, vector<16xf32>,
      tpu.vector_store %arg23[%swap3A_51], %broadcast_in_dim3A_3 {strides = array<i32>} : memref<112xf32, #tpu.memory_space<vmem>>, vector<16xf32>,
      %swap3A_53 = arith.constant 64 : index
      %swap3A_54 = tpu.vector_load %arg24[%swap3A_53] {strides = array<i32>} : memref<112xf32, #tpu.memory_space<vmem>>, vector<16xf32>,
      tpu.vector_store %arg24[%swap3A_53], %broadcast_in_dim3A_3 {strides = array<i32>} : memref<112xf32, #tpu.memory_space<vmem>>, vector<16xf32>,
      %swap3A_55 = arith.constant 64 : index
      %swap3A_56 = tpu.vector_load %arg25[%swap3A_55] {strides = array<i32>} : memref<112xf32, #tpu.memory_space<vmem>>, vector<16xf32>,
      tpu.vector_store %arg25[%swap3A_55], %broadcast_in_dim3A_3 {strides = array<i32>} : memref<112xf32, #tpu.memory_space<vmem>>, vector<16xf32>,
      %swap3A_57 = arith.constant 64 : index
      %swap3A_58 = tpu.vector_load %arg26[%swap3A_57] {strides = array<i32>} : memref<112xf32, #tpu.memory_space<vmem>>, vector<16xf32>,
      tpu.vector_store %arg26[%swap3A_57], %broadcast_in_dim3A_5 {strides = array<i32>} : memref<112xf32, #tpu.memory_space<vmem>>, vector<16xf32>,
      %swap3A_59 = arith.constant 80 : index
      %swap3A_60 = tpu.vector_load %arg22[%swap3A_59] {strides = array<i32>} : memref<112xf32, #tpu.memory_space<vmem>>, vector<16xf32>,
      tpu.vector_store %arg22[%swap3A_59], %broadcast_in_dim3A_3 {strides = array<i32>} : memref<112xf32, #tpu.memory_space<vmem>>, vector<16xf32>,
      %swap3A_61 = arith.constant 80 : index
      %swap3A_62 = tpu.vector_load %arg23[%swap3A_61] {strides = array<i32>} : memref<112xf32, #tpu.memory_space<vmem>>, vector<16xf32>,
      tpu.vector_store %arg23[%swap3A_61], %broadcast_in_dim3A_3 {strides = array<i32>} : memref<112xf32, #tpu.memory_space<vmem>>, vector<16xf32>,
      %swap3A_63 = arith.constant 80 : index
      %swap3A_64 = tpu.vector_load %arg24[%swap3A_63] {strides = array<i32>} : memref<112xf32, #tpu.memory_space<vmem>>, vector<16xf32>,
      tpu.vector_store %arg24[%swap3A_63], %broadcast_in_dim3A_3 {strides = array<i32>} : memref<112xf32, #tpu.memory_space<vmem>>, vector<16xf32>,
      %swap3A_65 = arith.constant 80 : index
      %swap3A_66 = tpu.vector_load %arg25[%swap3A_65] {strides = array<i32>} : memref<112xf32, #tpu.memory_space<vmem>>, vector<16xf32>,
      tpu.vector_store %arg25[%swap3A_65], %broadcast_in_dim3A_3 {strides = array<i32>} : memref<112xf32, #tpu.memory_space<vmem>>, vector<16xf32>,
      %swap3A_67 = arith.constant 80 : index
      %swap3A_68 = tpu.vector_load %arg26[%swap3A_67] {strides = array<i32>} : memref<112xf32, #tpu.memory_space<vmem>>, vector<16xf32>,
      tpu.vector_store %arg26[%swap3A_67], %broadcast_in_dim3A_5 {strides = array<i32>} : memref<112xf32, #tpu.memory_space<vmem>>, vector<16xf32>,
      %swap3A_69 = arith.constant 96 : index
      %swap3A_70 = tpu.vector_load %arg22[%swap3A_69] {strides = array<i32>} : memref<112xf32, #tpu.memory_space<vmem>>, vector<16xf32>,
      tpu.vector_store %arg22[%swap3A_69], %broadcast_in_dim3A_3 {strides = array<i32>} : memref<112xf32, #tpu.memory_space<vmem>>, vector<16xf32>,
      %swap3A_71 = arith.constant 96 : index
      %swap3A_72 = tpu.vector_load %arg23[%swap3A_71] {strides = array<i32>} : memref<112xf32, #tpu.memory_space<vmem>>, vector<16xf32>,
      tpu.vector_store %arg23[%swap3A_71], %broadcast_in_dim3A_3 {strides = array<i32>} : memref<112xf32, #tpu.memory_space<vmem>>, vector<16xf32>,
      %swap3A_73 = arith.constant 96 : index
      %swap3A_74 = tpu.vector_load %arg24[%swap3A_73] {strides = array<i32>} : memref<112xf32, #tpu.memory_space<vmem>>, vector<16xf32>,
      tpu.vector_store %arg24[%swap3A_73], %broadcast_in_dim3A_3 {strides = array<i32>} : memref<112xf32, #tpu.memory_space<vmem>>, vector<16xf32>,
      %swap3A_75 = arith.constant 96 : index
      %swap3A_76 = tpu.vector_load %arg25[%swap3A_75] {strides = array<i32>} : memref<112xf32, #tpu.memory_space<vmem>>, vector<16xf32>,
      tpu.vector_store %arg25[%swap3A_75], %broadcast_in_dim3A_3 {strides = array<i32>} : memref<112xf32, #tpu.memory_space<vmem>>, vector<16xf32>,
      %swap3A_77 = arith.constant 96 : index
      %swap3A_78 = tpu.vector_load %arg26[%swap3A_77] {strides = array<i32>} : memref<112xf32, #tpu.memory_space<vmem>>, vector<16xf32>,
      tpu.vector_store %arg26[%swap3A_77], %broadcast_in_dim3A_5 {strides = array<i32>} : memref<112xf32, #tpu.memory_space<vmem>>, vector<16xf32>,
      %swap3A_79 = arith.constant 0 : index
      %swap3A_80 = tpu.vector_load %arg27[%swap3A_79] {strides = array<i32>} : memref<128xf32, #tpu.memory_space<vmem>>, vector<16xf32>,
      tpu.vector_store %arg27[%swap3A_79], %broadcast_in_dim3A_5 {strides = array<i32>} : memref<128xf32, #tpu.memory_space<vmem>>, vector<16xf32>,
      %broadcast_in_dim3A_81 = arith.constant -1 : i32
      %broadcast_in_dim3A_82 = vector.broadcast %broadcast_in_dim3A_81 : i32 to vector<16xi32>
      %swap3A_83 = arith.constant 0 : index
      %swap3A_84 = tpu.vector_load %arg28[%swap3A_83] {strides = array<i32>} : memref<128xi32, #tpu.memory_space<vmem>>, vector<16xi32>,
      tpu.vector_store %arg28[%swap3A_83], %broadcast_in_dim3A_82 {strides = array<i32>} : memref<128xi32, #tpu.memory_space<vmem>>, vector<16xi32>,
      %swap3A_85 = arith.constant 0 : index
      %swap3A_86 = tpu.vector_load %arg29[%swap3A_85] {strides = array<i32>} : memref<128xf32, #tpu.memory_space<vmem>>, vector<16xf32>,
      tpu.vector_store %arg29[%swap3A_85], %broadcast_in_dim3A_5 {strides = array<i32>} : memref<128xf32, #tpu.memory_space<vmem>>, vector<16xf32>,
      %swap3A_87 = arith.constant 0 : index
      %swap3A_88 = tpu.vector_load %arg30[%swap3A_87] {strides = array<i32>} : memref<128xf32, #tpu.memory_space<vmem>>, vector<16xf32>,
      tpu.vector_store %arg30[%swap3A_87], %broadcast_in_dim3A_5 {strides = array<i32>} : memref<128xf32, #tpu.memory_space<vmem>>, vector<16xf32>,
      %swap3A_89 = arith.constant 0 : index
      %swap3A_90 = tpu.vector_load %arg31[%swap3A_89] {strides = array<i32>} : memref<128xf32, #tpu.memory_space<vmem>>, vector<16xf32>,
      tpu.vector_store %arg31[%swap3A_89], %broadcast_in_dim3A_5 {strides = array<i32>} : memref<128xf32, #tpu.memory_space<vmem>>, vector<16xf32>,
      %swap3A_91 = arith.constant 0 : index
      %swap3A_92 = tpu.vector_load %arg32[%swap3A_91] {strides = array<i32>} : memref<128xf32, #tpu.memory_space<vmem>>, vector<16xf32>,
      tpu.vector_store %arg32[%swap3A_91], %broadcast_in_dim3A_5 {strides = array<i32>} : memref<128xf32, #tpu.memory_space<vmem>>, vector<16xf32>,
      %swap3A_93 = arith.constant 16 : index
      %swap3A_94 = tpu.vector_load %arg27[%swap3A_93] {strides = array<i32>} : memref<128xf32, #tpu.memory_space<vmem>>, vector<16xf32>,
      tpu.vector_store %arg27[%swap3A_93], %broadcast_in_dim3A_5 {strides = array<i32>} : memref<128xf32, #tpu.memory_space<vmem>>, vector<16xf32>,
      %broadcast_in_dim3A_95 = arith.constant -1 : i32
      %broadcast_in_dim3A_96 = vector.broadcast %broadcast_in_dim3A_95 : i32 to vector<16xi32>
      %swap3A_97 = arith.constant 16 : index
      %swap3A_98 = tpu.vector_load %arg28[%swap3A_97] {strides = array<i32>} : memref<128xi32, #tpu.memory_space<vmem>>, vector<16xi32>,
      tpu.vector_store %arg28[%swap3A_97], %broadcast_in_dim3A_96 {strides = array<i32>} : memref<128xi32, #tpu.memory_space<vmem>>, vector<16xi32>,
      %swap3A_99 = arith.constant 16 : index
      %swap3A_100 = tpu.vector_load %arg29[%swap3A_99] {strides = array<i32>} : memref<128xf32, #tpu.memory_space<vmem>>, vector<16xf32>,
      tpu.vector_store %arg29[%swap3A_99], %broadcast_in_dim3A_5 {strides = array<i32>} : memref<128xf32, #tpu.memory_space<vmem>>, vector<16xf32>,
      %swap3A_101 = arith.constant 16 : index
      %swap3A_102 = tpu.vector_load %arg30[%swap3A_101] {strides = array<i32>} : memref<128xf32, #tpu.memory_space<vmem>>, vector<16xf32>,
      tpu.vector_store %arg30[%swap3A_101], %broadcast_in_dim3A_5 {strides = array<i32>} : memref<128xf32, #tpu.memory_space<vmem>>, vector<16xf32>,
      %swap3A_103 = arith.constant 16 : index
      %swap3A_104 = tpu.vector_load %arg31[%swap3A_103] {strides = array<i32>} : memref<128xf32, #tpu.memory_space<vmem>>, vector<16xf32>,
      tpu.vector_store %arg31[%swap3A_103], %broadcast_in_dim3A_5 {strides = array<i32>} : memref<128xf32, #tpu.memory_space<vmem>>, vector<16xf32>,
      %swap3A_105 = arith.constant 16 : index
      %swap3A_106 = tpu.vector_load %arg32[%swap3A_105] {strides = array<i32>} : memref<128xf32, #tpu.memory_space<vmem>>, vector<16xf32>,
      tpu.vector_store %arg32[%swap3A_105], %broadcast_in_dim3A_5 {strides = array<i32>} : memref<128xf32, #tpu.memory_space<vmem>>, vector<16xf32>,
      %swap3A_107 = arith.constant 32 : index
      %swap3A_108 = tpu.vector_load %arg27[%swap3A_107] {strides = array<i32>} : memref<128xf32, #tpu.memory_space<vmem>>, vector<16xf32>,
      tpu.vector_store %arg27[%swap3A_107], %broadcast_in_dim3A_5 {strides = array<i32>} : memref<128xf32, #tpu.memory_space<vmem>>, vector<16xf32>,
      %broadcast_in_dim3A_109 = arith.constant -1 : i32
      %broadcast_in_dim3A_110 = vector.broadcast %broadcast_in_dim3A_109 : i32 to vector<16xi32>
      %swap3A_111 = arith.constant 32 : index
      %swap3A_112 = tpu.vector_load %arg28[%swap3A_111] {strides = array<i32>} : memref<128xi32, #tpu.memory_space<vmem>>, vector<16xi32>,
      tpu.vector_store %arg28[%swap3A_111], %broadcast_in_dim3A_110 {strides = array<i32>} : memref<128xi32, #tpu.memory_space<vmem>>, vector<16xi32>,
      %swap3A_113 = arith.constant 32 : index
      %swap3A_114 = tpu.vector_load %arg29[%swap3A_113] {strides = array<i32>} : memref<128xf32, #tpu.memory_space<vmem>>, vector<16xf32>,
      tpu.vector_store %arg29[%swap3A_113], %broadcast_in_dim3A_5 {strides = array<i32>} : memref<128xf32, #tpu.memory_space<vmem>>, vector<16xf32>,
      %swap3A_115 = arith.constant 32 : index
      %swap3A_116 = tpu.vector_load %arg30[%swap3A_115] {strides = array<i32>} : memref<128xf32, #tpu.memory_space<vmem>>, vector<16xf32>,
      tpu.vector_store %arg30[%swap3A_115], %broadcast_in_dim3A_5 {strides = array<i32>} : memref<128xf32, #tpu.memory_space<vmem>>, vector<16xf32>,
      %swap3A_117 = arith.constant 32 : index
      %swap3A_118 = tpu.vector_load %arg31[%swap3A_117] {strides = array<i32>} : memref<128xf32, #tpu.memory_space<vmem>>, vector<16xf32>,
      tpu.vector_store %arg31[%swap3A_117], %broadcast_in_dim3A_5 {strides = array<i32>} : memref<128xf32, #tpu.memory_space<vmem>>, vector<16xf32>,
      %swap3A_119 = arith.constant 32 : index
      %swap3A_120 = tpu.vector_load %arg32[%swap3A_119] {strides = array<i32>} : memref<128xf32, #tpu.memory_space<vmem>>, vector<16xf32>,
      tpu.vector_store %arg32[%swap3A_119], %broadcast_in_dim3A_5 {strides = array<i32>} : memref<128xf32, #tpu.memory_space<vmem>>, vector<16xf32>,
      %swap3A_121 = arith.constant 48 : index
      %swap3A_122 = tpu.vector_load %arg27[%swap3A_121] {strides = array<i32>} : memref<128xf32, #tpu.memory_space<vmem>>, vector<16xf32>,
      tpu.vector_store %arg27[%swap3A_121], %broadcast_in_dim3A_5 {strides = array<i32>} : memref<128xf32, #tpu.memory_space<vmem>>, vector<16xf32>,
      %broadcast_in_dim3A_123 = arith.constant -1 : i32
      %broadcast_in_dim3A_124 = vector.broadcast %broadcast_in_dim3A_123 : i32 to vector<16xi32>
      %swap3A_125 = arith.constant 48 : index
      %swap3A_126 = tpu.vector_load %arg28[%swap3A_125] {strides = array<i32>} : memref<128xi32, #tpu.memory_space<vmem>>, vector<16xi32>,
      tpu.vector_store %arg28[%swap3A_125], %broadcast_in_dim3A_124 {strides = array<i32>} : memref<128xi32, #tpu.memory_space<vmem>>, vector<16xi32>,
      %swap3A_127 = arith.constant 48 : index
      %swap3A_128 = tpu.vector_load %arg29[%swap3A_127] {strides = array<i32>} : memref<128xf32, #tpu.memory_space<vmem>>, vector<16xf32>,
      tpu.vector_store %arg29[%swap3A_127], %broadcast_in_dim3A_5 {strides = array<i32>} : memref<128xf32, #tpu.memory_space<vmem>>, vector<16xf32>,
      %swap3A_129 = arith.constant 48 : index
      %swap3A_130 = tpu.vector_load %arg30[%swap3A_129] {strides = array<i32>} : memref<128xf32, #tpu.memory_space<vmem>>, vector<16xf32>,
      tpu.vector_store %arg30[%swap3A_129], %broadcast_in_dim3A_5 {strides = array<i32>} : memref<128xf32, #tpu.memory_space<vmem>>, vector<16xf32>,
      %swap3A_131 = arith.constant 48 : index
      %swap3A_132 = tpu.vector_load %arg31[%swap3A_131] {strides = array<i32>} : memref<128xf32, #tpu.memory_space<vmem>>, vector<16xf32>,
      tpu.vector_store %arg31[%swap3A_131], %broadcast_in_dim3A_5 {strides = array<i32>} : memref<128xf32, #tpu.memory_space<vmem>>, vector<16xf32>,
      %swap3A_133 = arith.constant 48 : index
      %swap3A_134 = tpu.vector_load %arg32[%swap3A_133] {strides = array<i32>} : memref<128xf32, #tpu.memory_space<vmem>>, vector<16xf32>,
      tpu.vector_store %arg32[%swap3A_133], %broadcast_in_dim3A_5 {strides = array<i32>} : memref<128xf32, #tpu.memory_space<vmem>>, vector<16xf32>,
      %swap3A_135 = arith.constant 64 : index
      %swap3A_136 = tpu.vector_load %arg27[%swap3A_135] {strides = array<i32>} : memref<128xf32, #tpu.memory_space<vmem>>, vector<16xf32>,
      tpu.vector_store %arg27[%swap3A_135], %broadcast_in_dim3A_5 {strides = array<i32>} : memref<128xf32, #tpu.memory_space<vmem>>, vector<16xf32>,
      %broadcast_in_dim3A_137 = arith.constant -1 : i32
      %broadcast_in_dim3A_138 = vector.broadcast %broadcast_in_dim3A_137 : i32 to vector<16xi32>
      %swap3A_139 = arith.constant 64 : index
      %swap3A_140 = tpu.vector_load %arg28[%swap3A_139] {strides = array<i32>} : memref<128xi32, #tpu.memory_space<vmem>>, vector<16xi32>,
      tpu.vector_store %arg28[%swap3A_139], %broadcast_in_dim3A_138 {strides = array<i32>} : memref<128xi32, #tpu.memory_space<vmem>>, vector<16xi32>,
      %swap3A_141 = arith.constant 64 : index
      %swap3A_142 = tpu.vector_load %arg29[%swap3A_141] {strides = array<i32>} : memref<128xf32, #tpu.memory_space<vmem>>, vector<16xf32>,
      tpu.vector_store %arg29[%swap3A_141], %broadcast_in_dim3A_5 {strides = array<i32>} : memref<128xf32, #tpu.memory_space<vmem>>, vector<16xf32>,
      %swap3A_143 = arith.constant 64 : index
      %swap3A_144 = tpu.vector_load %arg30[%swap3A_143] {strides = array<i32>} : memref<128xf32, #tpu.memory_space<vmem>>, vector<16xf32>,
      tpu.vector_store %arg30[%swap3A_143], %broadcast_in_dim3A_5 {strides = array<i32>} : memref<128xf32, #tpu.memory_space<vmem>>, vector<16xf32>,
      %swap3A_145 = arith.constant 64 : index
      %swap3A_146 = tpu.vector_load %arg31[%swap3A_145] {strides = array<i32>} : memref<128xf32, #tpu.memory_space<vmem>>, vector<16xf32>,
      tpu.vector_store %arg31[%swap3A_145], %broadcast_in_dim3A_5 {strides = array<i32>} : memref<128xf32, #tpu.memory_space<vmem>>, vector<16xf32>,
      %swap3A_147 = arith.constant 64 : index
      %swap3A_148 = tpu.vector_load %arg32[%swap3A_147] {strides = array<i32>} : memref<128xf32, #tpu.memory_space<vmem>>, vector<16xf32>,
      tpu.vector_store %arg32[%swap3A_147], %broadcast_in_dim3A_5 {strides = array<i32>} : memref<128xf32, #tpu.memory_space<vmem>>, vector<16xf32>,
      %swap3A_149 = arith.constant 80 : index
      %swap3A_150 = tpu.vector_load %arg27[%swap3A_149] {strides = array<i32>} : memref<128xf32, #tpu.memory_space<vmem>>, vector<16xf32>,
      tpu.vector_store %arg27[%swap3A_149], %broadcast_in_dim3A_5 {strides = array<i32>} : memref<128xf32, #tpu.memory_space<vmem>>, vector<16xf32>,
      %broadcast_in_dim3A_151 = arith.constant -1 : i32
      %broadcast_in_dim3A_152 = vector.broadcast %broadcast_in_dim3A_151 : i32 to vector<16xi32>
      %swap3A_153 = arith.constant 80 : index
      %swap3A_154 = tpu.vector_load %arg28[%swap3A_153] {strides = array<i32>} : memref<128xi32, #tpu.memory_space<vmem>>, vector<16xi32>,
      tpu.vector_store %arg28[%swap3A_153], %broadcast_in_dim3A_152 {strides = array<i32>} : memref<128xi32, #tpu.memory_space<vmem>>, vector<16xi32>,
      %swap3A_155 = arith.constant 80 : index
      %swap3A_156 = tpu.vector_load %arg29[%swap3A_155] {strides = array<i32>} : memref<128xf32, #tpu.memory_space<vmem>>, vector<16xf32>,
      tpu.vector_store %arg29[%swap3A_155], %broadcast_in_dim3A_5 {strides = array<i32>} : memref<128xf32, #tpu.memory_space<vmem>>, vector<16xf32>,
      %swap3A_157 = arith.constant 80 : index
      %swap3A_158 = tpu.vector_load %arg30[%swap3A_157] {strides = array<i32>} : memref<128xf32, #tpu.memory_space<vmem>>, vector<16xf32>,
      tpu.vector_store %arg30[%swap3A_157], %broadcast_in_dim3A_5 {strides = array<i32>} : memref<128xf32, #tpu.memory_space<vmem>>, vector<16xf32>,
      %swap3A_159 = arith.constant 80 : index
      %swap3A_160 = tpu.vector_load %arg31[%swap3A_159] {strides = array<i32>} : memref<128xf32, #tpu.memory_space<vmem>>, vector<16xf32>,
      tpu.vector_store %arg31[%swap3A_159], %broadcast_in_dim3A_5 {strides = array<i32>} : memref<128xf32, #tpu.memory_space<vmem>>, vector<16xf32>,
      %swap3A_161 = arith.constant 80 : index
      %swap3A_162 = tpu.vector_load %arg32[%swap3A_161] {strides = array<i32>} : memref<128xf32, #tpu.memory_space<vmem>>, vector<16xf32>,
      tpu.vector_store %arg32[%swap3A_161], %broadcast_in_dim3A_5 {strides = array<i32>} : memref<128xf32, #tpu.memory_space<vmem>>, vector<16xf32>,
      %swap3A_163 = arith.constant 96 : index
      %swap3A_164 = tpu.vector_load %arg27[%swap3A_163] {strides = array<i32>} : memref<128xf32, #tpu.memory_space<vmem>>, vector<16xf32>,
      tpu.vector_store %arg27[%swap3A_163], %broadcast_in_dim3A_5 {strides = array<i32>} : memref<128xf32, #tpu.memory_space<vmem>>, vector<16xf32>,
      %broadcast_in_dim3A_165 = arith.constant -1 : i32
      %broadcast_in_dim3A_166 = vector.broadcast %broadcast_in_dim3A_165 : i32 to vector<16xi32>
      %swap3A_167 = arith.constant 96 : index
      %swap3A_168 = tpu.vector_load %arg28[%swap3A_167] {strides = array<i32>} : memref<128xi32, #tpu.memory_space<vmem>>, vector<16xi32>,
      tpu.vector_store %arg28[%swap3A_167], %broadcast_in_dim3A_166 {strides = array<i32>} : memref<128xi32, #tpu.memory_space<vmem>>, vector<16xi32>,
      %swap3A_169 = arith.constant 96 : index
      %swap3A_170 = tpu.vector_load %arg29[%swap3A_169] {strides = array<i32>} : memref<128xf32, #tpu.memory_space<vmem>>, vector<16xf32>,
      tpu.vector_store %arg29[%swap3A_169], %broadcast_in_dim3A_5 {strides = array<i32>} : memref<128xf32, #tpu.memory_space<vmem>>, vector<16xf32>,
      %swap3A_171 = arith.constant 96 : index
      %swap3A_172 = tpu.vector_load %arg30[%swap3A_171] {strides = array<i32>} : memref<128xf32, #tpu.memory_space<vmem>>, vector<16xf32>,
      tpu.vector_store %arg30[%swap3A_171], %broadcast_in_dim3A_5 {strides = array<i32>} : memref<128xf32, #tpu.memory_space<vmem>>, vector<16xf32>,
      %swap3A_173 = arith.constant 96 : index
      %swap3A_174 = tpu.vector_load %arg31[%swap3A_173] {strides = array<i32>} : memref<128xf32, #tpu.memory_space<vmem>>, vector<16xf32>,
      tpu.vector_store %arg31[%swap3A_173], %broadcast_in_dim3A_5 {strides = array<i32>} : memref<128xf32, #tpu.memory_space<vmem>>, vector<16xf32>,
      %swap3A_175 = arith.constant 96 : index
      %swap3A_176 = tpu.vector_load %arg32[%swap3A_175] {strides = array<i32>} : memref<128xf32, #tpu.memory_space<vmem>>, vector<16xf32>,
      tpu.vector_store %arg32[%swap3A_175], %broadcast_in_dim3A_5 {strides = array<i32>} : memref<128xf32, #tpu.memory_space<vmem>>, vector<16xf32>,
      %swap3A_177 = arith.constant 112 : index
      %swap3A_178 = tpu.vector_load %arg27[%swap3A_177] {strides = array<i32>} : memref<128xf32, #tpu.memory_space<vmem>>, vector<16xf32>,
      tpu.vector_store %arg27[%swap3A_177], %broadcast_in_dim3A_5 {strides = array<i32>} : memref<128xf32, #tpu.memory_space<vmem>>, vector<16xf32>,
      %broadcast_in_dim3A_179 = arith.constant -1 : i32
      %broadcast_in_dim3A_180 = vector.broadcast %broadcast_in_dim3A_179 : i32 to vector<16xi32>
      %swap3A_181 = arith.constant 112 : index
      %swap3A_182 = tpu.vector_load %arg28[%swap3A_181] {strides = array<i32>} : memref<128xi32, #tpu.memory_space<vmem>>, vector<16xi32>,
      tpu.vector_store %arg28[%swap3A_181], %broadcast_in_dim3A_180 {strides = array<i32>} : memref<128xi32, #tpu.memory_space<vmem>>, vector<16xi32>,
      %swap3A_183 = arith.constant 112 : index
      %swap3A_184 = tpu.vector_load %arg29[%swap3A_183] {strides = array<i32>} : memref<128xf32, #tpu.memory_space<vmem>>, vector<16xf32>,
      tpu.vector_store %arg29[%swap3A_183], %broadcast_in_dim3A_5 {strides = array<i32>} : memref<128xf32, #tpu.memory_space<vmem>>, vector<16xf32>,
      %swap3A_185 = arith.constant 112 : index
      %swap3A_186 = tpu.vector_load %arg30[%swap3A_185] {strides = array<i32>} : memref<128xf32, #tpu.memory_space<vmem>>, vector<16xf32>,
      tpu.vector_store %arg30[%swap3A_185], %broadcast_in_dim3A_5 {strides = array<i32>} : memref<128xf32, #tpu.memory_space<vmem>>, vector<16xf32>,
      %swap3A_187 = arith.constant 112 : index
      %swap3A_188 = tpu.vector_load %arg31[%swap3A_187] {strides = array<i32>} : memref<128xf32, #tpu.memory_space<vmem>>, vector<16xf32>,
      tpu.vector_store %arg31[%swap3A_187], %broadcast_in_dim3A_5 {strides = array<i32>} : memref<128xf32, #tpu.memory_space<vmem>>, vector<16xf32>,
      %swap3A_189 = arith.constant 112 : index
      %swap3A_190 = tpu.vector_load %arg32[%swap3A_189] {strides = array<i32>} : memref<128xf32, #tpu.memory_space<vmem>>, vector<16xf32>,
      tpu.vector_store %arg32[%swap3A_189], %broadcast_in_dim3A_5 {strides = array<i32>} : memref<128xf32, #tpu.memory_space<vmem>>, vector<16xf32>,
      %swap3A_191 = arith.constant 704 : index
      %swap3A_192 = tpu.vector_load %arg20[%swap3A_191] {strides = array<i32>} : memref<768xf32, #tpu.memory_space<vmem>>, vector<16xf32>,
      tpu.vector_store %arg20[%swap3A_191], %broadcast_in_dim3A_7 {strides = array<i32>} : memref<768xf32, #tpu.memory_space<vmem>>, vector<16xf32>,
      %swap3A_193 = arith.constant 720 : index
      %swap3A_194 = tpu.vector_load %arg20[%swap3A_193] {strides = array<i32>} : memref<768xf32, #tpu.memory_space<vmem>>, vector<16xf32>,
      tpu.vector_store %arg20[%swap3A_193], %broadcast_in_dim3A_7 {strides = array<i32>} : memref<768xf32, #tpu.memory_space<vmem>>, vector<16xf32>,
      %swap3A_195 = arith.constant 736 : index
      %swap3A_196 = tpu.vector_load %arg20[%swap3A_195] {strides = array<i32>} : memref<768xf32, #tpu.memory_space<vmem>>, vector<16xf32>,
      tpu.vector_store %arg20[%swap3A_195], %broadcast_in_dim3A_7 {strides = array<i32>} : memref<768xf32, #tpu.memory_space<vmem>>, vector<16xf32>,
      %swap3A_197 = arith.constant 752 : index
      %swap3A_198 = tpu.vector_load %arg20[%swap3A_197] {strides = array<i32>} : memref<768xf32, #tpu.memory_space<vmem>>, vector<16xf32>,
      tpu.vector_store %arg20[%swap3A_197], %broadcast_in_dim3A_7 {strides = array<i32>} : memref<768xf32, #tpu.memory_space<vmem>>, vector<16xf32>,
      %scan3A = arith.constant 0 : i32
      %scan3A_199 = arith.constant 0 : i32
      %scan3A_200 = arith.constant 704 : i32
      %scan3A_201 = arith.addi %scan3A_199, %scan3A_200 : i32
      %scan3A_202 = arith.constant 8 : i32
      %scan3A_203 = scf.for %scan3A_422 = %scan3A_199 to %scan3A_201 step %scan3A_202 iter_args(%scan3A_423 = %scan3A) -> (i32)  : i32 {
        %jit3A_424 = arith.constant 8 : i32
        %div3A_425 = arith.divsi %scan3A_422, %jit3A_424 : i32
        %sign3A_426 = arith.constant 0 : i32
        %sign3A_427 = arith.cmpi sgt, %scan3A_422, %sign3A_426 : i32
        %sign3A_428 = arith.extui %sign3A_427 : i1 to i32
        %sign3A_429 = arith.constant 0 : i32
        %sign3A_430 = arith.cmpi slt, %scan3A_422, %sign3A_429 : i32
        %sign3A_431 = arith.extui %sign3A_430 : i1 to i32
        %sign3A_432 = arith.subi %sign3A_428, %sign3A_431 : i32
        %sign3A_433 = arith.constant 0 : i32
        %sign3A_434 = arith.cmpi sgt, %jit3A_424, %sign3A_433 : i32
        %sign3A_435 = arith.extui %sign3A_434 : i1 to i32
        %sign3A_436 = arith.constant 0 : i32
        %sign3A_437 = arith.cmpi slt, %jit3A_424, %sign3A_436 : i32
        %sign3A_438 = arith.extui %sign3A_437 : i1 to i32
        %sign3A_439 = arith.subi %sign3A_435, %sign3A_438 : i32
        %ne3A_440 = arith.cmpi ne, %sign3A_432, %sign3A_439 : i32
        %rem3A_441 = arith.remsi %scan3A_422, %jit3A_424 : i32
        %ne3A_442 = arith.constant 0 : i32
        %ne3A_443 = arith.cmpi ne, %rem3A_441, %ne3A_442 : i32
        %and3A_444 = arith.andi %ne3A_440, %ne3A_443 : i1
        %sub3A_445 = arith.constant 1 : i32
        %sub3A_446 = arith.subi %div3A_425, %sub3A_445 : i32
        %select_n3A_447 = arith.select %and3A_444, %sub3A_446, %div3A_425 : i32
        %jit3A_448 = arith.constant 8 : i32
        %eq3A_449 = arith.constant 0 : i32
        %eq3A_450 = arith.cmpi eq, %jit3A_448, %eq3A_449 : i32
        %jit3A_451 = arith.constant 1 : i32
        %select_n3A_452 = arith.select %eq3A_450, %jit3A_451, %jit3A_448 : i32
        %rem3A_453 = arith.remsi %scan3A_422, %select_n3A_452 : i32
        %ne3A_454 = arith.constant 0 : i32
        %ne3A_455 = arith.cmpi ne, %rem3A_453, %ne3A_454 : i32
        %lt3A_456 = arith.constant 0 : i32
        %lt3A_457 = arith.cmpi slt, %rem3A_453, %lt3A_456 : i32
        %lt3A_458 = arith.constant 0 : i32
        %lt3A_459 = arith.cmpi slt, %select_n3A_452, %lt3A_458 : i32
        %ne3A_460 = arith.xori %lt3A_457, %lt3A_459 : i1
        %and3A_461 = arith.andi %ne3A_460, %ne3A_455 : i1
        %add3A_462 = arith.addi %rem3A_453, %select_n3A_452 : i32
        %select_n3A_463 = arith.select %and3A_461, %add3A_462, %rem3A_453 : i32
        %mul3A_464 = arith.constant 16 : i32
        %mul3A_465 = arith.muli %select_n3A_463, %mul3A_464 : i32
        %multiple_of3A_466 = tpu.assume_multiple %mul3A_465, 16 : i32
        %get3A_467 = arith.index_cast %select_n3A_447 : i32 to index
        %get3A_468 = arith.index_cast %multiple_of3A_466 : i32 to index
        %get3A_469 = tpu.vector_load %arg18[%get3A_467, %get3A_468] {strides = array<i32>} : memref<88x128xf32, #tpu.memory_space<vmem>>, vector<16xf32>,
        %reduce_max3A_470 = arith.constant true
        %reduce_max3A_471 = vector.broadcast %reduce_max3A_470 : i1 to vector<16xi1>
        %reduce_max3A_472 = tpu.scan <max>, %get3A_469 masked %reduce_max3A_471 : vector<16xf32>, vector<16xi1> -> vector<16xf32>
        %reduce_max3A_473 = vector.extract %reduce_max3A_472[15] : f32 from vector<16xf32>
        %broadcast_in_dim3A_474 = vector.broadcast %reduce_max3A_473 : f32 to vector<16xf32>
        %broadcast_in_dim3A_475 = vector.broadcast %scan3A_422 : i32 to vector<16xi32>
        tpu.vector_store_idx %arg20[%broadcast_in_dim3A_475], %broadcast_in_dim3A_474 masked %eq3A_9 : memref<768xf32, #tpu.memory_space<vmem>>[vector<16xi32>], vector<16xf32>, vector<16xi1>
        %scan3A_476 = arith.constant 0 : i32
        %scan3A_477 = arith.constant 1 : i32
        %scan3A_478 = arith.addi %scan3A_422, %scan3A_477 : i32
        %jit3A_479 = arith.constant 8 : i32
        %div3A_480 = arith.divsi %scan3A_478, %jit3A_479 : i32
        %sign3A_481 = arith.constant 0 : i32
        %sign3A_482 = arith.cmpi sgt, %scan3A_478, %sign3A_481 : i32
        %sign3A_483 = arith.extui %sign3A_482 : i1 to i32
        %sign3A_484 = arith.constant 0 : i32
        %sign3A_485 = arith.cmpi slt, %scan3A_478, %sign3A_484 : i32
        %sign3A_486 = arith.extui %sign3A_485 : i1 to i32
        %sign3A_487 = arith.subi %sign3A_483, %sign3A_486 : i32
        %sign3A_488 = arith.constant 0 : i32
        %sign3A_489 = arith.cmpi sgt, %jit3A_479, %sign3A_488 : i32
        %sign3A_490 = arith.extui %sign3A_489 : i1 to i32
        %sign3A_491 = arith.constant 0 : i32
        %sign3A_492 = arith.cmpi slt, %jit3A_479, %sign3A_491 : i32
        %sign3A_493 = arith.extui %sign3A_492 : i1 to i32
        %sign3A_494 = arith.subi %sign3A_490, %sign3A_493 : i32
        %ne3A_495 = arith.cmpi ne, %sign3A_487, %sign3A_494 : i32
        %rem3A_496 = arith.remsi %scan3A_478, %jit3A_479 : i32
        %ne3A_497 = arith.constant 0 : i32
        %ne3A_498 = arith.cmpi ne, %rem3A_496, %ne3A_497 : i32
        %and3A_499 = arith.andi %ne3A_495, %ne3A_498 : i1
        %sub3A_500 = arith.constant 1 : i32
        %sub3A_501 = arith.subi %div3A_480, %sub3A_500 : i32
        %select_n3A_502 = arith.select %and3A_499, %sub3A_501, %div3A_480 : i32
        %jit3A_503 = arith.constant 8 : i32
        %eq3A_504 = arith.constant 0 : i32
        %eq3A_505 = arith.cmpi eq, %jit3A_503, %eq3A_504 : i32
        %jit3A_506 = arith.constant 1 : i32
        %select_n3A_507 = arith.select %eq3A_505, %jit3A_506, %jit3A_503 : i32
        %rem3A_508 = arith.remsi %scan3A_478, %select_n3A_507 : i32
        %ne3A_509 = arith.constant 0 : i32
        %ne3A_510 = arith.cmpi ne, %rem3A_508, %ne3A_509 : i32
        %lt3A_511 = arith.constant 0 : i32
        %lt3A_512 = arith.cmpi slt, %rem3A_508, %lt3A_511 : i32
        %lt3A_513 = arith.constant 0 : i32
        %lt3A_514 = arith.cmpi slt, %select_n3A_507, %lt3A_513 : i32
        %ne3A_515 = arith.xori %lt3A_512, %lt3A_514 : i1
        %and3A_516 = arith.andi %ne3A_515, %ne3A_510 : i1
        %add3A_517 = arith.addi %rem3A_508, %select_n3A_507 : i32
        %select_n3A_518 = arith.select %and3A_516, %add3A_517, %rem3A_508 : i32
        %mul3A_519 = arith.constant 16 : i32
        %mul3A_520 = arith.muli %select_n3A_518, %mul3A_519 : i32
        %multiple_of3A_521 = tpu.assume_multiple %mul3A_520, 16 : i32
        %get3A_522 = arith.index_cast %select_n3A_502 : i32 to index
        %get3A_523 = arith.index_cast %multiple_of3A_521 : i32 to index
        %get3A_524 = tpu.vector_load %arg18[%get3A_522, %get3A_523] {strides = array<i32>} : memref<88x128xf32, #tpu.memory_space<vmem>>, vector<16xf32>,
        %reduce_max3A_525 = arith.constant true
        %reduce_max3A_526 = vector.broadcast %reduce_max3A_525 : i1 to vector<16xi1>
        %reduce_max3A_527 = tpu.scan <max>, %get3A_524 masked %reduce_max3A_526 : vector<16xf32>, vector<16xi1> -> vector<16xf32>
        %reduce_max3A_528 = vector.extract %reduce_max3A_527[15] : f32 from vector<16xf32>
        %broadcast_in_dim3A_529 = vector.broadcast %reduce_max3A_528 : f32 to vector<16xf32>
        %broadcast_in_dim3A_530 = vector.broadcast %scan3A_478 : i32 to vector<16xi32>
        tpu.vector_store_idx %arg20[%broadcast_in_dim3A_530], %broadcast_in_dim3A_529 masked %eq3A_9 : memref<768xf32, #tpu.memory_space<vmem>>[vector<16xi32>], vector<16xf32>, vector<16xi1>
        %scan3A_531 = arith.constant 0 : i32
        %scan3A_532 = arith.constant 2 : i32
        %scan3A_533 = arith.addi %scan3A_422, %scan3A_532 : i32
        %jit3A_534 = arith.constant 8 : i32
        %div3A_535 = arith.divsi %scan3A_533, %jit3A_534 : i32
        %sign3A_536 = arith.constant 0 : i32
        %sign3A_537 = arith.cmpi sgt, %scan3A_533, %sign3A_536 : i32
        %sign3A_538 = arith.extui %sign3A_537 : i1 to i32
        %sign3A_539 = arith.constant 0 : i32
        %sign3A_540 = arith.cmpi slt, %scan3A_533, %sign3A_539 : i32
        %sign3A_541 = arith.extui %sign3A_540 : i1 to i32
        %sign3A_542 = arith.subi %sign3A_538, %sign3A_541 : i32
        %sign3A_543 = arith.constant 0 : i32
        %sign3A_544 = arith.cmpi sgt, %jit3A_534, %sign3A_543 : i32
        %sign3A_545 = arith.extui %sign3A_544 : i1 to i32
        %sign3A_546 = arith.constant 0 : i32
        %sign3A_547 = arith.cmpi slt, %jit3A_534, %sign3A_546 : i32
        %sign3A_548 = arith.extui %sign3A_547 : i1 to i32
        %sign3A_549 = arith.subi %sign3A_545, %sign3A_548 : i32
        %ne3A_550 = arith.cmpi ne, %sign3A_542, %sign3A_549 : i32
        %rem3A_551 = arith.remsi %scan3A_533, %jit3A_534 : i32
        %ne3A_552 = arith.constant 0 : i32
        %ne3A_553 = arith.cmpi ne, %rem3A_551, %ne3A_552 : i32
        %and3A_554 = arith.andi %ne3A_550, %ne3A_553 : i1
        %sub3A_555 = arith.constant 1 : i32
        %sub3A_556 = arith.subi %div3A_535, %sub3A_555 : i32
        %select_n3A_557 = arith.select %and3A_554, %sub3A_556, %div3A_535 : i32
        %jit3A_558 = arith.constant 8 : i32
        %eq3A_559 = arith.constant 0 : i32
        %eq3A_560 = arith.cmpi eq, %jit3A_558, %eq3A_559 : i32
        %jit3A_561 = arith.constant 1 : i32
        %select_n3A_562 = arith.select %eq3A_560, %jit3A_561, %jit3A_558 : i32
        %rem3A_563 = arith.remsi %scan3A_533, %select_n3A_562 : i32
        %ne3A_564 = arith.constant 0 : i32
        %ne3A_565 = arith.cmpi ne, %rem3A_563, %ne3A_564 : i32
        %lt3A_566 = arith.constant 0 : i32
        %lt3A_567 = arith.cmpi slt, %rem3A_563, %lt3A_566 : i32
        %lt3A_568 = arith.constant 0 : i32
        %lt3A_569 = arith.cmpi slt, %select_n3A_562, %lt3A_568 : i32
        %ne3A_570 = arith.xori %lt3A_567, %lt3A_569 : i1
        %and3A_571 = arith.andi %ne3A_570, %ne3A_565 : i1
        %add3A_572 = arith.addi %rem3A_563, %select_n3A_562 : i32
        %select_n3A_573 = arith.select %and3A_571, %add3A_572, %rem3A_563 : i32
        %mul3A_574 = arith.constant 16 : i32
        %mul3A_575 = arith.muli %select_n3A_573, %mul3A_574 : i32
        %multiple_of3A_576 = tpu.assume_multiple %mul3A_575, 16 : i32
        %get3A_577 = arith.index_cast %select_n3A_557 : i32 to index
        %get3A_578 = arith.index_cast %multiple_of3A_576 : i32 to index
        %get3A_579 = tpu.vector_load %arg18[%get3A_577, %get3A_578] {strides = array<i32>} : memref<88x128xf32, #tpu.memory_space<vmem>>, vector<16xf32>,
        %reduce_max3A_580 = arith.constant true
        %reduce_max3A_581 = vector.broadcast %reduce_max3A_580 : i1 to vector<16xi1>
        %reduce_max3A_582 = tpu.scan <max>, %get3A_579 masked %reduce_max3A_581 : vector<16xf32>, vector<16xi1> -> vector<16xf32>
        %reduce_max3A_583 = vector.extract %reduce_max3A_582[15] : f32 from vector<16xf32>
        %broadcast_in_dim3A_584 = vector.broadcast %reduce_max3A_583 : f32 to vector<16xf32>
        %broadcast_in_dim3A_585 = vector.broadcast %scan3A_533 : i32 to vector<16xi32>
        tpu.vector_store_idx %arg20[%broadcast_in_dim3A_585], %broadcast_in_dim3A_584 masked %eq3A_9 : memref<768xf32, #tpu.memory_space<vmem>>[vector<16xi32>], vector<16xf32>, vector<16xi1>
        %scan3A_586 = arith.constant 0 : i32
        %scan3A_587 = arith.constant 3 : i32
        %scan3A_588 = arith.addi %scan3A_422, %scan3A_587 : i32
        %jit3A_589 = arith.constant 8 : i32
        %div3A_590 = arith.divsi %scan3A_588, %jit3A_589 : i32
        %sign3A_591 = arith.constant 0 : i32
        %sign3A_592 = arith.cmpi sgt, %scan3A_588, %sign3A_591 : i32
        %sign3A_593 = arith.extui %sign3A_592 : i1 to i32
        %sign3A_594 = arith.constant 0 : i32
        %sign3A_595 = arith.cmpi slt, %scan3A_588, %sign3A_594 : i32
        %sign3A_596 = arith.extui %sign3A_595 : i1 to i32
        %sign3A_597 = arith.subi %sign3A_593, %sign3A_596 : i32
        %sign3A_598 = arith.constant 0 : i32
        %sign3A_599 = arith.cmpi sgt, %jit3A_589, %sign3A_598 : i32
        %sign3A_600 = arith.extui %sign3A_599 : i1 to i32
        %sign3A_601 = arith.constant 0 : i32
        %sign3A_602 = arith.cmpi slt, %jit3A_589, %sign3A_601 : i32
        %sign3A_603 = arith.extui %sign3A_602 : i1 to i32
        %sign3A_604 = arith.subi %sign3A_600, %sign3A_603 : i32
        %ne3A_605 = arith.cmpi ne, %sign3A_597, %sign3A_604 : i32
        %rem3A_606 = arith.remsi %scan3A_588, %jit3A_589 : i32
        %ne3A_607 = arith.constant 0 : i32
        %ne3A_608 = arith.cmpi ne, %rem3A_606, %ne3A_607 : i32
        %and3A_609 = arith.andi %ne3A_605, %ne3A_608 : i1
        %sub3A_610 = arith.constant 1 : i32
        %sub3A_611 = arith.subi %div3A_590, %sub3A_610 : i32
        %select_n3A_612 = arith.select %and3A_609, %sub3A_611, %div3A_590 : i32
        %jit3A_613 = arith.constant 8 : i32
        %eq3A_614 = arith.constant 0 : i32
        %eq3A_615 = arith.cmpi eq, %jit3A_613, %eq3A_614 : i32
        %jit3A_616 = arith.constant 1 : i32
        %select_n3A_617 = arith.select %eq3A_615, %jit3A_616, %jit3A_613 : i32
        %rem3A_618 = arith.remsi %scan3A_588, %select_n3A_617 : i32
        %ne3A_619 = arith.constant 0 : i32
        %ne3A_620 = arith.cmpi ne, %rem3A_618, %ne3A_619 : i32
        %lt3A_621 = arith.constant 0 : i32
        %lt3A_622 = arith.cmpi slt, %rem3A_618, %lt3A_621 : i32
        %lt3A_623 = arith.constant 0 : i32
        %lt3A_624 = arith.cmpi slt, %select_n3A_617, %lt3A_623 : i32
        %ne3A_625 = arith.xori %lt3A_622, %lt3A_624 : i1
        %and3A_626 = arith.andi %ne3A_625, %ne3A_620 : i1
        %add3A_627 = arith.addi %rem3A_618, %select_n3A_617 : i32
        %select_n3A_628 = arith.select %and3A_626, %add3A_627, %rem3A_618 : i32
        %mul3A_629 = arith.constant 16 : i32
        %mul3A_630 = arith.muli %select_n3A_628, %mul3A_629 : i32
        %multiple_of3A_631 = tpu.assume_multiple %mul3A_630, 16 : i32
        %get3A_632 = arith.index_cast %select_n3A_612 : i32 to index
        %get3A_633 = arith.index_cast %multiple_of3A_631 : i32 to index
        %get3A_634 = tpu.vector_load %arg18[%get3A_632, %get3A_633] {strides = array<i32>} : memref<88x128xf32, #tpu.memory_space<vmem>>, vector<16xf32>,
        %reduce_max3A_635 = arith.constant true
        %reduce_max3A_636 = vector.broadcast %reduce_max3A_635 : i1 to vector<16xi1>
        %reduce_max3A_637 = tpu.scan <max>, %get3A_634 masked %reduce_max3A_636 : vector<16xf32>, vector<16xi1> -> vector<16xf32>
        %reduce_max3A_638 = vector.extract %reduce_max3A_637[15] : f32 from vector<16xf32>
        %broadcast_in_dim3A_639 = vector.broadcast %reduce_max3A_638 : f32 to vector<16xf32>
        %broadcast_in_dim3A_640 = vector.broadcast %scan3A_588 : i32 to vector<16xi32>
        tpu.vector_store_idx %arg20[%broadcast_in_dim3A_640], %broadcast_in_dim3A_639 masked %eq3A_9 : memref<768xf32, #tpu.memory_space<vmem>>[vector<16xi32>], vector<16xf32>, vector<16xi1>
        %scan3A_641 = arith.constant 0 : i32
        %scan3A_642 = arith.constant 4 : i32
        %scan3A_643 = arith.addi %scan3A_422, %scan3A_642 : i32
        %jit3A_644 = arith.constant 8 : i32
        %div3A_645 = arith.divsi %scan3A_643, %jit3A_644 : i32
        %sign3A_646 = arith.constant 0 : i32
        %sign3A_647 = arith.cmpi sgt, %scan3A_643, %sign3A_646 : i32
        %sign3A_648 = arith.extui %sign3A_647 : i1 to i32
        %sign3A_649 = arith.constant 0 : i32
        %sign3A_650 = arith.cmpi slt, %scan3A_643, %sign3A_649 : i32
        %sign3A_651 = arith.extui %sign3A_650 : i1 to i32
        %sign3A_652 = arith.subi %sign3A_648, %sign3A_651 : i32
        %sign3A_653 = arith.constant 0 : i32
        %sign3A_654 = arith.cmpi sgt, %jit3A_644, %sign3A_653 : i32
        %sign3A_655 = arith.extui %sign3A_654 : i1 to i32
        %sign3A_656 = arith.constant 0 : i32
        %sign3A_657 = arith.cmpi slt, %jit3A_644, %sign3A_656 : i32
        %sign3A_658 = arith.extui %sign3A_657 : i1 to i32
        %sign3A_659 = arith.subi %sign3A_655, %sign3A_658 : i32
        %ne3A_660 = arith.cmpi ne, %sign3A_652, %sign3A_659 : i32
        %rem3A_661 = arith.remsi %scan3A_643, %jit3A_644 : i32
        %ne3A_662 = arith.constant 0 : i32
        %ne3A_663 = arith.cmpi ne, %rem3A_661, %ne3A_662 : i32
        %and3A_664 = arith.andi %ne3A_660, %ne3A_663 : i1
        %sub3A_665 = arith.constant 1 : i32
        %sub3A_666 = arith.subi %div3A_645, %sub3A_665 : i32
        %select_n3A_667 = arith.select %and3A_664, %sub3A_666, %div3A_645 : i32
        %jit3A_668 = arith.constant 8 : i32
        %eq3A_669 = arith.constant 0 : i32
        %eq3A_670 = arith.cmpi eq, %jit3A_668, %eq3A_669 : i32
        %jit3A_671 = arith.constant 1 : i32
        %select_n3A_672 = arith.select %eq3A_670, %jit3A_671, %jit3A_668 : i32
        %rem3A_673 = arith.remsi %scan3A_643, %select_n3A_672 : i32
        %ne3A_674 = arith.constant 0 : i32
        %ne3A_675 = arith.cmpi ne, %rem3A_673, %ne3A_674 : i32
        %lt3A_676 = arith.constant 0 : i32
        %lt3A_677 = arith.cmpi slt, %rem3A_673, %lt3A_676 : i32
        %lt3A_678 = arith.constant 0 : i32
        %lt3A_679 = arith.cmpi slt, %select_n3A_672, %lt3A_678 : i32
        %ne3A_680 = arith.xori %lt3A_677, %lt3A_679 : i1
        %and3A_681 = arith.andi %ne3A_680, %ne3A_675 : i1
        %add3A_682 = arith.addi %rem3A_673, %select_n3A_672 : i32
        %select_n3A_683 = arith.select %and3A_681, %add3A_682, %rem3A_673 : i32
        %mul3A_684 = arith.constant 16 : i32
        %mul3A_685 = arith.muli %select_n3A_683, %mul3A_684 : i32
        %multiple_of3A_686 = tpu.assume_multiple %mul3A_685, 16 : i32
        %get3A_687 = arith.index_cast %select_n3A_667 : i32 to index
        %get3A_688 = arith.index_cast %multiple_of3A_686 : i32 to index
        %get3A_689 = tpu.vector_load %arg18[%get3A_687, %get3A_688] {strides = array<i32>} : memref<88x128xf32, #tpu.memory_space<vmem>>, vector<16xf32>,
        %reduce_max3A_690 = arith.constant true
        %reduce_max3A_691 = vector.broadcast %reduce_max3A_690 : i1 to vector<16xi1>
        %reduce_max3A_692 = tpu.scan <max>, %get3A_689 masked %reduce_max3A_691 : vector<16xf32>, vector<16xi1> -> vector<16xf32>
        %reduce_max3A_693 = vector.extract %reduce_max3A_692[15] : f32 from vector<16xf32>
        %broadcast_in_dim3A_694 = vector.broadcast %reduce_max3A_693 : f32 to vector<16xf32>
        %broadcast_in_dim3A_695 = vector.broadcast %scan3A_643 : i32 to vector<16xi32>
        tpu.vector_store_idx %arg20[%broadcast_in_dim3A_695], %broadcast_in_dim3A_694 masked %eq3A_9 : memref<768xf32, #tpu.memory_space<vmem>>[vector<16xi32>], vector<16xf32>, vector<16xi1>
        %scan3A_696 = arith.constant 0 : i32
        %scan3A_697 = arith.constant 5 : i32
        %scan3A_698 = arith.addi %scan3A_422, %scan3A_697 : i32
        %jit3A_699 = arith.constant 8 : i32
        %div3A_700 = arith.divsi %scan3A_698, %jit3A_699 : i32
        %sign3A_701 = arith.constant 0 : i32
        %sign3A_702 = arith.cmpi sgt, %scan3A_698, %sign3A_701 : i32
        %sign3A_703 = arith.extui %sign3A_702 : i1 to i32
        %sign3A_704 = arith.constant 0 : i32
        %sign3A_705 = arith.cmpi slt, %scan3A_698, %sign3A_704 : i32
        %sign3A_706 = arith.extui %sign3A_705 : i1 to i32
        %sign3A_707 = arith.subi %sign3A_703, %sign3A_706 : i32
        %sign3A_708 = arith.constant 0 : i32
        %sign3A_709 = arith.cmpi sgt, %jit3A_699, %sign3A_708 : i32
        %sign3A_710 = arith.extui %sign3A_709 : i1 to i32
        %sign3A_711 = arith.constant 0 : i32
        %sign3A_712 = arith.cmpi slt, %jit3A_699, %sign3A_711 : i32
        %sign3A_713 = arith.extui %sign3A_712 : i1 to i32
        %sign3A_714 = arith.subi %sign3A_710, %sign3A_713 : i32
        %ne3A_715 = arith.cmpi ne, %sign3A_707, %sign3A_714 : i32
        %rem3A_716 = arith.remsi %scan3A_698, %jit3A_699 : i32
        %ne3A_717 = arith.constant 0 : i32
        %ne3A_718 = arith.cmpi ne, %rem3A_716, %ne3A_717 : i32
        %and3A_719 = arith.andi %ne3A_715, %ne3A_718 : i1
        %sub3A_720 = arith.constant 1 : i32
        %sub3A_721 = arith.subi %div3A_700, %sub3A_720 : i32
        %select_n3A_722 = arith.select %and3A_719, %sub3A_721, %div3A_700 : i32
        %jit3A_723 = arith.constant 8 : i32
        %eq3A_724 = arith.constant 0 : i32
        %eq3A_725 = arith.cmpi eq, %jit3A_723, %eq3A_724 : i32
        %jit3A_726 = arith.constant 1 : i32
        %select_n3A_727 = arith.select %eq3A_725, %jit3A_726, %jit3A_723 : i32
        %rem3A_728 = arith.remsi %scan3A_698, %select_n3A_727 : i32
        %ne3A_729 = arith.constant 0 : i32
        %ne3A_730 = arith.cmpi ne, %rem3A_728, %ne3A_729 : i32
        %lt3A_731 = arith.constant 0 : i32
        %lt3A_732 = arith.cmpi slt, %rem3A_728, %lt3A_731 : i32
        %lt3A_733 = arith.constant 0 : i32
        %lt3A_734 = arith.cmpi slt, %select_n3A_727, %lt3A_733 : i32
        %ne3A_735 = arith.xori %lt3A_732, %lt3A_734 : i1
        %and3A_736 = arith.andi %ne3A_735, %ne3A_730 : i1
        %add3A_737 = arith.addi %rem3A_728, %select_n3A_727 : i32
        %select_n3A_738 = arith.select %and3A_736, %add3A_737, %rem3A_728 : i32
        %mul3A_739 = arith.constant 16 : i32
        %mul3A_740 = arith.muli %select_n3A_738, %mul3A_739 : i32
        %multiple_of3A_741 = tpu.assume_multiple %mul3A_740, 16 : i32
        %get3A_742 = arith.index_cast %select_n3A_722 : i32 to index
        %get3A_743 = arith.index_cast %multiple_of3A_741 : i32 to index
        %get3A_744 = tpu.vector_load %arg18[%get3A_742, %get3A_743] {strides = array<i32>} : memref<88x128xf32, #tpu.memory_space<vmem>>, vector<16xf32>,
        %reduce_max3A_745 = arith.constant true
        %reduce_max3A_746 = vector.broadcast %reduce_max3A_745 : i1 to vector<16xi1>
        %reduce_max3A_747 = tpu.scan <max>, %get3A_744 masked %reduce_max3A_746 : vector<16xf32>, vector<16xi1> -> vector<16xf32>
        %reduce_max3A_748 = vector.extract %reduce_max3A_747[15] : f32 from vector<16xf32>
        %broadcast_in_dim3A_749 = vector.broadcast %reduce_max3A_748 : f32 to vector<16xf32>
        %broadcast_in_dim3A_750 = vector.broadcast %scan3A_698 : i32 to vector<16xi32>
        tpu.vector_store_idx %arg20[%broadcast_in_dim3A_750], %broadcast_in_dim3A_749 masked %eq3A_9 : memref<768xf32, #tpu.memory_space<vmem>>[vector<16xi32>], vector<16xf32>, vector<16xi1>
        %scan3A_751 = arith.constant 0 : i32
        %scan3A_752 = arith.constant 6 : i32
        %scan3A_753 = arith.addi %scan3A_422, %scan3A_752 : i32
        %jit3A_754 = arith.constant 8 : i32
        %div3A_755 = arith.divsi %scan3A_753, %jit3A_754 : i32
        %sign3A_756 = arith.constant 0 : i32
        %sign3A_757 = arith.cmpi sgt, %scan3A_753, %sign3A_756 : i32
        %sign3A_758 = arith.extui %sign3A_757 : i1 to i32
        %sign3A_759 = arith.constant 0 : i32
        %sign3A_760 = arith.cmpi slt, %scan3A_753, %sign3A_759 : i32
        %sign3A_761 = arith.extui %sign3A_760 : i1 to i32
        %sign3A_762 = arith.subi %sign3A_758, %sign3A_761 : i32
        %sign3A_763 = arith.constant 0 : i32
        %sign3A_764 = arith.cmpi sgt, %jit3A_754, %sign3A_763 : i32
        %sign3A_765 = arith.extui %sign3A_764 : i1 to i32
        %sign3A_766 = arith.constant 0 : i32
        %sign3A_767 = arith.cmpi slt, %jit3A_754, %sign3A_766 : i32
        %sign3A_768 = arith.extui %sign3A_767 : i1 to i32
        %sign3A_769 = arith.subi %sign3A_765, %sign3A_768 : i32
        %ne3A_770 = arith.cmpi ne, %sign3A_762, %sign3A_769 : i32
        %rem3A_771 = arith.remsi %scan3A_753, %jit3A_754 : i32
        %ne3A_772 = arith.constant 0 : i32
        %ne3A_773 = arith.cmpi ne, %rem3A_771, %ne3A_772 : i32
        %and3A_774 = arith.andi %ne3A_770, %ne3A_773 : i1
        %sub3A_775 = arith.constant 1 : i32
        %sub3A_776 = arith.subi %div3A_755, %sub3A_775 : i32
        %select_n3A_777 = arith.select %and3A_774, %sub3A_776, %div3A_755 : i32
        %jit3A_778 = arith.constant 8 : i32
        %eq3A_779 = arith.constant 0 : i32
        %eq3A_780 = arith.cmpi eq, %jit3A_778, %eq3A_779 : i32
        %jit3A_781 = arith.constant 1 : i32
        %select_n3A_782 = arith.select %eq3A_780, %jit3A_781, %jit3A_778 : i32
        %rem3A_783 = arith.remsi %scan3A_753, %select_n3A_782 : i32
        %ne3A_784 = arith.constant 0 : i32
        %ne3A_785 = arith.cmpi ne, %rem3A_783, %ne3A_784 : i32
        %lt3A_786 = arith.constant 0 : i32
        %lt3A_787 = arith.cmpi slt, %rem3A_783, %lt3A_786 : i32
        %lt3A_788 = arith.constant 0 : i32
        %lt3A_789 = arith.cmpi slt, %select_n3A_782, %lt3A_788 : i32
        %ne3A_790 = arith.xori %lt3A_787, %lt3A_789 : i1
        %and3A_791 = arith.andi %ne3A_790, %ne3A_785 : i1
        %add3A_792 = arith.addi %rem3A_783, %select_n3A_782 : i32
        %select_n3A_793 = arith.select %and3A_791, %add3A_792, %rem3A_783 : i32
        %mul3A_794 = arith.constant 16 : i32
        %mul3A_795 = arith.muli %select_n3A_793, %mul3A_794 : i32
        %multiple_of3A_796 = tpu.assume_multiple %mul3A_795, 16 : i32
        %get3A_797 = arith.index_cast %select_n3A_777 : i32 to index
        %get3A_798 = arith.index_cast %multiple_of3A_796 : i32 to index
        %get3A_799 = tpu.vector_load %arg18[%get3A_797, %get3A_798] {strides = array<i32>} : memref<88x128xf32, #tpu.memory_space<vmem>>, vector<16xf32>,
        %reduce_max3A_800 = arith.constant true
        %reduce_max3A_801 = vector.broadcast %reduce_max3A_800 : i1 to vector<16xi1>
        %reduce_max3A_802 = tpu.scan <max>, %get3A_799 masked %reduce_max3A_801 : vector<16xf32>, vector<16xi1> -> vector<16xf32>
        %reduce_max3A_803 = vector.extract %reduce_max3A_802[15] : f32 from vector<16xf32>
        %broadcast_in_dim3A_804 = vector.broadcast %reduce_max3A_803 : f32 to vector<16xf32>
        %broadcast_in_dim3A_805 = vector.broadcast %scan3A_753 : i32 to vector<16xi32>
        tpu.vector_store_idx %arg20[%broadcast_in_dim3A_805], %broadcast_in_dim3A_804 masked %eq3A_9 : memref<768xf32, #tpu.memory_space<vmem>>[vector<16xi32>], vector<16xf32>, vector<16xi1>
        %scan3A_806 = arith.constant 0 : i32
        %scan3A_807 = arith.constant 7 : i32
        %scan3A_808 = arith.addi %scan3A_422, %scan3A_807 : i32
        %jit3A_809 = arith.constant 8 : i32
        %div3A_810 = arith.divsi %scan3A_808, %jit3A_809 : i32
        %sign3A_811 = arith.constant 0 : i32
        %sign3A_812 = arith.cmpi sgt, %scan3A_808, %sign3A_811 : i32
        %sign3A_813 = arith.extui %sign3A_812 : i1 to i32
        %sign3A_814 = arith.constant 0 : i32
        %sign3A_815 = arith.cmpi slt, %scan3A_808, %sign3A_814 : i32
        %sign3A_816 = arith.extui %sign3A_815 : i1 to i32
        %sign3A_817 = arith.subi %sign3A_813, %sign3A_816 : i32
        %sign3A_818 = arith.constant 0 : i32
        %sign3A_819 = arith.cmpi sgt, %jit3A_809, %sign3A_818 : i32
        %sign3A_820 = arith.extui %sign3A_819 : i1 to i32
        %sign3A_821 = arith.constant 0 : i32
        %sign3A_822 = arith.cmpi slt, %jit3A_809, %sign3A_821 : i32
        %sign3A_823 = arith.extui %sign3A_822 : i1 to i32
        %sign3A_824 = arith.subi %sign3A_820, %sign3A_823 : i32
        %ne3A_825 = arith.cmpi ne, %sign3A_817, %sign3A_824 : i32
        %rem3A_826 = arith.remsi %scan3A_808, %jit3A_809 : i32
        %ne3A_827 = arith.constant 0 : i32
        %ne3A_828 = arith.cmpi ne, %rem3A_826, %ne3A_827 : i32
        %and3A_829 = arith.andi %ne3A_825, %ne3A_828 : i1
        %sub3A_830 = arith.constant 1 : i32
        %sub3A_831 = arith.subi %div3A_810, %sub3A_830 : i32
        %select_n3A_832 = arith.select %and3A_829, %sub3A_831, %div3A_810 : i32
        %jit3A_833 = arith.constant 8 : i32
        %eq3A_834 = arith.constant 0 : i32
        %eq3A_835 = arith.cmpi eq, %jit3A_833, %eq3A_834 : i32
        %jit3A_836 = arith.constant 1 : i32
        %select_n3A_837 = arith.select %eq3A_835, %jit3A_836, %jit3A_833 : i32
        %rem3A_838 = arith.remsi %scan3A_808, %select_n3A_837 : i32
        %ne3A_839 = arith.constant 0 : i32
        %ne3A_840 = arith.cmpi ne, %rem3A_838, %ne3A_839 : i32
        %lt3A_841 = arith.constant 0 : i32
        %lt3A_842 = arith.cmpi slt, %rem3A_838, %lt3A_841 : i32
        %lt3A_843 = arith.constant 0 : i32
        %lt3A_844 = arith.cmpi slt, %select_n3A_837, %lt3A_843 : i32
        %ne3A_845 = arith.xori %lt3A_842, %lt3A_844 : i1
        %and3A_846 = arith.andi %ne3A_845, %ne3A_840 : i1
        %add3A_847 = arith.addi %rem3A_838, %select_n3A_837 : i32
        %select_n3A_848 = arith.select %and3A_846, %add3A_847, %rem3A_838 : i32
        %mul3A_849 = arith.constant 16 : i32
        %mul3A_850 = arith.muli %select_n3A_848, %mul3A_849 : i32
        %multiple_of3A_851 = tpu.assume_multiple %mul3A_850, 16 : i32
        %get3A_852 = arith.index_cast %select_n3A_832 : i32 to index
        %get3A_853 = arith.index_cast %multiple_of3A_851 : i32 to index
        %get3A_854 = tpu.vector_load %arg18[%get3A_852, %get3A_853] {strides = array<i32>} : memref<88x128xf32, #tpu.memory_space<vmem>>, vector<16xf32>,
        %reduce_max3A_855 = arith.constant true
        %reduce_max3A_856 = vector.broadcast %reduce_max3A_855 : i1 to vector<16xi1>
        %reduce_max3A_857 = tpu.scan <max>, %get3A_854 masked %reduce_max3A_856 : vector<16xf32>, vector<16xi1> -> vector<16xf32>
        %reduce_max3A_858 = vector.extract %reduce_max3A_857[15] : f32 from vector<16xf32>
        %broadcast_in_dim3A_859 = vector.broadcast %reduce_max3A_858 : f32 to vector<16xf32>
        %broadcast_in_dim3A_860 = vector.broadcast %scan3A_808 : i32 to vector<16xi32>
        tpu.vector_store_idx %arg20[%broadcast_in_dim3A_860], %broadcast_in_dim3A_859 masked %eq3A_9 : memref<768xf32, #tpu.memory_space<vmem>>[vector<16xi32>], vector<16xf32>, vector<16xi1>
        %scan3A_861 = arith.constant 0 : i32
        scf.yield %scan3A_861 : i32
      }
      %scan3A_204 = arith.constant 704 : i32
      %swap3A_205 = arith.constant 0 : index
      %swap3A_206 = tpu.vector_load %arg21[%swap3A_205] {strides = array<i32>} : memref<48xf32, #tpu.memory_space<vmem>>, vector<16xf32>,
      tpu.vector_store %arg21[%swap3A_205], %broadcast_in_dim3A_7 {strides = array<i32>} : memref<48xf32, #tpu.memory_space<vmem>>, vector<16xf32>,
      %swap3A_207 = arith.constant 16 : index
      %swap3A_208 = tpu.vector_load %arg21[%swap3A_207] {strides = array<i32>} : memref<48xf32, #tpu.memory_space<vmem>>, vector<16xf32>,
      tpu.vector_store %arg21[%swap3A_207], %broadcast_in_dim3A_7 {strides = array<i32>} : memref<48xf32, #tpu.memory_space<vmem>>, vector<16xf32>,
      %swap3A_209 = arith.constant 32 : index
      %swap3A_210 = tpu.vector_load %arg21[%swap3A_209] {strides = array<i32>} : memref<48xf32, #tpu.memory_space<vmem>>, vector<16xf32>,
      tpu.vector_store %arg21[%swap3A_209], %broadcast_in_dim3A_7 {strides = array<i32>} : memref<48xf32, #tpu.memory_space<vmem>>, vector<16xf32>,
      %scan3A_211 = arith.constant 0 : i32
      %scan3A_212 = arith.constant 0 : i32
      %scan3A_213 = arith.constant 40 : i32
      %scan3A_214 = arith.addi %scan3A_212, %scan3A_213 : i32
      %scan3A_215 = arith.constant 8 : i32
      %scan3A_216 = scf.for %scan3A_422 = %scan3A_212 to %scan3A_214 step %scan3A_215 iter_args(%scan3A_423 = %scan3A_211) -> (i32)  : i32 {
        %mul3A_424 = arith.constant 16 : i32
        %mul3A_425 = arith.muli %scan3A_422, %mul3A_424 : i32
        %multiple_of3A_426 = tpu.assume_multiple %mul3A_425, 16 : i32
        %get3A_427 = arith.index_cast %multiple_of3A_426 : i32 to index
        %get3A_428 = tpu.vector_load %arg20[%get3A_427] {strides = array<i32>} : memref<768xf32, #tpu.memory_space<vmem>>, vector<16xf32>,
        %reduce_max3A_429 = arith.constant true
        %reduce_max3A_430 = vector.broadcast %reduce_max3A_429 : i1 to vector<16xi1>
        %reduce_max3A_431 = tpu.scan <max>, %get3A_428 masked %reduce_max3A_430 : vector<16xf32>, vector<16xi1> -> vector<16xf32>
        %reduce_max3A_432 = vector.extract %reduce_max3A_431[15] : f32 from vector<16xf32>
        %broadcast_in_dim3A_433 = vector.broadcast %reduce_max3A_432 : f32 to vector<16xf32>
        %broadcast_in_dim3A_434 = vector.broadcast %scan3A_422 : i32 to vector<16xi32>
        tpu.vector_store_idx %arg21[%broadcast_in_dim3A_434], %broadcast_in_dim3A_433 masked %eq3A_9 : memref<48xf32, #tpu.memory_space<vmem>>[vector<16xi32>], vector<16xf32>, vector<16xi1>
        %scan3A_435 = arith.constant 0 : i32
        %scan3A_436 = arith.constant 1 : i32
        %scan3A_437 = arith.addi %scan3A_422, %scan3A_436 : i32
        %mul3A_438 = arith.constant 16 : i32
        %mul3A_439 = arith.muli %scan3A_437, %mul3A_438 : i32
        %multiple_of3A_440 = tpu.assume_multiple %mul3A_439, 16 : i32
        %get3A_441 = arith.index_cast %multiple_of3A_440 : i32 to index
        %get3A_442 = tpu.vector_load %arg20[%get3A_441] {strides = array<i32>} : memref<768xf32, #tpu.memory_space<vmem>>, vector<16xf32>,
        %reduce_max3A_443 = arith.constant true
        %reduce_max3A_444 = vector.broadcast %reduce_max3A_443 : i1 to vector<16xi1>
        %reduce_max3A_445 = tpu.scan <max>, %get3A_442 masked %reduce_max3A_444 : vector<16xf32>, vector<16xi1> -> vector<16xf32>
        %reduce_max3A_446 = vector.extract %reduce_max3A_445[15] : f32 from vector<16xf32>
        %broadcast_in_dim3A_447 = vector.broadcast %reduce_max3A_446 : f32 to vector<16xf32>
        %broadcast_in_dim3A_448 = vector.broadcast %scan3A_437 : i32 to vector<16xi32>
        tpu.vector_store_idx %arg21[%broadcast_in_dim3A_448], %broadcast_in_dim3A_447 masked %eq3A_9 : memref<48xf32, #tpu.memory_space<vmem>>[vector<16xi32>], vector<16xf32>, vector<16xi1>
        %scan3A_449 = arith.constant 0 : i32
        %scan3A_450 = arith.constant 2 : i32
        %scan3A_451 = arith.addi %scan3A_422, %scan3A_450 : i32
        %mul3A_452 = arith.constant 16 : i32
        %mul3A_453 = arith.muli %scan3A_451, %mul3A_452 : i32
        %multiple_of3A_454 = tpu.assume_multiple %mul3A_453, 16 : i32
        %get3A_455 = arith.index_cast %multiple_of3A_454 : i32 to index
        %get3A_456 = tpu.vector_load %arg20[%get3A_455] {strides = array<i32>} : memref<768xf32, #tpu.memory_space<vmem>>, vector<16xf32>,
        %reduce_max3A_457 = arith.constant true
        %reduce_max3A_458 = vector.broadcast %reduce_max3A_457 : i1 to vector<16xi1>
        %reduce_max3A_459 = tpu.scan <max>, %get3A_456 masked %reduce_max3A_458 : vector<16xf32>, vector<16xi1> -> vector<16xf32>
        %reduce_max3A_460 = vector.extract %reduce_max3A_459[15] : f32 from vector<16xf32>
        %broadcast_in_dim3A_461 = vector.broadcast %reduce_max3A_460 : f32 to vector<16xf32>
        %broadcast_in_dim3A_462 = vector.broadcast %scan3A_451 : i32 to vector<16xi32>
        tpu.vector_store_idx %arg21[%broadcast_in_dim3A_462], %broadcast_in_dim3A_461 masked %eq3A_9 : memref<48xf32, #tpu.memory_space<vmem>>[vector<16xi32>], vector<16xf32>, vector<16xi1>
        %scan3A_463 = arith.constant 0 : i32
        %scan3A_464 = arith.constant 3 : i32
        %scan3A_465 = arith.addi %scan3A_422, %scan3A_464 : i32
        %mul3A_466 = arith.constant 16 : i32
        %mul3A_467 = arith.muli %scan3A_465, %mul3A_466 : i32
        %multiple_of3A_468 = tpu.assume_multiple %mul3A_467, 16 : i32
        %get3A_469 = arith.index_cast %multiple_of3A_468 : i32 to index
        %get3A_470 = tpu.vector_load %arg20[%get3A_469] {strides = array<i32>} : memref<768xf32, #tpu.memory_space<vmem>>, vector<16xf32>,
        %reduce_max3A_471 = arith.constant true
        %reduce_max3A_472 = vector.broadcast %reduce_max3A_471 : i1 to vector<16xi1>
        %reduce_max3A_473 = tpu.scan <max>, %get3A_470 masked %reduce_max3A_472 : vector<16xf32>, vector<16xi1> -> vector<16xf32>
        %reduce_max3A_474 = vector.extract %reduce_max3A_473[15] : f32 from vector<16xf32>
        %broadcast_in_dim3A_475 = vector.broadcast %reduce_max3A_474 : f32 to vector<16xf32>
        %broadcast_in_dim3A_476 = vector.broadcast %scan3A_465 : i32 to vector<16xi32>
        tpu.vector_store_idx %arg21[%broadcast_in_dim3A_476], %broadcast_in_dim3A_475 masked %eq3A_9 : memref<48xf32, #tpu.memory_space<vmem>>[vector<16xi32>], vector<16xf32>, vector<16xi1>
        %scan3A_477 = arith.constant 0 : i32
        %scan3A_478 = arith.constant 4 : i32
        %scan3A_479 = arith.addi %scan3A_422, %scan3A_478 : i32
        %mul3A_480 = arith.constant 16 : i32
        %mul3A_481 = arith.muli %scan3A_479, %mul3A_480 : i32
        %multiple_of3A_482 = tpu.assume_multiple %mul3A_481, 16 : i32
        %get3A_483 = arith.index_cast %multiple_of3A_482 : i32 to index
        %get3A_484 = tpu.vector_load %arg20[%get3A_483] {strides = array<i32>} : memref<768xf32, #tpu.memory_space<vmem>>, vector<16xf32>,
        %reduce_max3A_485 = arith.constant true
        %reduce_max3A_486 = vector.broadcast %reduce_max3A_485 : i1 to vector<16xi1>
        %reduce_max3A_487 = tpu.scan <max>, %get3A_484 masked %reduce_max3A_486 : vector<16xf32>, vector<16xi1> -> vector<16xf32>
        %reduce_max3A_488 = vector.extract %reduce_max3A_487[15] : f32 from vector<16xf32>
        %broadcast_in_dim3A_489 = vector.broadcast %reduce_max3A_488 : f32 to vector<16xf32>
        %broadcast_in_dim3A_490 = vector.broadcast %scan3A_479 : i32 to vector<16xi32>
        tpu.vector_store_idx %arg21[%broadcast_in_dim3A_490], %broadcast_in_dim3A_489 masked %eq3A_9 : memref<48xf32, #tpu.memory_space<vmem>>[vector<16xi32>], vector<16xf32>, vector<16xi1>
        %scan3A_491 = arith.constant 0 : i32
        %scan3A_492 = arith.constant 5 : i32
        %scan3A_493 = arith.addi %scan3A_422, %scan3A_492 : i32
        %mul3A_494 = arith.constant 16 : i32
        %mul3A_495 = arith.muli %scan3A_493, %mul3A_494 : i32
        %multiple_of3A_496 = tpu.assume_multiple %mul3A_495, 16 : i32
        %get3A_497 = arith.index_cast %multiple_of3A_496 : i32 to index
        %get3A_498 = tpu.vector_load %arg20[%get3A_497] {strides = array<i32>} : memref<768xf32, #tpu.memory_space<vmem>>, vector<16xf32>,
        %reduce_max3A_499 = arith.constant true
        %reduce_max3A_500 = vector.broadcast %reduce_max3A_499 : i1 to vector<16xi1>
        %reduce_max3A_501 = tpu.scan <max>, %get3A_498 masked %reduce_max3A_500 : vector<16xf32>, vector<16xi1> -> vector<16xf32>
        %reduce_max3A_502 = vector.extract %reduce_max3A_501[15] : f32 from vector<16xf32>
        %broadcast_in_dim3A_503 = vector.broadcast %reduce_max3A_502 : f32 to vector<16xf32>
        %broadcast_in_dim3A_504 = vector.broadcast %scan3A_493 : i32 to vector<16xi32>
        tpu.vector_store_idx %arg21[%broadcast_in_dim3A_504], %broadcast_in_dim3A_503 masked %eq3A_9 : memref<48xf32, #tpu.memory_space<vmem>>[vector<16xi32>], vector<16xf32>, vector<16xi1>
        %scan3A_505 = arith.constant 0 : i32
        %scan3A_506 = arith.constant 6 : i32
        %scan3A_507 = arith.addi %scan3A_422, %scan3A_506 : i32
        %mul3A_508 = arith.constant 16 : i32
        %mul3A_509 = arith.muli %scan3A_507, %mul3A_508 : i32
        %multiple_of3A_510 = tpu.assume_multiple %mul3A_509, 16 : i32
        %get3A_511 = arith.index_cast %multiple_of3A_510 : i32 to index
        %get3A_512 = tpu.vector_load %arg20[%get3A_511] {strides = array<i32>} : memref<768xf32, #tpu.memory_space<vmem>>, vector<16xf32>,
        %reduce_max3A_513 = arith.constant true
        %reduce_max3A_514 = vector.broadcast %reduce_max3A_513 : i1 to vector<16xi1>
        %reduce_max3A_515 = tpu.scan <max>, %get3A_512 masked %reduce_max3A_514 : vector<16xf32>, vector<16xi1> -> vector<16xf32>
        %reduce_max3A_516 = vector.extract %reduce_max3A_515[15] : f32 from vector<16xf32>
        %broadcast_in_dim3A_517 = vector.broadcast %reduce_max3A_516 : f32 to vector<16xf32>
        %broadcast_in_dim3A_518 = vector.broadcast %scan3A_507 : i32 to vector<16xi32>
        tpu.vector_store_idx %arg21[%broadcast_in_dim3A_518], %broadcast_in_dim3A_517 masked %eq3A_9 : memref<48xf32, #tpu.memory_space<vmem>>[vector<16xi32>], vector<16xf32>, vector<16xi1>
        %scan3A_519 = arith.constant 0 : i32
        %scan3A_520 = arith.constant 7 : i32
        %scan3A_521 = arith.addi %scan3A_422, %scan3A_520 : i32
        %mul3A_522 = arith.constant 16 : i32
        %mul3A_523 = arith.muli %scan3A_521, %mul3A_522 : i32
        %multiple_of3A_524 = tpu.assume_multiple %mul3A_523, 16 : i32
        %get3A_525 = arith.index_cast %multiple_of3A_524 : i32 to index
        %get3A_526 = tpu.vector_load %arg20[%get3A_525] {strides = array<i32>} : memref<768xf32, #tpu.memory_space<vmem>>, vector<16xf32>,
        %reduce_max3A_527 = arith.constant true
        %reduce_max3A_528 = vector.broadcast %reduce_max3A_527 : i1 to vector<16xi1>
        %reduce_max3A_529 = tpu.scan <max>, %get3A_526 masked %reduce_max3A_528 : vector<16xf32>, vector<16xi1> -> vector<16xf32>
        %reduce_max3A_530 = vector.extract %reduce_max3A_529[15] : f32 from vector<16xf32>
        %broadcast_in_dim3A_531 = vector.broadcast %reduce_max3A_530 : f32 to vector<16xf32>
        %broadcast_in_dim3A_532 = vector.broadcast %scan3A_521 : i32 to vector<16xi32>
        tpu.vector_store_idx %arg21[%broadcast_in_dim3A_532], %broadcast_in_dim3A_531 masked %eq3A_9 : memref<48xf32, #tpu.memory_space<vmem>>[vector<16xi32>], vector<16xf32>, vector<16xi1>
        %scan3A_533 = arith.constant 0 : i32
        scf.yield %scan3A_533 : i32
      }
      %scan3A_217 = arith.constant 40 : i32
      %scan3A_218 = arith.addi %scan3A_212, %scan3A_217 : i32
      %mul3A_219 = arith.constant 16 : i32
      %mul3A_220 = arith.muli %scan3A_218, %mul3A_219 : i32
      %multiple_of3A = tpu.assume_multiple %mul3A_220, 16 : i32
      %get3A = arith.index_cast %multiple_of3A : i32 to index
      %get3A_221 = tpu.vector_load %arg20[%get3A] {strides = array<i32>} : memref<768xf32, #tpu.memory_space<vmem>>, vector<16xf32>,
      %reduce_max3A = arith.constant true
      %reduce_max3A_222 = vector.broadcast %reduce_max3A : i1 to vector<16xi1>
      %reduce_max3A_223 = tpu.scan <max>, %get3A_221 masked %reduce_max3A_222 : vector<16xf32>, vector<16xi1> -> vector<16xf32>
      %reduce_max3A_224 = vector.extract %reduce_max3A_223[15] : f32 from vector<16xf32>
      %broadcast_in_dim3A_225 = vector.broadcast %reduce_max3A_224 : f32 to vector<16xf32>
      %broadcast_in_dim3A_226 = vector.broadcast %scan3A_218 : i32 to vector<16xi32>
      tpu.vector_store_idx %arg21[%broadcast_in_dim3A_226], %broadcast_in_dim3A_225 masked %eq3A_9 : memref<48xf32, #tpu.memory_space<vmem>>[vector<16xi32>], vector<16xf32>, vector<16xi1>
      %scan3A_227 = arith.constant 0 : i32
      %scan3A_228 = arith.constant 41 : i32
      %scan3A_229 = arith.addi %scan3A_212, %scan3A_228 : i32
      %mul3A_230 = arith.constant 16 : i32
      %mul3A_231 = arith.muli %scan3A_229, %mul3A_230 : i32
      %multiple_of3A_232 = tpu.assume_multiple %mul3A_231, 16 : i32
      %get3A_233 = arith.index_cast %multiple_of3A_232 : i32 to index
      %get3A_234 = tpu.vector_load %arg20[%get3A_233] {strides = array<i32>} : memref<768xf32, #tpu.memory_space<vmem>>, vector<16xf32>,
      %reduce_max3A_235 = arith.constant true
      %reduce_max3A_236 = vector.broadcast %reduce_max3A_235 : i1 to vector<16xi1>
      %reduce_max3A_237 = tpu.scan <max>, %get3A_234 masked %reduce_max3A_236 : vector<16xf32>, vector<16xi1> -> vector<16xf32>
      %reduce_max3A_238 = vector.extract %reduce_max3A_237[15] : f32 from vector<16xf32>
      %broadcast_in_dim3A_239 = vector.broadcast %reduce_max3A_238 : f32 to vector<16xf32>
      %broadcast_in_dim3A_240 = vector.broadcast %scan3A_229 : i32 to vector<16xi32>
      tpu.vector_store_idx %arg21[%broadcast_in_dim3A_240], %broadcast_in_dim3A_239 masked %eq3A_9 : memref<48xf32, #tpu.memory_space<vmem>>[vector<16xi32>], vector<16xf32>, vector<16xi1>
      %scan3A_241 = arith.constant 0 : i32
      %scan3A_242 = arith.constant 42 : i32
      %scan3A_243 = arith.addi %scan3A_212, %scan3A_242 : i32
      %mul3A_244 = arith.constant 16 : i32
      %mul3A_245 = arith.muli %scan3A_243, %mul3A_244 : i32
      %multiple_of3A_246 = tpu.assume_multiple %mul3A_245, 16 : i32
      %get3A_247 = arith.index_cast %multiple_of3A_246 : i32 to index
      %get3A_248 = tpu.vector_load %arg20[%get3A_247] {strides = array<i32>} : memref<768xf32, #tpu.memory_space<vmem>>, vector<16xf32>,
      %reduce_max3A_249 = arith.constant true
      %reduce_max3A_250 = vector.broadcast %reduce_max3A_249 : i1 to vector<16xi1>
      %reduce_max3A_251 = tpu.scan <max>, %get3A_248 masked %reduce_max3A_250 : vector<16xf32>, vector<16xi1> -> vector<16xf32>
      %reduce_max3A_252 = vector.extract %reduce_max3A_251[15] : f32 from vector<16xf32>
      %broadcast_in_dim3A_253 = vector.broadcast %reduce_max3A_252 : f32 to vector<16xf32>
      %broadcast_in_dim3A_254 = vector.broadcast %scan3A_243 : i32 to vector<16xi32>
      tpu.vector_store_idx %arg21[%broadcast_in_dim3A_254], %broadcast_in_dim3A_253 masked %eq3A_9 : memref<48xf32, #tpu.memory_space<vmem>>[vector<16xi32>], vector<16xf32>, vector<16xi1>
      %scan3A_255 = arith.constant 0 : i32
      %scan3A_256 = arith.constant 43 : i32
      %scan3A_257 = arith.addi %scan3A_212, %scan3A_256 : i32
      %mul3A_258 = arith.constant 16 : i32
      %mul3A_259 = arith.muli %scan3A_257, %mul3A_258 : i32
      %multiple_of3A_260 = tpu.assume_multiple %mul3A_259, 16 : i32
      %get3A_261 = arith.index_cast %multiple_of3A_260 : i32 to index
      %get3A_262 = tpu.vector_load %arg20[%get3A_261] {strides = array<i32>} : memref<768xf32, #tpu.memory_space<vmem>>, vector<16xf32>,
      %reduce_max3A_263 = arith.constant true
      %reduce_max3A_264 = vector.broadcast %reduce_max3A_263 : i1 to vector<16xi1>
      %reduce_max3A_265 = tpu.scan <max>, %get3A_262 masked %reduce_max3A_264 : vector<16xf32>, vector<16xi1> -> vector<16xf32>
      %reduce_max3A_266 = vector.extract %reduce_max3A_265[15] : f32 from vector<16xf32>
      %broadcast_in_dim3A_267 = vector.broadcast %reduce_max3A_266 : f32 to vector<16xf32>
      %broadcast_in_dim3A_268 = vector.broadcast %scan3A_257 : i32 to vector<16xi32>
      tpu.vector_store_idx %arg21[%broadcast_in_dim3A_268], %broadcast_in_dim3A_267 masked %eq3A_9 : memref<48xf32, #tpu.memory_space<vmem>>[vector<16xi32>], vector<16xf32>, vector<16xi1>
      %scan3A_269 = arith.constant 0 : i32
      %scan3A_270 = arith.constant 44 : i32
      %get3A_271 = arith.constant 0 : index
      %get3A_272 = tpu.vector_load %arg21[%get3A_271] {strides = array<i32>} : memref<48xf32, #tpu.memory_space<vmem>>, vector<16xf32>,
      %get3A_273 = arith.constant 16 : index
      %get3A_274 = tpu.vector_load %arg21[%get3A_273] {strides = array<i32>} : memref<48xf32, #tpu.memory_space<vmem>>, vector<16xf32>,
      %max3A = arith.maximumf %get3A_272, %get3A_274 : vector<16xf32>
      %get3A_275 = arith.constant 32 : index
      %get3A_276 = tpu.vector_load %arg21[%get3A_275] {strides = array<i32>} : memref<48xf32, #tpu.memory_space<vmem>>, vector<16xf32>,
      %max3A_277 = arith.maximumf %max3A, %get3A_276 : vector<16xf32>
      %reduce_max3A_278 = arith.constant true
      %reduce_max3A_279 = vector.broadcast %reduce_max3A_278 : i1 to vector<16xi1>
      %reduce_max3A_280 = tpu.scan <max>, %max3A_277 masked %reduce_max3A_279 : vector<16xf32>, vector<16xi1> -> vector<16xf32>
      %reduce_max3A_281 = vector.extract %reduce_max3A_280[15] : f32 from vector<16xf32>
      %get3A_282 = arith.constant 0 : index
      %get3A_283 = tpu.vector_load %arg21[%get3A_282] {strides = array<i32>} : memref<48xf32, #tpu.memory_space<vmem>>, vector<16xf32>,
      %eq3A_284 = vector.broadcast %reduce_max3A_281 : f32 to vector<16xf32>
      %eq3A_285 = arith.cmpf oeq, %get3A_283, %eq3A_284 : vector<16xf32>
      %add3A_286 = arith.constant 0 : i32
      %add3A_287 = vector.broadcast %add3A_286 : i32 to vector<16xi32>
      %add3A_288 = arith.addi %iota3A, %add3A_287 : vector<16xi32>
      %jit3A = arith.constant 1073741824 : i32
      %broadcast_in_dim3A_289 = vector.broadcast %jit3A : i32 to vector<16xi32>
      %select_n3A = arith.select %eq3A_285, %add3A_288, %broadcast_in_dim3A_289 : vector<16xi1>, vector<16xi32>
      %reduce_min3A = arith.constant true
      %reduce_min3A_290 = vector.broadcast %reduce_min3A : i1 to vector<16xi1>
      %reduce_min3A_291 = arith.constant -2147483648 : i32
      %reduce_min3A_292 = vector.broadcast %reduce_min3A_291 : i32 to vector<16xi32>
      %reduce_min3A_293 = arith.xori %select_n3A, %reduce_min3A_292 : vector<16xi32>
      %reduce_min3A_294 = tpu.scan <min>, %reduce_min3A_293 masked %reduce_min3A_290 : vector<16xi32>, vector<16xi1> -> vector<16xi32>
      %reduce_min3A_295 = arith.xori %reduce_min3A_294, %reduce_min3A_292 : vector<16xi32>
      %reduce_min3A_296 = vector.extract %reduce_min3A_295[15] : i32 from vector<16xi32>
      %min3A = arith.constant 1073741824 : i32
      %min3A_297 = arith.minsi %min3A, %reduce_min3A_296 : i32
      %get3A_298 = arith.constant 16 : index
      %get3A_299 = tpu.vector_load %arg21[%get3A_298] {strides = array<i32>} : memref<48xf32, #tpu.memory_space<vmem>>, vector<16xf32>,
      %eq3A_300 = vector.broadcast %reduce_max3A_281 : f32 to vector<16xf32>
      %eq3A_301 = arith.cmpf oeq, %get3A_299, %eq3A_300 : vector<16xf32>
      %add3A_302 = arith.constant 16 : i32
      %add3A_303 = vector.broadcast %add3A_302 : i32 to vector<16xi32>
      %add3A_304 = arith.addi %iota3A, %add3A_303 : vector<16xi32>
      %jit3A_305 = arith.constant 1073741824 : i32
      %broadcast_in_dim3A_306 = vector.broadcast %jit3A_305 : i32 to vector<16xi32>
      %select_n3A_307 = arith.select %eq3A_301, %add3A_304, %broadcast_in_dim3A_306 : vector<16xi1>, vector<16xi32>
      %reduce_min3A_308 = arith.constant true
      %reduce_min3A_309 = vector.broadcast %reduce_min3A_308 : i1 to vector<16xi1>
      %reduce_min3A_310 = arith.constant -2147483648 : i32
      %reduce_min3A_311 = vector.broadcast %reduce_min3A_310 : i32 to vector<16xi32>
      %reduce_min3A_312 = arith.xori %select_n3A_307, %reduce_min3A_311 : vector<16xi32>
      %reduce_min3A_313 = tpu.scan <min>, %reduce_min3A_312 masked %reduce_min3A_309 : vector<16xi32>, vector<16xi1> -> vector<16xi32>
      %reduce_min3A_314 = arith.xori %reduce_min3A_313, %reduce_min3A_311 : vector<16xi32>
      %reduce_min3A_315 = vector.extract %reduce_min3A_314[15] : i32 from vector<16xi32>
      %min3A_316 = arith.minsi %min3A_297, %reduce_min3A_315 : i32
      %get3A_317 = arith.constant 32 : index
      %get3A_318 = tpu.vector_load %arg21[%get3A_317] {strides = array<i32>} : memref<48xf32, #tpu.memory_space<vmem>>, vector<16xf32>,
      %eq3A_319 = vector.broadcast %reduce_max3A_281 : f32 to vector<16xf32>
      %eq3A_320 = arith.cmpf oeq, %get3A_318, %eq3A_319 : vector<16xf32>
      %add3A_321 = arith.constant 32 : i32
      %add3A_322 = vector.broadcast %add3A_321 : i32 to vector<16xi32>
      %add3A_323 = arith.addi %iota3A, %add3A_322 : vector<16xi32>
      %jit3A_324 = arith.constant 1073741824 : i32
      %broadcast_in_dim3A_325 = vector.broadcast %jit3A_324 : i32 to vector<16xi32>
      %select_n3A_326 = arith.select %eq3A_320, %add3A_323, %broadcast_in_dim3A_325 : vector<16xi1>, vector<16xi32>
      %reduce_min3A_327 = arith.constant true
      %reduce_min3A_328 = vector.broadcast %reduce_min3A_327 : i1 to vector<16xi1>
      %reduce_min3A_329 = arith.constant -2147483648 : i32
      %reduce_min3A_330 = vector.broadcast %reduce_min3A_329 : i32 to vector<16xi32>
      %reduce_min3A_331 = arith.xori %select_n3A_326, %reduce_min3A_330 : vector<16xi32>
      %reduce_min3A_332 = tpu.scan <min>, %reduce_min3A_331 masked %reduce_min3A_328 : vector<16xi32>, vector<16xi1> -> vector<16xi32>
      %reduce_min3A_333 = arith.xori %reduce_min3A_332, %reduce_min3A_330 : vector<16xi32>
      %reduce_min3A_334 = vector.extract %reduce_min3A_333[15] : i32 from vector<16xi32>
      %min3A_335 = arith.minsi %min3A_316, %reduce_min3A_334 : i32
      %min3A_336 = arith.constant 43 : i32
      %min3A_337 = arith.minsi %min3A_335, %min3A_336 : i32
      %mul3A_338 = arith.constant 16 : i32
      %mul3A_339 = arith.muli %min3A_337, %mul3A_338 : i32
      %multiple_of3A_340 = tpu.assume_multiple %mul3A_339, 16 : i32
      %get3A_341 = arith.index_cast %multiple_of3A_340 : i32 to index
      %get3A_342 = tpu.vector_load %arg20[%get3A_341] {strides = array<i32>} : memref<768xf32, #tpu.memory_space<vmem>>, vector<16xf32>,
      %eq3A_343 = vector.broadcast %reduce_max3A_281 : f32 to vector<16xf32>
      %eq3A_344 = arith.cmpf oeq, %get3A_342, %eq3A_343 : vector<16xf32>
      %jit3A_345 = arith.constant 1073741824 : i32
      %broadcast_in_dim3A_346 = vector.broadcast %jit3A_345 : i32 to vector<16xi32>
      %select_n3A_347 = arith.select %eq3A_344, %iota3A, %broadcast_in_dim3A_346 : vector<16xi1>, vector<16xi32>
      %reduce_min3A_348 = arith.constant true
      %reduce_min3A_349 = vector.broadcast %reduce_min3A_348 : i1 to vector<16xi1>
      %reduce_min3A_350 = arith.constant -2147483648 : i32
      %reduce_min3A_351 = vector.broadcast %reduce_min3A_350 : i32 to vector<16xi32>
      %reduce_min3A_352 = arith.xori %select_n3A_347, %reduce_min3A_351 : vector<16xi32>
      %reduce_min3A_353 = tpu.scan <min>, %reduce_min3A_352 masked %reduce_min3A_349 : vector<16xi32>, vector<16xi1> -> vector<16xi32>
      %reduce_min3A_354 = arith.xori %reduce_min3A_353, %reduce_min3A_351 : vector<16xi32>
      %reduce_min3A_355 = vector.extract %reduce_min3A_354[15] : i32 from vector<16xi32>
      %mul3A_356 = arith.constant 16 : i32
      %mul3A_357 = arith.muli %min3A_337, %mul3A_356 : i32
      %add3A_358 = arith.addi %mul3A_357, %reduce_min3A_355 : i32
      %min3A_359 = arith.constant 703 : i32
      %min3A_360 = arith.minsi %add3A_358, %min3A_359 : i32
      %jit3A_361 = arith.constant 8 : i32
      %div3A = arith.divsi %min3A_360, %jit3A_361 : i32
      %sign3A = arith.constant 0 : i32
      %sign3A_362 = arith.cmpi sgt, %min3A_360, %sign3A : i32
      %sign3A_363 = arith.extui %sign3A_362 : i1 to i32
      %sign3A_364 = arith.constant 0 : i32
      %sign3A_365 = arith.cmpi slt, %min3A_360, %sign3A_364 : i32
      %sign3A_366 = arith.extui %sign3A_365 : i1 to i32
      %sign3A_367 = arith.subi %sign3A_363, %sign3A_366 : i32
      %sign3A_368 = arith.constant 0 : i32
      %sign3A_369 = arith.cmpi sgt, %jit3A_361, %sign3A_368 : i32
      %sign3A_370 = arith.extui %sign3A_369 : i1 to i32
      %sign3A_371 = arith.constant 0 : i32
      %sign3A_372 = arith.cmpi slt, %jit3A_361, %sign3A_371 : i32
      %sign3A_373 = arith.extui %sign3A_372 : i1 to i32
      %sign3A_374 = arith.subi %sign3A_370, %sign3A_373 : i32
      %ne3A = arith.cmpi ne, %sign3A_367, %sign3A_374 : i32
      %rem3A = arith.remsi %min3A_360, %jit3A_361 : i32
      %ne3A_375 = arith.constant 0 : i32
      %ne3A_376 = arith.cmpi ne, %rem3A, %ne3A_375 : i32
      %and3A = arith.andi %ne3A, %ne3A_376 : i1
      %sub3A = arith.constant 1 : i32
      %sub3A_377 = arith.subi %div3A, %sub3A : i32
      %select_n3A_378 = arith.select %and3A, %sub3A_377, %div3A : i32
      %jit3A_379 = arith.constant 8 : i32
      %eq3A_380 = arith.constant 0 : i32
      %eq3A_381 = arith.cmpi eq, %jit3A_379, %eq3A_380 : i32
      %jit3A_382 = arith.constant 1 : i32
      %select_n3A_383 = arith.select %eq3A_381, %jit3A_382, %jit3A_379 : i32
      %rem3A_384 = arith.remsi %min3A_360, %select_n3A_383 : i32
      %ne3A_385 = arith.constant 0 : i32
      %ne3A_386 = arith.cmpi ne, %rem3A_384, %ne3A_385 : i32
      %lt3A_387 = arith.constant 0 : i32
      %lt3A_388 = arith.cmpi slt, %rem3A_384, %lt3A_387 : i32
      %lt3A_389 = arith.constant 0 : i32
      %lt3A_390 = arith.cmpi slt, %select_n3A_383, %lt3A_389 : i32
      %ne3A_391 = arith.xori %lt3A_388, %lt3A_390 : i1
      %and3A_392 = arith.andi %ne3A_391, %ne3A_386 : i1
      %add3A_393 = arith.addi %rem3A_384, %select_n3A_383 : i32
      %select_n3A_394 = arith.select %and3A_392, %add3A_393, %rem3A_384 : i32
      %mul3A_395 = arith.constant 16 : i32
      %mul3A_396 = arith.muli %select_n3A_394, %mul3A_395 : i32
      %multiple_of3A_397 = tpu.assume_multiple %mul3A_396, 16 : i32
      %get3A_398 = arith.index_cast %select_n3A_378 : i32 to index
      %get3A_399 = arith.index_cast %multiple_of3A_397 : i32 to index
      %get3A_400 = tpu.vector_load %arg18[%get3A_398, %get3A_399] {strides = array<i32>} : memref<88x128xf32, #tpu.memory_space<vmem>>, vector<16xf32>,
      %eq3A_401 = vector.broadcast %reduce_max3A_281 : f32 to vector<16xf32>
      %eq3A_402 = arith.cmpf oeq, %get3A_400, %eq3A_401 : vector<16xf32>
      %jit3A_403 = arith.constant 1073741824 : i32
      %broadcast_in_dim3A_404 = vector.broadcast %jit3A_403 : i32 to vector<16xi32>
      %select_n3A_405 = arith.select %eq3A_402, %iota3A, %broadcast_in_dim3A_404 : vector<16xi1>, vector<16xi32>
      %reduce_min3A_406 = arith.constant true
      %reduce_min3A_407 = vector.broadcast %reduce_min3A_406 : i1 to vector<16xi1>
      %reduce_min3A_408 = arith.constant -2147483648 : i32
      %reduce_min3A_409 = vector.broadcast %reduce_min3A_408 : i32 to vector<16xi32>
      %reduce_min3A_410 = arith.xori %select_n3A_405, %reduce_min3A_409 : vector<16xi32>
      %reduce_min3A_411 = tpu.scan <min>, %reduce_min3A_410 masked %reduce_min3A_407 : vector<16xi32>, vector<16xi1> -> vector<16xi32>
      %reduce_min3A_412 = arith.xori %reduce_min3A_411, %reduce_min3A_409 : vector<16xi32>
      %reduce_min3A_413 = vector.extract %reduce_min3A_412[15] : i32 from vector<16xi32>
      %min3A_414 = arith.constant 15 : i32
      %min3A_415 = arith.minsi %reduce_min3A_413, %min3A_414 : i32
      %mul3A_416 = arith.constant 16 : i32
      %mul3A_417 = arith.muli %min3A_360, %mul3A_416 : i32
      %add3A_418 = arith.addi %mul3A_417, %min3A_415 : i32
      %while3A = arith.constant 0xFF800000 : f32
      %while3A_419 = arith.constant 1073741824 : i32
      %while3A_420 = arith.constant 0 : i32
      %while3A_421:3 = scf.while (%while3A_422 = %while3A_420, %while3A_423 = %reduce_max3A_281, %while3A_424 = %add3A_418) : (i32, f32, i32) -> (i32, f32, i32) {
        %lt3A_425 = arith.constant 100 : i32
        %lt3A_426 = arith.cmpi slt, %while3A_422, %lt3A_425 : i32
        %gt3A = arith.cmpf ogt, %while3A_423, %while3A : f32
        %and3A_427 = arith.andi %lt3A_426, %gt3A : i1
        scf.condition(%and3A_427) %while3A_422, %while3A_423, %while3A_424 : i32, f32, i32
      } do {
      ^bb0(%while3A_422: i32, %while3A_423: f32, %while3A_424: i32):
        %jit3A_425 = arith.constant 128 : i32
        %div3A_426 = arith.divsi %while3A_424, %jit3A_425 : i32
        %sign3A_427 = arith.constant 0 : i32
        %sign3A_428 = arith.cmpi sgt, %while3A_424, %sign3A_427 : i32
        %sign3A_429 = arith.extui %sign3A_428 : i1 to i32
        %sign3A_430 = arith.constant 0 : i32
        %sign3A_431 = arith.cmpi slt, %while3A_424, %sign3A_430 : i32
        %sign3A_432 = arith.extui %sign3A_431 : i1 to i32
        %sign3A_433 = arith.subi %sign3A_429, %sign3A_432 : i32
        %sign3A_434 = arith.constant 0 : i32
        %sign3A_435 = arith.cmpi sgt, %jit3A_425, %sign3A_434 : i32
        %sign3A_436 = arith.extui %sign3A_435 : i1 to i32
        %sign3A_437 = arith.constant 0 : i32
        %sign3A_438 = arith.cmpi slt, %jit3A_425, %sign3A_437 : i32
        %sign3A_439 = arith.extui %sign3A_438 : i1 to i32
        %sign3A_440 = arith.subi %sign3A_436, %sign3A_439 : i32
        %ne3A_441 = arith.cmpi ne, %sign3A_433, %sign3A_440 : i32
        %rem3A_442 = arith.remsi %while3A_424, %jit3A_425 : i32
        %ne3A_443 = arith.constant 0 : i32
        %ne3A_444 = arith.cmpi ne, %rem3A_442, %ne3A_443 : i32
        %and3A_445 = arith.andi %ne3A_441, %ne3A_444 : i1
        %sub3A_446 = arith.constant 1 : i32
        %sub3A_447 = arith.subi %div3A_426, %sub3A_446 : i32
        %select_n3A_448 = arith.select %and3A_445, %sub3A_447, %div3A_426 : i32
        %broadcast_in_dim3A_449 = vector.broadcast %select_n3A_448 : i32 to vector<16xi32>
        %jit3A_450 = arith.constant 128 : i32
        %eq3A_451 = arith.constant 0 : i32
        %eq3A_452 = arith.cmpi eq, %jit3A_450, %eq3A_451 : i32
        %jit3A_453 = arith.constant 1 : i32
        %select_n3A_454 = arith.select %eq3A_452, %jit3A_453, %jit3A_450 : i32
        %rem3A_455 = arith.remsi %while3A_424, %select_n3A_454 : i32
        %ne3A_456 = arith.constant 0 : i32
        %ne3A_457 = arith.cmpi ne, %rem3A_455, %ne3A_456 : i32
        %lt3A_458 = arith.constant 0 : i32
        %lt3A_459 = arith.cmpi slt, %rem3A_455, %lt3A_458 : i32
        %lt3A_460 = arith.constant 0 : i32
        %lt3A_461 = arith.cmpi slt, %select_n3A_454, %lt3A_460 : i32
        %ne3A_462 = arith.xori %lt3A_459, %lt3A_461 : i1
        %and3A_463 = arith.andi %ne3A_462, %ne3A_457 : i1
        %add3A_464 = arith.addi %rem3A_455, %select_n3A_454 : i32
        %select_n3A_465 = arith.select %and3A_463, %add3A_464, %rem3A_455 : i32
        %broadcast_in_dim3A_466 = vector.broadcast %select_n3A_465 : i32 to vector<16xi32>
        %gather3A = tpu.vector_load_idx %arg14[%broadcast_in_dim3A_449, %broadcast_in_dim3A_466] : memref<88x128xf32, #tpu.memory_space<vmem>>[vector<16xi32>, vector<16xi32>], vector<16xf32>,
        %jit3A_467 = arith.constant 128 : i32
        %div3A_468 = arith.divsi %while3A_424, %jit3A_467 : i32
        %sign3A_469 = arith.constant 0 : i32
        %sign3A_470 = arith.cmpi sgt, %while3A_424, %sign3A_469 : i32
        %sign3A_471 = arith.extui %sign3A_470 : i1 to i32
        %sign3A_472 = arith.constant 0 : i32
        %sign3A_473 = arith.cmpi slt, %while3A_424, %sign3A_472 : i32
        %sign3A_474 = arith.extui %sign3A_473 : i1 to i32
        %sign3A_475 = arith.subi %sign3A_471, %sign3A_474 : i32
        %sign3A_476 = arith.constant 0 : i32
        %sign3A_477 = arith.cmpi sgt, %jit3A_467, %sign3A_476 : i32
        %sign3A_478 = arith.extui %sign3A_477 : i1 to i32
        %sign3A_479 = arith.constant 0 : i32
        %sign3A_480 = arith.cmpi slt, %jit3A_467, %sign3A_479 : i32
        %sign3A_481 = arith.extui %sign3A_480 : i1 to i32
        %sign3A_482 = arith.subi %sign3A_478, %sign3A_481 : i32
        %ne3A_483 = arith.cmpi ne, %sign3A_475, %sign3A_482 : i32
        %rem3A_484 = arith.remsi %while3A_424, %jit3A_467 : i32
        %ne3A_485 = arith.constant 0 : i32
        %ne3A_486 = arith.cmpi ne, %rem3A_484, %ne3A_485 : i32
        %and3A_487 = arith.andi %ne3A_483, %ne3A_486 : i1
        %sub3A_488 = arith.constant 1 : i32
        %sub3A_489 = arith.subi %div3A_468, %sub3A_488 : i32
        %select_n3A_490 = arith.select %and3A_487, %sub3A_489, %div3A_468 : i32
        %broadcast_in_dim3A_491 = vector.broadcast %select_n3A_490 : i32 to vector<16xi32>
        %jit3A_492 = arith.constant 128 : i32
        %eq3A_493 = arith.constant 0 : i32
        %eq3A_494 = arith.cmpi eq, %jit3A_492, %eq3A_493 : i32
        %jit3A_495 = arith.constant 1 : i32
        %select_n3A_496 = arith.select %eq3A_494, %jit3A_495, %jit3A_492 : i32
        %rem3A_497 = arith.remsi %while3A_424, %select_n3A_496 : i32
        %ne3A_498 = arith.constant 0 : i32
        %ne3A_499 = arith.cmpi ne, %rem3A_497, %ne3A_498 : i32
        %lt3A_500 = arith.constant 0 : i32
        %lt3A_501 = arith.cmpi slt, %rem3A_497, %lt3A_500 : i32
        %lt3A_502 = arith.constant 0 : i32
        %lt3A_503 = arith.cmpi slt, %select_n3A_496, %lt3A_502 : i32
        %ne3A_504 = arith.xori %lt3A_501, %lt3A_503 : i1
        %and3A_505 = arith.andi %ne3A_504, %ne3A_499 : i1
        %add3A_506 = arith.addi %rem3A_497, %select_n3A_496 : i32
        %select_n3A_507 = arith.select %and3A_505, %add3A_506, %rem3A_497 : i32
        %broadcast_in_dim3A_508 = vector.broadcast %select_n3A_507 : i32 to vector<16xi32>
        %gather3A_509 = tpu.vector_load_idx %arg15[%broadcast_in_dim3A_491, %broadcast_in_dim3A_508] : memref<88x128xf32, #tpu.memory_space<vmem>>[vector<16xi32>, vector<16xi32>], vector<16xf32>,
        %jit3A_510 = arith.constant 128 : i32
        %div3A_511 = arith.divsi %while3A_424, %jit3A_510 : i32
        %sign3A_512 = arith.constant 0 : i32
        %sign3A_513 = arith.cmpi sgt, %while3A_424, %sign3A_512 : i32
        %sign3A_514 = arith.extui %sign3A_513 : i1 to i32
        %sign3A_515 = arith.constant 0 : i32
        %sign3A_516 = arith.cmpi slt, %while3A_424, %sign3A_515 : i32
        %sign3A_517 = arith.extui %sign3A_516 : i1 to i32
        %sign3A_518 = arith.subi %sign3A_514, %sign3A_517 : i32
        %sign3A_519 = arith.constant 0 : i32
        %sign3A_520 = arith.cmpi sgt, %jit3A_510, %sign3A_519 : i32
        %sign3A_521 = arith.extui %sign3A_520 : i1 to i32
        %sign3A_522 = arith.constant 0 : i32
        %sign3A_523 = arith.cmpi slt, %jit3A_510, %sign3A_522 : i32
        %sign3A_524 = arith.extui %sign3A_523 : i1 to i32
        %sign3A_525 = arith.subi %sign3A_521, %sign3A_524 : i32
        %ne3A_526 = arith.cmpi ne, %sign3A_518, %sign3A_525 : i32
        %rem3A_527 = arith.remsi %while3A_424, %jit3A_510 : i32
        %ne3A_528 = arith.constant 0 : i32
        %ne3A_529 = arith.cmpi ne, %rem3A_527, %ne3A_528 : i32
        %and3A_530 = arith.andi %ne3A_526, %ne3A_529 : i1
        %sub3A_531 = arith.constant 1 : i32
        %sub3A_532 = arith.subi %div3A_511, %sub3A_531 : i32
        %select_n3A_533 = arith.select %and3A_530, %sub3A_532, %div3A_511 : i32
        %broadcast_in_dim3A_534 = vector.broadcast %select_n3A_533 : i32 to vector<16xi32>
        %jit3A_535 = arith.constant 128 : i32
        %eq3A_536 = arith.constant 0 : i32
        %eq3A_537 = arith.cmpi eq, %jit3A_535, %eq3A_536 : i32
        %jit3A_538 = arith.constant 1 : i32
        %select_n3A_539 = arith.select %eq3A_537, %jit3A_538, %jit3A_535 : i32
        %rem3A_540 = arith.remsi %while3A_424, %select_n3A_539 : i32
        %ne3A_541 = arith.constant 0 : i32
        %ne3A_542 = arith.cmpi ne, %rem3A_540, %ne3A_541 : i32
        %lt3A_543 = arith.constant 0 : i32
        %lt3A_544 = arith.cmpi slt, %rem3A_540, %lt3A_543 : i32
        %lt3A_545 = arith.constant 0 : i32
        %lt3A_546 = arith.cmpi slt, %select_n3A_539, %lt3A_545 : i32
        %ne3A_547 = arith.xori %lt3A_544, %lt3A_546 : i1
        %and3A_548 = arith.andi %ne3A_547, %ne3A_542 : i1
        %add3A_549 = arith.addi %rem3A_540, %select_n3A_539 : i32
        %select_n3A_550 = arith.select %and3A_548, %add3A_549, %rem3A_540 : i32
        %broadcast_in_dim3A_551 = vector.broadcast %select_n3A_550 : i32 to vector<16xi32>
        %gather3A_552 = tpu.vector_load_idx %arg16[%broadcast_in_dim3A_534, %broadcast_in_dim3A_551] : memref<88x128xf32, #tpu.memory_space<vmem>>[vector<16xi32>, vector<16xi32>], vector<16xf32>,
        %jit3A_553 = arith.constant 128 : i32
        %div3A_554 = arith.divsi %while3A_424, %jit3A_553 : i32
        %sign3A_555 = arith.constant 0 : i32
        %sign3A_556 = arith.cmpi sgt, %while3A_424, %sign3A_555 : i32
        %sign3A_557 = arith.extui %sign3A_556 : i1 to i32
        %sign3A_558 = arith.constant 0 : i32
        %sign3A_559 = arith.cmpi slt, %while3A_424, %sign3A_558 : i32
        %sign3A_560 = arith.extui %sign3A_559 : i1 to i32
        %sign3A_561 = arith.subi %sign3A_557, %sign3A_560 : i32
        %sign3A_562 = arith.constant 0 : i32
        %sign3A_563 = arith.cmpi sgt, %jit3A_553, %sign3A_562 : i32
        %sign3A_564 = arith.extui %sign3A_563 : i1 to i32
        %sign3A_565 = arith.constant 0 : i32
        %sign3A_566 = arith.cmpi slt, %jit3A_553, %sign3A_565 : i32
        %sign3A_567 = arith.extui %sign3A_566 : i1 to i32
        %sign3A_568 = arith.subi %sign3A_564, %sign3A_567 : i32
        %ne3A_569 = arith.cmpi ne, %sign3A_561, %sign3A_568 : i32
        %rem3A_570 = arith.remsi %while3A_424, %jit3A_553 : i32
        %ne3A_571 = arith.constant 0 : i32
        %ne3A_572 = arith.cmpi ne, %rem3A_570, %ne3A_571 : i32
        %and3A_573 = arith.andi %ne3A_569, %ne3A_572 : i1
        %sub3A_574 = arith.constant 1 : i32
        %sub3A_575 = arith.subi %div3A_554, %sub3A_574 : i32
        %select_n3A_576 = arith.select %and3A_573, %sub3A_575, %div3A_554 : i32
        %broadcast_in_dim3A_577 = vector.broadcast %select_n3A_576 : i32 to vector<16xi32>
        %jit3A_578 = arith.constant 128 : i32
        %eq3A_579 = arith.constant 0 : i32
        %eq3A_580 = arith.cmpi eq, %jit3A_578, %eq3A_579 : i32
        %jit3A_581 = arith.constant 1 : i32
        %select_n3A_582 = arith.select %eq3A_580, %jit3A_581, %jit3A_578 : i32
        %rem3A_583 = arith.remsi %while3A_424, %select_n3A_582 : i32
        %ne3A_584 = arith.constant 0 : i32
        %ne3A_585 = arith.cmpi ne, %rem3A_583, %ne3A_584 : i32
        %lt3A_586 = arith.constant 0 : i32
        %lt3A_587 = arith.cmpi slt, %rem3A_583, %lt3A_586 : i32
        %lt3A_588 = arith.constant 0 : i32
        %lt3A_589 = arith.cmpi slt, %select_n3A_582, %lt3A_588 : i32
        %ne3A_590 = arith.xori %lt3A_587, %lt3A_589 : i1
        %and3A_591 = arith.andi %ne3A_590, %ne3A_585 : i1
        %add3A_592 = arith.addi %rem3A_583, %select_n3A_582 : i32
        %select_n3A_593 = arith.select %and3A_591, %add3A_592, %rem3A_583 : i32
        %broadcast_in_dim3A_594 = vector.broadcast %select_n3A_593 : i32 to vector<16xi32>
        %gather3A_595 = tpu.vector_load_idx %arg17[%broadcast_in_dim3A_577, %broadcast_in_dim3A_594] : memref<88x128xf32, #tpu.memory_space<vmem>>[vector<16xi32>, vector<16xi32>], vector<16xf32>,
        %jit3A_596 = arith.constant 128 : i32
        %div3A_597 = arith.divsi %while3A_424, %jit3A_596 : i32
        %sign3A_598 = arith.constant 0 : i32
        %sign3A_599 = arith.cmpi sgt, %while3A_424, %sign3A_598 : i32
        %sign3A_600 = arith.extui %sign3A_599 : i1 to i32
        %sign3A_601 = arith.constant 0 : i32
        %sign3A_602 = arith.cmpi slt, %while3A_424, %sign3A_601 : i32
        %sign3A_603 = arith.extui %sign3A_602 : i1 to i32
        %sign3A_604 = arith.subi %sign3A_600, %sign3A_603 : i32
        %sign3A_605 = arith.constant 0 : i32
        %sign3A_606 = arith.cmpi sgt, %jit3A_596, %sign3A_605 : i32
        %sign3A_607 = arith.extui %sign3A_606 : i1 to i32
        %sign3A_608 = arith.constant 0 : i32
        %sign3A_609 = arith.cmpi slt, %jit3A_596, %sign3A_608 : i32
        %sign3A_610 = arith.extui %sign3A_609 : i1 to i32
        %sign3A_611 = arith.subi %sign3A_607, %sign3A_610 : i32
        %ne3A_612 = arith.cmpi ne, %sign3A_604, %sign3A_611 : i32
        %rem3A_613 = arith.remsi %while3A_424, %jit3A_596 : i32
        %ne3A_614 = arith.constant 0 : i32
        %ne3A_615 = arith.cmpi ne, %rem3A_613, %ne3A_614 : i32
        %and3A_616 = arith.andi %ne3A_612, %ne3A_615 : i1
        %sub3A_617 = arith.constant 1 : i32
        %sub3A_618 = arith.subi %div3A_597, %sub3A_617 : i32
        %select_n3A_619 = arith.select %and3A_616, %sub3A_618, %div3A_597 : i32
        %broadcast_in_dim3A_620 = vector.broadcast %select_n3A_619 : i32 to vector<16xi32>
        %jit3A_621 = arith.constant 128 : i32
        %eq3A_622 = arith.constant 0 : i32
        %eq3A_623 = arith.cmpi eq, %jit3A_621, %eq3A_622 : i32
        %jit3A_624 = arith.constant 1 : i32
        %select_n3A_625 = arith.select %eq3A_623, %jit3A_624, %jit3A_621 : i32
        %rem3A_626 = arith.remsi %while3A_424, %select_n3A_625 : i32
        %ne3A_627 = arith.constant 0 : i32
        %ne3A_628 = arith.cmpi ne, %rem3A_626, %ne3A_627 : i32
        %lt3A_629 = arith.constant 0 : i32
        %lt3A_630 = arith.cmpi slt, %rem3A_626, %lt3A_629 : i32
        %lt3A_631 = arith.constant 0 : i32
        %lt3A_632 = arith.cmpi slt, %select_n3A_625, %lt3A_631 : i32
        %ne3A_633 = arith.xori %lt3A_630, %lt3A_632 : i1
        %and3A_634 = arith.andi %ne3A_633, %ne3A_628 : i1
        %add3A_635 = arith.addi %rem3A_626, %select_n3A_625 : i32
        %select_n3A_636 = arith.select %and3A_634, %add3A_635, %rem3A_626 : i32
        %broadcast_in_dim3A_637 = vector.broadcast %select_n3A_636 : i32 to vector<16xi32>
        %gather3A_638 = tpu.vector_load_idx %arg19[%broadcast_in_dim3A_620, %broadcast_in_dim3A_637] : memref<88x128xi32, #tpu.memory_space<vmem>>[vector<16xi32>, vector<16xi32>], vector<16xi32>,
        %sub3A_639 = arith.subf %gather3A_552, %gather3A : vector<16xf32>
        %sub3A_640 = arith.subf %gather3A_595, %gather3A_509 : vector<16xf32>
        %mul3A_641 = arith.mulf %sub3A_639, %sub3A_640 : vector<16xf32>
        %broadcast_in_dim3A_642 = arith.constant 0.000000e+00 : f32
        %broadcast_in_dim3A_643 = vector.broadcast %broadcast_in_dim3A_642 : f32 to vector<16xf32>
        %get3A_644 = arith.constant 0 : index
        %get3A_645 = tpu.vector_load %arg22[%get3A_644] {strides = array<i32>} : memref<112xf32, #tpu.memory_space<vmem>>, vector<16xf32>,
        %get3A_646 = arith.constant 0 : index
        %get3A_647 = tpu.vector_load %arg23[%get3A_646] {strides = array<i32>} : memref<112xf32, #tpu.memory_space<vmem>>, vector<16xf32>,
        %get3A_648 = arith.constant 0 : index
        %get3A_649 = tpu.vector_load %arg24[%get3A_648] {strides = array<i32>} : memref<112xf32, #tpu.memory_space<vmem>>, vector<16xf32>,
        %get3A_650 = arith.constant 0 : index
        %get3A_651 = tpu.vector_load %arg25[%get3A_650] {strides = array<i32>} : memref<112xf32, #tpu.memory_space<vmem>>, vector<16xf32>,
        %get3A_652 = arith.constant 0 : index
        %get3A_653 = tpu.vector_load %arg26[%get3A_652] {strides = array<i32>} : memref<112xf32, #tpu.memory_space<vmem>>, vector<16xf32>,
        %max3A_654 = arith.maximumf %get3A_645, %gather3A : vector<16xf32>
        %max3A_655 = arith.maximumf %get3A_647, %gather3A_509 : vector<16xf32>
        %min3A_656 = arith.minimumf %get3A_649, %gather3A_552 : vector<16xf32>
        %min3A_657 = arith.minimumf %get3A_651, %gather3A_595 : vector<16xf32>
        %sub3A_658 = arith.subf %min3A_656, %max3A_654 : vector<16xf32>
        %jit3A_659 = arith.constant 0.000000e+00 : f32
        %max3A_660 = vector.broadcast %jit3A_659 : f32 to vector<16xf32>
        %max3A_661 = arith.maximumf %max3A_660, %sub3A_658 : vector<16xf32>
        %sub3A_662 = arith.subf %min3A_657, %max3A_655 : vector<16xf32>
        %jit3A_663 = arith.constant 0.000000e+00 : f32
        %max3A_664 = vector.broadcast %jit3A_663 : f32 to vector<16xf32>
        %max3A_665 = arith.maximumf %max3A_664, %sub3A_662 : vector<16xf32>
        %mul3A_666 = arith.mulf %max3A_661, %max3A_665 : vector<16xf32>
        %add3A_667 = arith.addf %get3A_653, %mul3A_641 : vector<16xf32>
        %sub3A_668 = arith.subf %add3A_667, %mul3A_666 : vector<16xf32>
        %add3A_669 = arith.constant 9.99999971E-10 : f32
        %add3A_670 = vector.broadcast %add3A_669 : f32 to vector<16xf32>
        %add3A_671 = arith.addf %sub3A_668, %add3A_670 : vector<16xf32>
        %div3A_672 = arith.divf %mul3A_666, %add3A_671 : vector<16xf32>
        %max3A_673 = arith.maximumf %broadcast_in_dim3A_643, %div3A_672 : vector<16xf32>
        %get3A_674 = arith.constant 16 : index
        %get3A_675 = tpu.vector_load %arg22[%get3A_674] {strides = array<i32>} : memref<112xf32, #tpu.memory_space<vmem>>, vector<16xf32>,
        %get3A_676 = arith.constant 16 : index
        %get3A_677 = tpu.vector_load %arg23[%get3A_676] {strides = array<i32>} : memref<112xf32, #tpu.memory_space<vmem>>, vector<16xf32>,
        %get3A_678 = arith.constant 16 : index
        %get3A_679 = tpu.vector_load %arg24[%get3A_678] {strides = array<i32>} : memref<112xf32, #tpu.memory_space<vmem>>, vector<16xf32>,
        %get3A_680 = arith.constant 16 : index
        %get3A_681 = tpu.vector_load %arg25[%get3A_680] {strides = array<i32>} : memref<112xf32, #tpu.memory_space<vmem>>, vector<16xf32>,
        %get3A_682 = arith.constant 16 : index
        %get3A_683 = tpu.vector_load %arg26[%get3A_682] {strides = array<i32>} : memref<112xf32, #tpu.memory_space<vmem>>, vector<16xf32>,
        %max3A_684 = arith.maximumf %get3A_675, %gather3A : vector<16xf32>
        %max3A_685 = arith.maximumf %get3A_677, %gather3A_509 : vector<16xf32>
        %min3A_686 = arith.minimumf %get3A_679, %gather3A_552 : vector<16xf32>
        %min3A_687 = arith.minimumf %get3A_681, %gather3A_595 : vector<16xf32>
        %sub3A_688 = arith.subf %min3A_686, %max3A_684 : vector<16xf32>
        %jit3A_689 = arith.constant 0.000000e+00 : f32
        %max3A_690 = vector.broadcast %jit3A_689 : f32 to vector<16xf32>
        %max3A_691 = arith.maximumf %max3A_690, %sub3A_688 : vector<16xf32>
        %sub3A_692 = arith.subf %min3A_687, %max3A_685 : vector<16xf32>
        %jit3A_693 = arith.constant 0.000000e+00 : f32
        %max3A_694 = vector.broadcast %jit3A_693 : f32 to vector<16xf32>
        %max3A_695 = arith.maximumf %max3A_694, %sub3A_692 : vector<16xf32>
        %mul3A_696 = arith.mulf %max3A_691, %max3A_695 : vector<16xf32>
        %add3A_697 = arith.addf %get3A_683, %mul3A_641 : vector<16xf32>
        %sub3A_698 = arith.subf %add3A_697, %mul3A_696 : vector<16xf32>
        %add3A_699 = arith.constant 9.99999971E-10 : f32
        %add3A_700 = vector.broadcast %add3A_699 : f32 to vector<16xf32>
        %add3A_701 = arith.addf %sub3A_698, %add3A_700 : vector<16xf32>
        %div3A_702 = arith.divf %mul3A_696, %add3A_701 : vector<16xf32>
        %max3A_703 = arith.maximumf %max3A_673, %div3A_702 : vector<16xf32>
        %get3A_704 = arith.constant 32 : index
        %get3A_705 = tpu.vector_load %arg22[%get3A_704] {strides = array<i32>} : memref<112xf32, #tpu.memory_space<vmem>>, vector<16xf32>,
        %get3A_706 = arith.constant 32 : index
        %get3A_707 = tpu.vector_load %arg23[%get3A_706] {strides = array<i32>} : memref<112xf32, #tpu.memory_space<vmem>>, vector<16xf32>,
        %get3A_708 = arith.constant 32 : index
        %get3A_709 = tpu.vector_load %arg24[%get3A_708] {strides = array<i32>} : memref<112xf32, #tpu.memory_space<vmem>>, vector<16xf32>,
        %get3A_710 = arith.constant 32 : index
        %get3A_711 = tpu.vector_load %arg25[%get3A_710] {strides = array<i32>} : memref<112xf32, #tpu.memory_space<vmem>>, vector<16xf32>,
        %get3A_712 = arith.constant 32 : index
        %get3A_713 = tpu.vector_load %arg26[%get3A_712] {strides = array<i32>} : memref<112xf32, #tpu.memory_space<vmem>>, vector<16xf32>,
        %max3A_714 = arith.maximumf %get3A_705, %gather3A : vector<16xf32>
        %max3A_715 = arith.maximumf %get3A_707, %gather3A_509 : vector<16xf32>
        %min3A_716 = arith.minimumf %get3A_709, %gather3A_552 : vector<16xf32>
        %min3A_717 = arith.minimumf %get3A_711, %gather3A_595 : vector<16xf32>
        %sub3A_718 = arith.subf %min3A_716, %max3A_714 : vector<16xf32>
        %jit3A_719 = arith.constant 0.000000e+00 : f32
        %max3A_720 = vector.broadcast %jit3A_719 : f32 to vector<16xf32>
        %max3A_721 = arith.maximumf %max3A_720, %sub3A_718 : vector<16xf32>
        %sub3A_722 = arith.subf %min3A_717, %max3A_715 : vector<16xf32>
        %jit3A_723 = arith.constant 0.000000e+00 : f32
        %max3A_724 = vector.broadcast %jit3A_723 : f32 to vector<16xf32>
        %max3A_725 = arith.maximumf %max3A_724, %sub3A_722 : vector<16xf32>
        %mul3A_726 = arith.mulf %max3A_721, %max3A_725 : vector<16xf32>
        %add3A_727 = arith.addf %get3A_713, %mul3A_641 : vector<16xf32>
        %sub3A_728 = arith.subf %add3A_727, %mul3A_726 : vector<16xf32>
        %add3A_729 = arith.constant 9.99999971E-10 : f32
        %add3A_730 = vector.broadcast %add3A_729 : f32 to vector<16xf32>
        %add3A_731 = arith.addf %sub3A_728, %add3A_730 : vector<16xf32>
        %div3A_732 = arith.divf %mul3A_726, %add3A_731 : vector<16xf32>
        %max3A_733 = arith.maximumf %max3A_703, %div3A_732 : vector<16xf32>
        %get3A_734 = arith.constant 48 : index
        %get3A_735 = tpu.vector_load %arg22[%get3A_734] {strides = array<i32>} : memref<112xf32, #tpu.memory_space<vmem>>, vector<16xf32>,
        %get3A_736 = arith.constant 48 : index
        %get3A_737 = tpu.vector_load %arg23[%get3A_736] {strides = array<i32>} : memref<112xf32, #tpu.memory_space<vmem>>, vector<16xf32>,
        %get3A_738 = arith.constant 48 : index
        %get3A_739 = tpu.vector_load %arg24[%get3A_738] {strides = array<i32>} : memref<112xf32, #tpu.memory_space<vmem>>, vector<16xf32>,
        %get3A_740 = arith.constant 48 : index
        %get3A_741 = tpu.vector_load %arg25[%get3A_740] {strides = array<i32>} : memref<112xf32, #tpu.memory_space<vmem>>, vector<16xf32>,
        %get3A_742 = arith.constant 48 : index
        %get3A_743 = tpu.vector_load %arg26[%get3A_742] {strides = array<i32>} : memref<112xf32, #tpu.memory_space<vmem>>, vector<16xf32>,
        %max3A_744 = arith.maximumf %get3A_735, %gather3A : vector<16xf32>
        %max3A_745 = arith.maximumf %get3A_737, %gather3A_509 : vector<16xf32>
        %min3A_746 = arith.minimumf %get3A_739, %gather3A_552 : vector<16xf32>
        %min3A_747 = arith.minimumf %get3A_741, %gather3A_595 : vector<16xf32>
        %sub3A_748 = arith.subf %min3A_746, %max3A_744 : vector<16xf32>
        %jit3A_749 = arith.constant 0.000000e+00 : f32
        %max3A_750 = vector.broadcast %jit3A_749 : f32 to vector<16xf32>
        %max3A_751 = arith.maximumf %max3A_750, %sub3A_748 : vector<16xf32>
        %sub3A_752 = arith.subf %min3A_747, %max3A_745 : vector<16xf32>
        %jit3A_753 = arith.constant 0.000000e+00 : f32
        %max3A_754 = vector.broadcast %jit3A_753 : f32 to vector<16xf32>
        %max3A_755 = arith.maximumf %max3A_754, %sub3A_752 : vector<16xf32>
        %mul3A_756 = arith.mulf %max3A_751, %max3A_755 : vector<16xf32>
        %add3A_757 = arith.addf %get3A_743, %mul3A_641 : vector<16xf32>
        %sub3A_758 = arith.subf %add3A_757, %mul3A_756 : vector<16xf32>
        %add3A_759 = arith.constant 9.99999971E-10 : f32
        %add3A_760 = vector.broadcast %add3A_759 : f32 to vector<16xf32>
        %add3A_761 = arith.addf %sub3A_758, %add3A_760 : vector<16xf32>
        %div3A_762 = arith.divf %mul3A_756, %add3A_761 : vector<16xf32>
        %max3A_763 = arith.maximumf %max3A_733, %div3A_762 : vector<16xf32>
        %get3A_764 = arith.constant 64 : index
        %get3A_765 = tpu.vector_load %arg22[%get3A_764] {strides = array<i32>} : memref<112xf32, #tpu.memory_space<vmem>>, vector<16xf32>,
        %get3A_766 = arith.constant 64 : index
        %get3A_767 = tpu.vector_load %arg23[%get3A_766] {strides = array<i32>} : memref<112xf32, #tpu.memory_space<vmem>>, vector<16xf32>,
        %get3A_768 = arith.constant 64 : index
        %get3A_769 = tpu.vector_load %arg24[%get3A_768] {strides = array<i32>} : memref<112xf32, #tpu.memory_space<vmem>>, vector<16xf32>,
        %get3A_770 = arith.constant 64 : index
        %get3A_771 = tpu.vector_load %arg25[%get3A_770] {strides = array<i32>} : memref<112xf32, #tpu.memory_space<vmem>>, vector<16xf32>,
        %get3A_772 = arith.constant 64 : index
        %get3A_773 = tpu.vector_load %arg26[%get3A_772] {strides = array<i32>} : memref<112xf32, #tpu.memory_space<vmem>>, vector<16xf32>,
        %max3A_774 = arith.maximumf %get3A_765, %gather3A : vector<16xf32>
        %max3A_775 = arith.maximumf %get3A_767, %gather3A_509 : vector<16xf32>
        %min3A_776 = arith.minimumf %get3A_769, %gather3A_552 : vector<16xf32>
        %min3A_777 = arith.minimumf %get3A_771, %gather3A_595 : vector<16xf32>
        %sub3A_778 = arith.subf %min3A_776, %max3A_774 : vector<16xf32>
        %jit3A_779 = arith.constant 0.000000e+00 : f32
        %max3A_780 = vector.broadcast %jit3A_779 : f32 to vector<16xf32>
        %max3A_781 = arith.maximumf %max3A_780, %sub3A_778 : vector<16xf32>
        %sub3A_782 = arith.subf %min3A_777, %max3A_775 : vector<16xf32>
        %jit3A_783 = arith.constant 0.000000e+00 : f32
        %max3A_784 = vector.broadcast %jit3A_783 : f32 to vector<16xf32>
        %max3A_785 = arith.maximumf %max3A_784, %sub3A_782 : vector<16xf32>
        %mul3A_786 = arith.mulf %max3A_781, %max3A_785 : vector<16xf32>
        %add3A_787 = arith.addf %get3A_773, %mul3A_641 : vector<16xf32>
        %sub3A_788 = arith.subf %add3A_787, %mul3A_786 : vector<16xf32>
        %add3A_789 = arith.constant 9.99999971E-10 : f32
        %add3A_790 = vector.broadcast %add3A_789 : f32 to vector<16xf32>
        %add3A_791 = arith.addf %sub3A_788, %add3A_790 : vector<16xf32>
        %div3A_792 = arith.divf %mul3A_786, %add3A_791 : vector<16xf32>
        %max3A_793 = arith.maximumf %max3A_763, %div3A_792 : vector<16xf32>
        %get3A_794 = arith.constant 80 : index
        %get3A_795 = tpu.vector_load %arg22[%get3A_794] {strides = array<i32>} : memref<112xf32, #tpu.memory_space<vmem>>, vector<16xf32>,
        %get3A_796 = arith.constant 80 : index
        %get3A_797 = tpu.vector_load %arg23[%get3A_796] {strides = array<i32>} : memref<112xf32, #tpu.memory_space<vmem>>, vector<16xf32>,
        %get3A_798 = arith.constant 80 : index
        %get3A_799 = tpu.vector_load %arg24[%get3A_798] {strides = array<i32>} : memref<112xf32, #tpu.memory_space<vmem>>, vector<16xf32>,
        %get3A_800 = arith.constant 80 : index
        %get3A_801 = tpu.vector_load %arg25[%get3A_800] {strides = array<i32>} : memref<112xf32, #tpu.memory_space<vmem>>, vector<16xf32>,
        %get3A_802 = arith.constant 80 : index
        %get3A_803 = tpu.vector_load %arg26[%get3A_802] {strides = array<i32>} : memref<112xf32, #tpu.memory_space<vmem>>, vector<16xf32>,
        %max3A_804 = arith.maximumf %get3A_795, %gather3A : vector<16xf32>
        %max3A_805 = arith.maximumf %get3A_797, %gather3A_509 : vector<16xf32>
        %min3A_806 = arith.minimumf %get3A_799, %gather3A_552 : vector<16xf32>
        %min3A_807 = arith.minimumf %get3A_801, %gather3A_595 : vector<16xf32>
        %sub3A_808 = arith.subf %min3A_806, %max3A_804 : vector<16xf32>
        %jit3A_809 = arith.constant 0.000000e+00 : f32
        %max3A_810 = vector.broadcast %jit3A_809 : f32 to vector<16xf32>
        %max3A_811 = arith.maximumf %max3A_810, %sub3A_808 : vector<16xf32>
        %sub3A_812 = arith.subf %min3A_807, %max3A_805 : vector<16xf32>
        %jit3A_813 = arith.constant 0.000000e+00 : f32
        %max3A_814 = vector.broadcast %jit3A_813 : f32 to vector<16xf32>
        %max3A_815 = arith.maximumf %max3A_814, %sub3A_812 : vector<16xf32>
        %mul3A_816 = arith.mulf %max3A_811, %max3A_815 : vector<16xf32>
        %add3A_817 = arith.addf %get3A_803, %mul3A_641 : vector<16xf32>
        %sub3A_818 = arith.subf %add3A_817, %mul3A_816 : vector<16xf32>
        %add3A_819 = arith.constant 9.99999971E-10 : f32
        %add3A_820 = vector.broadcast %add3A_819 : f32 to vector<16xf32>
        %add3A_821 = arith.addf %sub3A_818, %add3A_820 : vector<16xf32>
        %div3A_822 = arith.divf %mul3A_816, %add3A_821 : vector<16xf32>
        %max3A_823 = arith.maximumf %max3A_793, %div3A_822 : vector<16xf32>
        %get3A_824 = arith.constant 96 : index
        %get3A_825 = tpu.vector_load %arg22[%get3A_824] {strides = array<i32>} : memref<112xf32, #tpu.memory_space<vmem>>, vector<16xf32>,
        %get3A_826 = arith.constant 96 : index
        %get3A_827 = tpu.vector_load %arg23[%get3A_826] {strides = array<i32>} : memref<112xf32, #tpu.memory_space<vmem>>, vector<16xf32>,
        %get3A_828 = arith.constant 96 : index
        %get3A_829 = tpu.vector_load %arg24[%get3A_828] {strides = array<i32>} : memref<112xf32, #tpu.memory_space<vmem>>, vector<16xf32>,
        %get3A_830 = arith.constant 96 : index
        %get3A_831 = tpu.vector_load %arg25[%get3A_830] {strides = array<i32>} : memref<112xf32, #tpu.memory_space<vmem>>, vector<16xf32>,
        %get3A_832 = arith.constant 96 : index
        %get3A_833 = tpu.vector_load %arg26[%get3A_832] {strides = array<i32>} : memref<112xf32, #tpu.memory_space<vmem>>, vector<16xf32>,
        %max3A_834 = arith.maximumf %get3A_825, %gather3A : vector<16xf32>
        %max3A_835 = arith.maximumf %get3A_827, %gather3A_509 : vector<16xf32>
        %min3A_836 = arith.minimumf %get3A_829, %gather3A_552 : vector<16xf32>
        %min3A_837 = arith.minimumf %get3A_831, %gather3A_595 : vector<16xf32>
        %sub3A_838 = arith.subf %min3A_836, %max3A_834 : vector<16xf32>
        %jit3A_839 = arith.constant 0.000000e+00 : f32
        %max3A_840 = vector.broadcast %jit3A_839 : f32 to vector<16xf32>
        %max3A_841 = arith.maximumf %max3A_840, %sub3A_838 : vector<16xf32>
        %sub3A_842 = arith.subf %min3A_837, %max3A_835 : vector<16xf32>
        %jit3A_843 = arith.constant 0.000000e+00 : f32
        %max3A_844 = vector.broadcast %jit3A_843 : f32 to vector<16xf32>
        %max3A_845 = arith.maximumf %max3A_844, %sub3A_842 : vector<16xf32>
        %mul3A_846 = arith.mulf %max3A_841, %max3A_845 : vector<16xf32>
        %add3A_847 = arith.addf %get3A_833, %mul3A_641 : vector<16xf32>
        %sub3A_848 = arith.subf %add3A_847, %mul3A_846 : vector<16xf32>
        %add3A_849 = arith.constant 9.99999971E-10 : f32
        %add3A_850 = vector.broadcast %add3A_849 : f32 to vector<16xf32>
        %add3A_851 = arith.addf %sub3A_848, %add3A_850 : vector<16xf32>
        %div3A_852 = arith.divf %mul3A_846, %add3A_851 : vector<16xf32>
        %max3A_853 = arith.maximumf %max3A_823, %div3A_852 : vector<16xf32>
        %reduce_max3A_854 = arith.constant true
        %reduce_max3A_855 = vector.broadcast %reduce_max3A_854 : i1 to vector<16xi1>
        %reduce_max3A_856 = tpu.scan <max>, %max3A_853 masked %reduce_max3A_855 : vector<16xf32>, vector<16xi1> -> vector<16xf32>
        %reduce_max3A_857 = vector.extract %reduce_max3A_856[15] : f32 from vector<16xf32>
        %gt3A = arith.constant 5.000000e-01 : f32
        %gt3A_858 = arith.cmpf ogt, %reduce_max3A_857, %gt3A : f32
        %not3A = arith.constant true
        %not3A_859 = arith.xori %gt3A_858, %not3A : i1
        %convert_element_type3A_860 = arith.extui %not3A_859 : i1 to i32
        %cond3A_861 = arith.constant 0 : i32
        %cond3A_862 = arith.cmpi ne, %convert_element_type3A_860, %cond3A_861 : i32
        scf.if %cond3A_862 {
          %broadcast_in_dim3A_1173 = vector.broadcast %while3A_422 : i32 to vector<16xi32>
          tpu.vector_store_idx %arg22[%broadcast_in_dim3A_1173], %gather3A masked %eq3A_9 : memref<112xf32, #tpu.memory_space<vmem>>[vector<16xi32>], vector<16xf32>, vector<16xi1>
          %broadcast_in_dim3A_1174 = vector.broadcast %while3A_422 : i32 to vector<16xi32>
          tpu.vector_store_idx %arg23[%broadcast_in_dim3A_1174], %gather3A_509 masked %eq3A_9 : memref<112xf32, #tpu.memory_space<vmem>>[vector<16xi32>], vector<16xf32>, vector<16xi1>
          %broadcast_in_dim3A_1175 = vector.broadcast %while3A_422 : i32 to vector<16xi32>
          tpu.vector_store_idx %arg24[%broadcast_in_dim3A_1175], %gather3A_552 masked %eq3A_9 : memref<112xf32, #tpu.memory_space<vmem>>[vector<16xi32>], vector<16xf32>, vector<16xi1>
          %broadcast_in_dim3A_1176 = vector.broadcast %while3A_422 : i32 to vector<16xi32>
          tpu.vector_store_idx %arg25[%broadcast_in_dim3A_1176], %gather3A_595 masked %eq3A_9 : memref<112xf32, #tpu.memory_space<vmem>>[vector<16xi32>], vector<16xf32>, vector<16xi1>
          %broadcast_in_dim3A_1177 = vector.broadcast %while3A_422 : i32 to vector<16xi32>
          tpu.vector_store_idx %arg26[%broadcast_in_dim3A_1177], %mul3A_641 masked %eq3A_9 : memref<112xf32, #tpu.memory_space<vmem>>[vector<16xi32>], vector<16xf32>, vector<16xi1>
          %convert_element_type3A_1178 = arith.sitofp %gather3A_638 : vector<16xi32> to vector<16xf32>
          %mul3A_1179 = arith.constant 4.170000e+02 : f32
          %mul3A_1180 = vector.broadcast %mul3A_1179 : f32 to vector<16xf32>
          %mul3A_1181 = arith.mulf %convert_element_type3A_1178, %mul3A_1180 : vector<16xf32>
          %broadcast_in_dim3A_1182 = vector.broadcast %while3A_423 : f32 to vector<16xf32>
          %broadcast_in_dim3A_1183 = vector.broadcast %while3A_422 : i32 to vector<16xi32>
          tpu.vector_store_idx %arg27[%broadcast_in_dim3A_1183], %broadcast_in_dim3A_1182 masked %eq3A_9 : memref<128xf32, #tpu.memory_space<vmem>>[vector<16xi32>], vector<16xf32>, vector<16xi1>
          %broadcast_in_dim3A_1184 = vector.broadcast %while3A_422 : i32 to vector<16xi32>
          tpu.vector_store_idx %arg28[%broadcast_in_dim3A_1184], %gather3A_638 masked %eq3A_9 : memref<128xi32, #tpu.memory_space<vmem>>[vector<16xi32>], vector<16xi32>, vector<16xi1>
          %sub3A_1185 = arith.subf %gather3A, %mul3A_1181 : vector<16xf32>
          %broadcast_in_dim3A_1186 = vector.broadcast %while3A_422 : i32 to vector<16xi32>
          tpu.vector_store_idx %arg29[%broadcast_in_dim3A_1186], %sub3A_1185 masked %eq3A_9 : memref<128xf32, #tpu.memory_space<vmem>>[vector<16xi32>], vector<16xf32>, vector<16xi1>
          %sub3A_1187 = arith.subf %gather3A_509, %mul3A_1181 : vector<16xf32>
          %broadcast_in_dim3A_1188 = vector.broadcast %while3A_422 : i32 to vector<16xi32>
          tpu.vector_store_idx %arg30[%broadcast_in_dim3A_1188], %sub3A_1187 masked %eq3A_9 : memref<128xf32, #tpu.memory_space<vmem>>[vector<16xi32>], vector<16xf32>, vector<16xi1>
          %sub3A_1189 = arith.subf %gather3A_552, %mul3A_1181 : vector<16xf32>
          %broadcast_in_dim3A_1190 = vector.broadcast %while3A_422 : i32 to vector<16xi32>
          tpu.vector_store_idx %arg31[%broadcast_in_dim3A_1190], %sub3A_1189 masked %eq3A_9 : memref<128xf32, #tpu.memory_space<vmem>>[vector<16xi32>], vector<16xf32>, vector<16xi1>
          %sub3A_1191 = arith.subf %gather3A_595, %mul3A_1181 : vector<16xf32>
          %broadcast_in_dim3A_1192 = vector.broadcast %while3A_422 : i32 to vector<16xi32>
          tpu.vector_store_idx %arg32[%broadcast_in_dim3A_1192], %sub3A_1191 masked %eq3A_9 : memref<128xf32, #tpu.memory_space<vmem>>[vector<16xi32>], vector<16xf32>, vector<16xi1>
        } else {
        }
        %jit3A_863 = arith.constant 0 : i32
        %jit3A_864 = arith.constant 1 : i32
        %select_n3A_865 = arith.select %gt3A_858, %jit3A_863, %jit3A_864 : i32
        %add3A_866 = arith.addi %while3A_422, %select_n3A_865 : i32
        %jit3A_867 = arith.constant 128 : i32
        %div3A_868 = arith.divsi %while3A_424, %jit3A_867 : i32
        %sign3A_869 = arith.constant 0 : i32
        %sign3A_870 = arith.cmpi sgt, %while3A_424, %sign3A_869 : i32
        %sign3A_871 = arith.extui %sign3A_870 : i1 to i32
        %sign3A_872 = arith.constant 0 : i32
        %sign3A_873 = arith.cmpi slt, %while3A_424, %sign3A_872 : i32
        %sign3A_874 = arith.extui %sign3A_873 : i1 to i32
        %sign3A_875 = arith.subi %sign3A_871, %sign3A_874 : i32
        %sign3A_876 = arith.constant 0 : i32
        %sign3A_877 = arith.cmpi sgt, %jit3A_867, %sign3A_876 : i32
        %sign3A_878 = arith.extui %sign3A_877 : i1 to i32
        %sign3A_879 = arith.constant 0 : i32
        %sign3A_880 = arith.cmpi slt, %jit3A_867, %sign3A_879 : i32
        %sign3A_881 = arith.extui %sign3A_880 : i1 to i32
        %sign3A_882 = arith.subi %sign3A_878, %sign3A_881 : i32
        %ne3A_883 = arith.cmpi ne, %sign3A_875, %sign3A_882 : i32
        %rem3A_884 = arith.remsi %while3A_424, %jit3A_867 : i32
        %ne3A_885 = arith.constant 0 : i32
        %ne3A_886 = arith.cmpi ne, %rem3A_884, %ne3A_885 : i32
        %and3A_887 = arith.andi %ne3A_883, %ne3A_886 : i1
        %sub3A_888 = arith.constant 1 : i32
        %sub3A_889 = arith.subi %div3A_868, %sub3A_888 : i32
        %select_n3A_890 = arith.select %and3A_887, %sub3A_889, %div3A_868 : i32
        %broadcast_in_dim3A_891 = vector.broadcast %select_n3A_890 : i32 to vector<16xi32>
        %jit3A_892 = arith.constant 128 : i32
        %eq3A_893 = arith.constant 0 : i32
        %eq3A_894 = arith.cmpi eq, %jit3A_892, %eq3A_893 : i32
        %jit3A_895 = arith.constant 1 : i32
        %select_n3A_896 = arith.select %eq3A_894, %jit3A_895, %jit3A_892 : i32
        %rem3A_897 = arith.remsi %while3A_424, %select_n3A_896 : i32
        %ne3A_898 = arith.constant 0 : i32
        %ne3A_899 = arith.cmpi ne, %rem3A_897, %ne3A_898 : i32
        %lt3A_900 = arith.constant 0 : i32
        %lt3A_901 = arith.cmpi slt, %rem3A_897, %lt3A_900 : i32
        %lt3A_902 = arith.constant 0 : i32
        %lt3A_903 = arith.cmpi slt, %select_n3A_896, %lt3A_902 : i32
        %ne3A_904 = arith.xori %lt3A_901, %lt3A_903 : i1
        %and3A_905 = arith.andi %ne3A_904, %ne3A_899 : i1
        %add3A_906 = arith.addi %rem3A_897, %select_n3A_896 : i32
        %select_n3A_907 = arith.select %and3A_905, %add3A_906, %rem3A_897 : i32
        %broadcast_in_dim3A_908 = vector.broadcast %select_n3A_907 : i32 to vector<16xi32>
        tpu.vector_store_idx %arg18[%broadcast_in_dim3A_891, %broadcast_in_dim3A_908], %broadcast_in_dim3A_7 masked %eq3A_9 : memref<88x128xf32, #tpu.memory_space<vmem>>[vector<16xi32>, vector<16xi32>], vector<16xf32>, vector<16xi1>
        %jit3A_909 = arith.constant 16 : i32
        %div3A_910 = arith.divsi %while3A_424, %jit3A_909 : i32
        %sign3A_911 = arith.constant 0 : i32
        %sign3A_912 = arith.cmpi sgt, %while3A_424, %sign3A_911 : i32
        %sign3A_913 = arith.extui %sign3A_912 : i1 to i32
        %sign3A_914 = arith.constant 0 : i32
        %sign3A_915 = arith.cmpi slt, %while3A_424, %sign3A_914 : i32
        %sign3A_916 = arith.extui %sign3A_915 : i1 to i32
        %sign3A_917 = arith.subi %sign3A_913, %sign3A_916 : i32
        %sign3A_918 = arith.constant 0 : i32
        %sign3A_919 = arith.cmpi sgt, %jit3A_909, %sign3A_918 : i32
        %sign3A_920 = arith.extui %sign3A_919 : i1 to i32
        %sign3A_921 = arith.constant 0 : i32
        %sign3A_922 = arith.cmpi slt, %jit3A_909, %sign3A_921 : i32
        %sign3A_923 = arith.extui %sign3A_922 : i1 to i32
        %sign3A_924 = arith.subi %sign3A_920, %sign3A_923 : i32
        %ne3A_925 = arith.cmpi ne, %sign3A_917, %sign3A_924 : i32
        %rem3A_926 = arith.remsi %while3A_424, %jit3A_909 : i32
        %ne3A_927 = arith.constant 0 : i32
        %ne3A_928 = arith.cmpi ne, %rem3A_926, %ne3A_927 : i32
        %and3A_929 = arith.andi %ne3A_925, %ne3A_928 : i1
        %sub3A_930 = arith.constant 1 : i32
        %sub3A_931 = arith.subi %div3A_910, %sub3A_930 : i32
        %select_n3A_932 = arith.select %and3A_929, %sub3A_931, %div3A_910 : i32
        %jit3A_933 = arith.constant 16 : i32
        %div3A_934 = arith.divsi %select_n3A_932, %jit3A_933 : i32
        %sign3A_935 = arith.constant 0 : i32
        %sign3A_936 = arith.cmpi sgt, %select_n3A_932, %sign3A_935 : i32
        %sign3A_937 = arith.extui %sign3A_936 : i1 to i32
        %sign3A_938 = arith.constant 0 : i32
        %sign3A_939 = arith.cmpi slt, %select_n3A_932, %sign3A_938 : i32
        %sign3A_940 = arith.extui %sign3A_939 : i1 to i32
        %sign3A_941 = arith.subi %sign3A_937, %sign3A_940 : i32
        %sign3A_942 = arith.constant 0 : i32
        %sign3A_943 = arith.cmpi sgt, %jit3A_933, %sign3A_942 : i32
        %sign3A_944 = arith.extui %sign3A_943 : i1 to i32
        %sign3A_945 = arith.constant 0 : i32
        %sign3A_946 = arith.cmpi slt, %jit3A_933, %sign3A_945 : i32
        %sign3A_947 = arith.extui %sign3A_946 : i1 to i32
        %sign3A_948 = arith.subi %sign3A_944, %sign3A_947 : i32
        %ne3A_949 = arith.cmpi ne, %sign3A_941, %sign3A_948 : i32
        %rem3A_950 = arith.remsi %select_n3A_932, %jit3A_933 : i32
        %ne3A_951 = arith.constant 0 : i32
        %ne3A_952 = arith.cmpi ne, %rem3A_950, %ne3A_951 : i32
        %and3A_953 = arith.andi %ne3A_949, %ne3A_952 : i1
        %sub3A_954 = arith.constant 1 : i32
        %sub3A_955 = arith.subi %div3A_934, %sub3A_954 : i32
        %select_n3A_956 = arith.select %and3A_953, %sub3A_955, %div3A_934 : i32
        %jit3A_957 = arith.constant 8 : i32
        %div3A_958 = arith.divsi %select_n3A_932, %jit3A_957 : i32
        %sign3A_959 = arith.constant 0 : i32
        %sign3A_960 = arith.cmpi sgt, %select_n3A_932, %sign3A_959 : i32
        %sign3A_961 = arith.extui %sign3A_960 : i1 to i32
        %sign3A_962 = arith.constant 0 : i32
        %sign3A_963 = arith.cmpi slt, %select_n3A_932, %sign3A_962 : i32
        %sign3A_964 = arith.extui %sign3A_963 : i1 to i32
        %sign3A_965 = arith.subi %sign3A_961, %sign3A_964 : i32
        %sign3A_966 = arith.constant 0 : i32
        %sign3A_967 = arith.cmpi sgt, %jit3A_957, %sign3A_966 : i32
        %sign3A_968 = arith.extui %sign3A_967 : i1 to i32
        %sign3A_969 = arith.constant 0 : i32
        %sign3A_970 = arith.cmpi slt, %jit3A_957, %sign3A_969 : i32
        %sign3A_971 = arith.extui %sign3A_970 : i1 to i32
        %sign3A_972 = arith.subi %sign3A_968, %sign3A_971 : i32
        %ne3A_973 = arith.cmpi ne, %sign3A_965, %sign3A_972 : i32
        %rem3A_974 = arith.remsi %select_n3A_932, %jit3A_957 : i32
        %ne3A_975 = arith.constant 0 : i32
        %ne3A_976 = arith.cmpi ne, %rem3A_974, %ne3A_975 : i32
        %and3A_977 = arith.andi %ne3A_973, %ne3A_976 : i1
        %sub3A_978 = arith.constant 1 : i32
        %sub3A_979 = arith.subi %div3A_958, %sub3A_978 : i32
        %select_n3A_980 = arith.select %and3A_977, %sub3A_979, %div3A_958 : i32
        %jit3A_981 = arith.constant 8 : i32
        %eq3A_982 = arith.constant 0 : i32
        %eq3A_983 = arith.cmpi eq, %jit3A_981, %eq3A_982 : i32
        %jit3A_984 = arith.constant 1 : i32
        %select_n3A_985 = arith.select %eq3A_983, %jit3A_984, %jit3A_981 : i32
        %rem3A_986 = arith.remsi %select_n3A_932, %select_n3A_985 : i32
        %ne3A_987 = arith.constant 0 : i32
        %ne3A_988 = arith.cmpi ne, %rem3A_986, %ne3A_987 : i32
        %lt3A_989 = arith.constant 0 : i32
        %lt3A_990 = arith.cmpi slt, %rem3A_986, %lt3A_989 : i32
        %lt3A_991 = arith.constant 0 : i32
        %lt3A_992 = arith.cmpi slt, %select_n3A_985, %lt3A_991 : i32
        %ne3A_993 = arith.xori %lt3A_990, %lt3A_992 : i1
        %and3A_994 = arith.andi %ne3A_993, %ne3A_988 : i1
        %add3A_995 = arith.addi %rem3A_986, %select_n3A_985 : i32
        %select_n3A_996 = arith.select %and3A_994, %add3A_995, %rem3A_986 : i32
        %mul3A_997 = arith.constant 16 : i32
        %mul3A_998 = arith.muli %select_n3A_996, %mul3A_997 : i32
        %multiple_of3A_999 = tpu.assume_multiple %mul3A_998, 16 : i32
        %get3A_1000 = arith.index_cast %select_n3A_980 : i32 to index
        %get3A_1001 = arith.index_cast %multiple_of3A_999 : i32 to index
        %get3A_1002 = tpu.vector_load %arg18[%get3A_1000, %get3A_1001] {strides = array<i32>} : memref<88x128xf32, #tpu.memory_space<vmem>>, vector<16xf32>,
        %reduce_max3A_1003 = arith.constant true
        %reduce_max3A_1004 = vector.broadcast %reduce_max3A_1003 : i1 to vector<16xi1>
        %reduce_max3A_1005 = tpu.scan <max>, %get3A_1002 masked %reduce_max3A_1004 : vector<16xf32>, vector<16xi1> -> vector<16xf32>
        %reduce_max3A_1006 = vector.extract %reduce_max3A_1005[15] : f32 from vector<16xf32>
        %broadcast_in_dim3A_1007 = vector.broadcast %reduce_max3A_1006 : f32 to vector<16xf32>
        %broadcast_in_dim3A_1008 = vector.broadcast %select_n3A_932 : i32 to vector<16xi32>
        tpu.vector_store_idx %arg20[%broadcast_in_dim3A_1008], %broadcast_in_dim3A_1007 masked %eq3A_9 : memref<768xf32, #tpu.memory_space<vmem>>[vector<16xi32>], vector<16xf32>, vector<16xi1>
        %mul3A_1009 = arith.constant 16 : i32
        %mul3A_1010 = arith.muli %select_n3A_956, %mul3A_1009 : i32
        %multiple_of3A_1011 = tpu.assume_multiple %mul3A_1010, 16 : i32
        %get3A_1012 = arith.index_cast %multiple_of3A_1011 : i32 to index
        %get3A_1013 = tpu.vector_load %arg20[%get3A_1012] {strides = array<i32>} : memref<768xf32, #tpu.memory_space<vmem>>, vector<16xf32>,
        %reduce_max3A_1014 = arith.constant true
        %reduce_max3A_1015 = vector.broadcast %reduce_max3A_1014 : i1 to vector<16xi1>
        %reduce_max3A_1016 = tpu.scan <max>, %get3A_1013 masked %reduce_max3A_1015 : vector<16xf32>, vector<16xi1> -> vector<16xf32>
        %reduce_max3A_1017 = vector.extract %reduce_max3A_1016[15] : f32 from vector<16xf32>
        %broadcast_in_dim3A_1018 = vector.broadcast %reduce_max3A_1017 : f32 to vector<16xf32>
        %broadcast_in_dim3A_1019 = vector.broadcast %select_n3A_956 : i32 to vector<16xi32>
        tpu.vector_store_idx %arg21[%broadcast_in_dim3A_1019], %broadcast_in_dim3A_1018 masked %eq3A_9 : memref<48xf32, #tpu.memory_space<vmem>>[vector<16xi32>], vector<16xf32>, vector<16xi1>
        %get3A_1020 = arith.constant 0 : index
        %get3A_1021 = tpu.vector_load %arg21[%get3A_1020] {strides = array<i32>} : memref<48xf32, #tpu.memory_space<vmem>>, vector<16xf32>,
        %get3A_1022 = arith.constant 16 : index
        %get3A_1023 = tpu.vector_load %arg21[%get3A_1022] {strides = array<i32>} : memref<48xf32, #tpu.memory_space<vmem>>, vector<16xf32>,
        %max3A_1024 = arith.maximumf %get3A_1021, %get3A_1023 : vector<16xf32>
        %get3A_1025 = arith.constant 32 : index
        %get3A_1026 = tpu.vector_load %arg21[%get3A_1025] {strides = array<i32>} : memref<48xf32, #tpu.memory_space<vmem>>, vector<16xf32>,
        %max3A_1027 = arith.maximumf %max3A_1024, %get3A_1026 : vector<16xf32>
        %reduce_max3A_1028 = arith.constant true
        %reduce_max3A_1029 = vector.broadcast %reduce_max3A_1028 : i1 to vector<16xi1>
        %reduce_max3A_1030 = tpu.scan <max>, %max3A_1027 masked %reduce_max3A_1029 : vector<16xf32>, vector<16xi1> -> vector<16xf32>
        %reduce_max3A_1031 = vector.extract %reduce_max3A_1030[15] : f32 from vector<16xf32>
        %get3A_1032 = arith.constant 0 : index
        %get3A_1033 = tpu.vector_load %arg21[%get3A_1032] {strides = array<i32>} : memref<48xf32, #tpu.memory_space<vmem>>, vector<16xf32>,
        %eq3A_1034 = vector.broadcast %reduce_max3A_1031 : f32 to vector<16xf32>
        %eq3A_1035 = arith.cmpf oeq, %get3A_1033, %eq3A_1034 : vector<16xf32>
        %add3A_1036 = arith.constant 0 : i32
        %add3A_1037 = vector.broadcast %add3A_1036 : i32 to vector<16xi32>
        %add3A_1038 = arith.addi %iota3A, %add3A_1037 : vector<16xi32>
        %broadcast_in_dim3A_1039 = vector.broadcast %while3A_419 : i32 to vector<16xi32>
        %select_n3A_1040 = arith.select %eq3A_1035, %add3A_1038, %broadcast_in_dim3A_1039 : vector<16xi1>, vector<16xi32>
        %reduce_min3A_1041 = arith.constant true
        %reduce_min3A_1042 = vector.broadcast %reduce_min3A_1041 : i1 to vector<16xi1>
        %reduce_min3A_1043 = arith.constant -2147483648 : i32
        %reduce_min3A_1044 = vector.broadcast %reduce_min3A_1043 : i32 to vector<16xi32>
        %reduce_min3A_1045 = arith.xori %select_n3A_1040, %reduce_min3A_1044 : vector<16xi32>
        %reduce_min3A_1046 = tpu.scan <min>, %reduce_min3A_1045 masked %reduce_min3A_1042 : vector<16xi32>, vector<16xi1> -> vector<16xi32>
        %reduce_min3A_1047 = arith.xori %reduce_min3A_1046, %reduce_min3A_1044 : vector<16xi32>
        %reduce_min3A_1048 = vector.extract %reduce_min3A_1047[15] : i32 from vector<16xi32>
        %min3A_1049 = arith.minsi %while3A_419, %reduce_min3A_1048 : i32
        %get3A_1050 = arith.constant 16 : index
        %get3A_1051 = tpu.vector_load %arg21[%get3A_1050] {strides = array<i32>} : memref<48xf32, #tpu.memory_space<vmem>>, vector<16xf32>,
        %eq3A_1052 = vector.broadcast %reduce_max3A_1031 : f32 to vector<16xf32>
        %eq3A_1053 = arith.cmpf oeq, %get3A_1051, %eq3A_1052 : vector<16xf32>
        %add3A_1054 = arith.constant 16 : i32
        %add3A_1055 = vector.broadcast %add3A_1054 : i32 to vector<16xi32>
        %add3A_1056 = arith.addi %iota3A, %add3A_1055 : vector<16xi32>
        %broadcast_in_dim3A_1057 = vector.broadcast %while3A_419 : i32 to vector<16xi32>
        %select_n3A_1058 = arith.select %eq3A_1053, %add3A_1056, %broadcast_in_dim3A_1057 : vector<16xi1>, vector<16xi32>
        %reduce_min3A_1059 = arith.constant true
        %reduce_min3A_1060 = vector.broadcast %reduce_min3A_1059 : i1 to vector<16xi1>
        %reduce_min3A_1061 = arith.constant -2147483648 : i32
        %reduce_min3A_1062 = vector.broadcast %reduce_min3A_1061 : i32 to vector<16xi32>
        %reduce_min3A_1063 = arith.xori %select_n3A_1058, %reduce_min3A_1062 : vector<16xi32>
        %reduce_min3A_1064 = tpu.scan <min>, %reduce_min3A_1063 masked %reduce_min3A_1060 : vector<16xi32>, vector<16xi1> -> vector<16xi32>
        %reduce_min3A_1065 = arith.xori %reduce_min3A_1064, %reduce_min3A_1062 : vector<16xi32>
        %reduce_min3A_1066 = vector.extract %reduce_min3A_1065[15] : i32 from vector<16xi32>
        %min3A_1067 = arith.minsi %min3A_1049, %reduce_min3A_1066 : i32
        %get3A_1068 = arith.constant 32 : index
        %get3A_1069 = tpu.vector_load %arg21[%get3A_1068] {strides = array<i32>} : memref<48xf32, #tpu.memory_space<vmem>>, vector<16xf32>,
        %eq3A_1070 = vector.broadcast %reduce_max3A_1031 : f32 to vector<16xf32>
        %eq3A_1071 = arith.cmpf oeq, %get3A_1069, %eq3A_1070 : vector<16xf32>
        %add3A_1072 = arith.constant 32 : i32
        %add3A_1073 = vector.broadcast %add3A_1072 : i32 to vector<16xi32>
        %add3A_1074 = arith.addi %iota3A, %add3A_1073 : vector<16xi32>
        %broadcast_in_dim3A_1075 = vector.broadcast %while3A_419 : i32 to vector<16xi32>
        %select_n3A_1076 = arith.select %eq3A_1071, %add3A_1074, %broadcast_in_dim3A_1075 : vector<16xi1>, vector<16xi32>
        %reduce_min3A_1077 = arith.constant true
        %reduce_min3A_1078 = vector.broadcast %reduce_min3A_1077 : i1 to vector<16xi1>
        %reduce_min3A_1079 = arith.constant -2147483648 : i32
        %reduce_min3A_1080 = vector.broadcast %reduce_min3A_1079 : i32 to vector<16xi32>
        %reduce_min3A_1081 = arith.xori %select_n3A_1076, %reduce_min3A_1080 : vector<16xi32>
        %reduce_min3A_1082 = tpu.scan <min>, %reduce_min3A_1081 masked %reduce_min3A_1078 : vector<16xi32>, vector<16xi1> -> vector<16xi32>
        %reduce_min3A_1083 = arith.xori %reduce_min3A_1082, %reduce_min3A_1080 : vector<16xi32>
        %reduce_min3A_1084 = vector.extract %reduce_min3A_1083[15] : i32 from vector<16xi32>
        %min3A_1085 = arith.minsi %min3A_1067, %reduce_min3A_1084 : i32
        %min3A_1086 = arith.constant 43 : i32
        %min3A_1087 = arith.minsi %min3A_1085, %min3A_1086 : i32
        %mul3A_1088 = arith.constant 16 : i32
        %mul3A_1089 = arith.muli %min3A_1087, %mul3A_1088 : i32
        %multiple_of3A_1090 = tpu.assume_multiple %mul3A_1089, 16 : i32
        %get3A_1091 = arith.index_cast %multiple_of3A_1090 : i32 to index
        %get3A_1092 = tpu.vector_load %arg20[%get3A_1091] {strides = array<i32>} : memref<768xf32, #tpu.memory_space<vmem>>, vector<16xf32>,
        %eq3A_1093 = vector.broadcast %reduce_max3A_1031 : f32 to vector<16xf32>
        %eq3A_1094 = arith.cmpf oeq, %get3A_1092, %eq3A_1093 : vector<16xf32>
        %broadcast_in_dim3A_1095 = vector.broadcast %while3A_419 : i32 to vector<16xi32>
        %select_n3A_1096 = arith.select %eq3A_1094, %iota3A, %broadcast_in_dim3A_1095 : vector<16xi1>, vector<16xi32>
        %reduce_min3A_1097 = arith.constant true
        %reduce_min3A_1098 = vector.broadcast %reduce_min3A_1097 : i1 to vector<16xi1>
        %reduce_min3A_1099 = arith.constant -2147483648 : i32
        %reduce_min3A_1100 = vector.broadcast %reduce_min3A_1099 : i32 to vector<16xi32>
        %reduce_min3A_1101 = arith.xori %select_n3A_1096, %reduce_min3A_1100 : vector<16xi32>
        %reduce_min3A_1102 = tpu.scan <min>, %reduce_min3A_1101 masked %reduce_min3A_1098 : vector<16xi32>, vector<16xi1> -> vector<16xi32>
        %reduce_min3A_1103 = arith.xori %reduce_min3A_1102, %reduce_min3A_1100 : vector<16xi32>
        %reduce_min3A_1104 = vector.extract %reduce_min3A_1103[15] : i32 from vector<16xi32>
        %mul3A_1105 = arith.constant 16 : i32
        %mul3A_1106 = arith.muli %min3A_1087, %mul3A_1105 : i32
        %add3A_1107 = arith.addi %mul3A_1106, %reduce_min3A_1104 : i32
        %min3A_1108 = arith.constant 703 : i32
        %min3A_1109 = arith.minsi %add3A_1107, %min3A_1108 : i32
        %jit3A_1110 = arith.constant 8 : i32
        %div3A_1111 = arith.divsi %min3A_1109, %jit3A_1110 : i32
        %sign3A_1112 = arith.constant 0 : i32
        %sign3A_1113 = arith.cmpi sgt, %min3A_1109, %sign3A_1112 : i32
        %sign3A_1114 = arith.extui %sign3A_1113 : i1 to i32
        %sign3A_1115 = arith.constant 0 : i32
        %sign3A_1116 = arith.cmpi slt, %min3A_1109, %sign3A_1115 : i32
        %sign3A_1117 = arith.extui %sign3A_1116 : i1 to i32
        %sign3A_1118 = arith.subi %sign3A_1114, %sign3A_1117 : i32
        %sign3A_1119 = arith.constant 0 : i32
        %sign3A_1120 = arith.cmpi sgt, %jit3A_1110, %sign3A_1119 : i32
        %sign3A_1121 = arith.extui %sign3A_1120 : i1 to i32
        %sign3A_1122 = arith.constant 0 : i32
        %sign3A_1123 = arith.cmpi slt, %jit3A_1110, %sign3A_1122 : i32
        %sign3A_1124 = arith.extui %sign3A_1123 : i1 to i32
        %sign3A_1125 = arith.subi %sign3A_1121, %sign3A_1124 : i32
        %ne3A_1126 = arith.cmpi ne, %sign3A_1118, %sign3A_1125 : i32
        %rem3A_1127 = arith.remsi %min3A_1109, %jit3A_1110 : i32
        %ne3A_1128 = arith.constant 0 : i32
        %ne3A_1129 = arith.cmpi ne, %rem3A_1127, %ne3A_1128 : i32
        %and3A_1130 = arith.andi %ne3A_1126, %ne3A_1129 : i1
        %sub3A_1131 = arith.constant 1 : i32
        %sub3A_1132 = arith.subi %div3A_1111, %sub3A_1131 : i32
        %select_n3A_1133 = arith.select %and3A_1130, %sub3A_1132, %div3A_1111 : i32
        %jit3A_1134 = arith.constant 8 : i32
        %eq3A_1135 = arith.constant 0 : i32
        %eq3A_1136 = arith.cmpi eq, %jit3A_1134, %eq3A_1135 : i32
        %jit3A_1137 = arith.constant 1 : i32
        %select_n3A_1138 = arith.select %eq3A_1136, %jit3A_1137, %jit3A_1134 : i32
        %rem3A_1139 = arith.remsi %min3A_1109, %select_n3A_1138 : i32
        %ne3A_1140 = arith.constant 0 : i32
        %ne3A_1141 = arith.cmpi ne, %rem3A_1139, %ne3A_1140 : i32
        %lt3A_1142 = arith.constant 0 : i32
        %lt3A_1143 = arith.cmpi slt, %rem3A_1139, %lt3A_1142 : i32
        %lt3A_1144 = arith.constant 0 : i32
        %lt3A_1145 = arith.cmpi slt, %select_n3A_1138, %lt3A_1144 : i32
        %ne3A_1146 = arith.xori %lt3A_1143, %lt3A_1145 : i1
        %and3A_1147 = arith.andi %ne3A_1146, %ne3A_1141 : i1
        %add3A_1148 = arith.addi %rem3A_1139, %select_n3A_1138 : i32
        %select_n3A_1149 = arith.select %and3A_1147, %add3A_1148, %rem3A_1139 : i32
        %mul3A_1150 = arith.constant 16 : i32
        %mul3A_1151 = arith.muli %select_n3A_1149, %mul3A_1150 : i32
        %multiple_of3A_1152 = tpu.assume_multiple %mul3A_1151, 16 : i32
        %get3A_1153 = arith.index_cast %select_n3A_1133 : i32 to index
        %get3A_1154 = arith.index_cast %multiple_of3A_1152 : i32 to index
        %get3A_1155 = tpu.vector_load %arg18[%get3A_1153, %get3A_1154] {strides = array<i32>} : memref<88x128xf32, #tpu.memory_space<vmem>>, vector<16xf32>,
        %eq3A_1156 = vector.broadcast %reduce_max3A_1031 : f32 to vector<16xf32>
        %eq3A_1157 = arith.cmpf oeq, %get3A_1155, %eq3A_1156 : vector<16xf32>
        %broadcast_in_dim3A_1158 = vector.broadcast %while3A_419 : i32 to vector<16xi32>
        %select_n3A_1159 = arith.select %eq3A_1157, %iota3A, %broadcast_in_dim3A_1158 : vector<16xi1>, vector<16xi32>
        %reduce_min3A_1160 = arith.constant true
        %reduce_min3A_1161 = vector.broadcast %reduce_min3A_1160 : i1 to vector<16xi1>
        %reduce_min3A_1162 = arith.constant -2147483648 : i32
        %reduce_min3A_1163 = vector.broadcast %reduce_min3A_1162 : i32 to vector<16xi32>
        %reduce_min3A_1164 = arith.xori %select_n3A_1159, %reduce_min3A_1163 : vector<16xi32>
        %reduce_min3A_1165 = tpu.scan <min>, %reduce_min3A_1164 masked %reduce_min3A_1161 : vector<16xi32>, vector<16xi1> -> vector<16xi32>
        %reduce_min3A_1166 = arith.xori %reduce_min3A_1165, %reduce_min3A_1163 : vector<16xi32>
        %reduce_min3A_1167 = vector.extract %reduce_min3A_1166[15] : i32 from vector<16xi32>
        %min3A_1168 = arith.constant 15 : i32
        %min3A_1169 = arith.minsi %reduce_min3A_1167, %min3A_1168 : i32
        %mul3A_1170 = arith.constant 16 : i32
        %mul3A_1171 = arith.muli %min3A_1109, %mul3A_1170 : i32
        %add3A_1172 = arith.addi %mul3A_1171, %min3A_1169 : i32
        scf.yield %add3A_866, %reduce_max3A_1031, %add3A_1172 : i32, f32, i32
      }
      "tpu.region"() ({
        %run_scoped3A = tpu.sem_alloc : memref<!tpu.dma_semaphore, #tpu.memory_space<semaphore_mem>>
        %dma_start3A = arith.constant 0 : i32
        %dma_start3A_422 = tpu.memref_slice %arg8[%add3A, %dma_start3A] : memref<16x128xf32, #tpu.memory_space<hbm>> -> memref<1x128xf32, #tpu.memory_space<hbm>>
        %dma_start3A_423 = tpu.memref_squeeze %dma_start3A_422 : memref<1x128xf32, #tpu.memory_space<hbm>> -> memref<128xf32, #tpu.memory_space<hbm>>
        %dma_start3A_424 = arith.constant 0 : i32
        %dma_start3A_425 = tpu.memref_slice %arg8[%add3A, %dma_start3A_424] : memref<16x128xf32, #tpu.memory_space<hbm>> -> memref<1x128xf32, #tpu.memory_space<hbm>>
        %dma_start3A_426 = tpu.memref_squeeze %dma_start3A_425 : memref<1x128xf32, #tpu.memory_space<hbm>> -> memref<128xf32, #tpu.memory_space<hbm>>
        tpu.enqueue_dma source(%arg27 : memref<128xf32, #tpu.memory_space<vmem>>) target(%dma_start3A_426 : memref<128xf32, #tpu.memory_space<hbm>>) target_semaphore(%run_scoped3A : memref<!tpu.dma_semaphore, #tpu.memory_space<semaphore_mem>>)
        %dma_wait3A = arith.constant 0 : i32
        %dma_wait3A_427 = tpu.memref_slice %arg8[%add3A, %dma_wait3A] : memref<16x128xf32, #tpu.memory_space<hbm>> -> memref<1x128xf32, #tpu.memory_space<hbm>>
        %dma_wait3A_428 = tpu.memref_squeeze %dma_wait3A_427 : memref<1x128xf32, #tpu.memory_space<hbm>> -> memref<128xf32, #tpu.memory_space<hbm>>
        %dma_wait3A_429 = arith.constant 0 : i32
        %dma_wait3A_430 = tpu.memref_slice %arg8[%add3A, %dma_wait3A_429] : memref<16x128xf32, #tpu.memory_space<hbm>> -> memref<1x128xf32, #tpu.memory_space<hbm>>
        %dma_wait3A_431 = tpu.memref_squeeze %dma_wait3A_430 : memref<1x128xf32, #tpu.memory_space<hbm>> -> memref<128xf32, #tpu.memory_space<hbm>>
        tpu.wait_dma2 semaphore(%run_scoped3A : memref<!tpu.dma_semaphore, #tpu.memory_space<semaphore_mem>>) src(%arg27 : memref<128xf32, #tpu.memory_space<vmem>>) dst(%dma_wait3A_431 : memref<128xf32, #tpu.memory_space<hbm>>)
        tpu.yield
      }) : () -> ()
      "tpu.region"() ({
        %run_scoped3A = tpu.sem_alloc : memref<!tpu.dma_semaphore, #tpu.memory_space<semaphore_mem>>
        %dma_start3A = arith.constant 0 : i32
        %dma_start3A_422 = tpu.memref_slice %arg9[%add3A, %dma_start3A] : memref<16x128xi32, #tpu.memory_space<hbm>> -> memref<1x128xi32, #tpu.memory_space<hbm>>
        %dma_start3A_423 = tpu.memref_squeeze %dma_start3A_422 : memref<1x128xi32, #tpu.memory_space<hbm>> -> memref<128xi32, #tpu.memory_space<hbm>>
        %dma_start3A_424 = arith.constant 0 : i32
        %dma_start3A_425 = tpu.memref_slice %arg9[%add3A, %dma_start3A_424] : memref<16x128xi32, #tpu.memory_space<hbm>> -> memref<1x128xi32, #tpu.memory_space<hbm>>
        %dma_start3A_426 = tpu.memref_squeeze %dma_start3A_425 : memref<1x128xi32, #tpu.memory_space<hbm>> -> memref<128xi32, #tpu.memory_space<hbm>>
        tpu.enqueue_dma source(%arg28 : memref<128xi32, #tpu.memory_space<vmem>>) target(%dma_start3A_426 : memref<128xi32, #tpu.memory_space<hbm>>) target_semaphore(%run_scoped3A : memref<!tpu.dma_semaphore, #tpu.memory_space<semaphore_mem>>)
        %dma_wait3A = arith.constant 0 : i32
        %dma_wait3A_427 = tpu.memref_slice %arg9[%add3A, %dma_wait3A] : memref<16x128xi32, #tpu.memory_space<hbm>> -> memref<1x128xi32, #tpu.memory_space<hbm>>
        %dma_wait3A_428 = tpu.memref_squeeze %dma_wait3A_427 : memref<1x128xi32, #tpu.memory_space<hbm>> -> memref<128xi32, #tpu.memory_space<hbm>>
        %dma_wait3A_429 = arith.constant 0 : i32
        %dma_wait3A_430 = tpu.memref_slice %arg9[%add3A, %dma_wait3A_429] : memref<16x128xi32, #tpu.memory_space<hbm>> -> memref<1x128xi32, #tpu.memory_space<hbm>>
        %dma_wait3A_431 = tpu.memref_squeeze %dma_wait3A_430 : memref<1x128xi32, #tpu.memory_space<hbm>> -> memref<128xi32, #tpu.memory_space<hbm>>
        tpu.wait_dma2 semaphore(%run_scoped3A : memref<!tpu.dma_semaphore, #tpu.memory_space<semaphore_mem>>) src(%arg28 : memref<128xi32, #tpu.memory_space<vmem>>) dst(%dma_wait3A_431 : memref<128xi32, #tpu.memory_space<hbm>>)
        tpu.yield
      }) : () -> ()
      "tpu.region"() ({
        %run_scoped3A = tpu.sem_alloc : memref<!tpu.dma_semaphore, #tpu.memory_space<semaphore_mem>>
        %dma_start3A = arith.constant 0 : i32
        %dma_start3A_422 = tpu.memref_slice %arg10[%add3A, %dma_start3A] : memref<16x128xf32, #tpu.memory_space<hbm>> -> memref<1x128xf32, #tpu.memory_space<hbm>>
        %dma_start3A_423 = tpu.memref_squeeze %dma_start3A_422 : memref<1x128xf32, #tpu.memory_space<hbm>> -> memref<128xf32, #tpu.memory_space<hbm>>
        %dma_start3A_424 = arith.constant 0 : i32
        %dma_start3A_425 = tpu.memref_slice %arg10[%add3A, %dma_start3A_424] : memref<16x128xf32, #tpu.memory_space<hbm>> -> memref<1x128xf32, #tpu.memory_space<hbm>>
        %dma_start3A_426 = tpu.memref_squeeze %dma_start3A_425 : memref<1x128xf32, #tpu.memory_space<hbm>> -> memref<128xf32, #tpu.memory_space<hbm>>
        tpu.enqueue_dma source(%arg29 : memref<128xf32, #tpu.memory_space<vmem>>) target(%dma_start3A_426 : memref<128xf32, #tpu.memory_space<hbm>>) target_semaphore(%run_scoped3A : memref<!tpu.dma_semaphore, #tpu.memory_space<semaphore_mem>>)
        %dma_wait3A = arith.constant 0 : i32
        %dma_wait3A_427 = tpu.memref_slice %arg10[%add3A, %dma_wait3A] : memref<16x128xf32, #tpu.memory_space<hbm>> -> memref<1x128xf32, #tpu.memory_space<hbm>>
        %dma_wait3A_428 = tpu.memref_squeeze %dma_wait3A_427 : memref<1x128xf32, #tpu.memory_space<hbm>> -> memref<128xf32, #tpu.memory_space<hbm>>
        %dma_wait3A_429 = arith.constant 0 : i32
        %dma_wait3A_430 = tpu.memref_slice %arg10[%add3A, %dma_wait3A_429] : memref<16x128xf32, #tpu.memory_space<hbm>> -> memref<1x128xf32, #tpu.memory_space<hbm>>
        %dma_wait3A_431 = tpu.memref_squeeze %dma_wait3A_430 : memref<1x128xf32, #tpu.memory_space<hbm>> -> memref<128xf32, #tpu.memory_space<hbm>>
        tpu.wait_dma2 semaphore(%run_scoped3A : memref<!tpu.dma_semaphore, #tpu.memory_space<semaphore_mem>>) src(%arg29 : memref<128xf32, #tpu.memory_space<vmem>>) dst(%dma_wait3A_431 : memref<128xf32, #tpu.memory_space<hbm>>)
        tpu.yield
      }) : () -> ()
      "tpu.region"() ({
        %run_scoped3A = tpu.sem_alloc : memref<!tpu.dma_semaphore, #tpu.memory_space<semaphore_mem>>
        %dma_start3A = arith.constant 0 : i32
        %dma_start3A_422 = tpu.memref_slice %arg11[%add3A, %dma_start3A] : memref<16x128xf32, #tpu.memory_space<hbm>> -> memref<1x128xf32, #tpu.memory_space<hbm>>
        %dma_start3A_423 = tpu.memref_squeeze %dma_start3A_422 : memref<1x128xf32, #tpu.memory_space<hbm>> -> memref<128xf32, #tpu.memory_space<hbm>>
        %dma_start3A_424 = arith.constant 0 : i32
        %dma_start3A_425 = tpu.memref_slice %arg11[%add3A, %dma_start3A_424] : memref<16x128xf32, #tpu.memory_space<hbm>> -> memref<1x128xf32, #tpu.memory_space<hbm>>
        %dma_start3A_426 = tpu.memref_squeeze %dma_start3A_425 : memref<1x128xf32, #tpu.memory_space<hbm>> -> memref<128xf32, #tpu.memory_space<hbm>>
        tpu.enqueue_dma source(%arg30 : memref<128xf32, #tpu.memory_space<vmem>>) target(%dma_start3A_426 : memref<128xf32, #tpu.memory_space<hbm>>) target_semaphore(%run_scoped3A : memref<!tpu.dma_semaphore, #tpu.memory_space<semaphore_mem>>)
        %dma_wait3A = arith.constant 0 : i32
        %dma_wait3A_427 = tpu.memref_slice %arg11[%add3A, %dma_wait3A] : memref<16x128xf32, #tpu.memory_space<hbm>> -> memref<1x128xf32, #tpu.memory_space<hbm>>
        %dma_wait3A_428 = tpu.memref_squeeze %dma_wait3A_427 : memref<1x128xf32, #tpu.memory_space<hbm>> -> memref<128xf32, #tpu.memory_space<hbm>>
        %dma_wait3A_429 = arith.constant 0 : i32
        %dma_wait3A_430 = tpu.memref_slice %arg11[%add3A, %dma_wait3A_429] : memref<16x128xf32, #tpu.memory_space<hbm>> -> memref<1x128xf32, #tpu.memory_space<hbm>>
        %dma_wait3A_431 = tpu.memref_squeeze %dma_wait3A_430 : memref<1x128xf32, #tpu.memory_space<hbm>> -> memref<128xf32, #tpu.memory_space<hbm>>
        tpu.wait_dma2 semaphore(%run_scoped3A : memref<!tpu.dma_semaphore, #tpu.memory_space<semaphore_mem>>) src(%arg30 : memref<128xf32, #tpu.memory_space<vmem>>) dst(%dma_wait3A_431 : memref<128xf32, #tpu.memory_space<hbm>>)
        tpu.yield
      }) : () -> ()
      "tpu.region"() ({
        %run_scoped3A = tpu.sem_alloc : memref<!tpu.dma_semaphore, #tpu.memory_space<semaphore_mem>>
        %dma_start3A = arith.constant 0 : i32
        %dma_start3A_422 = tpu.memref_slice %arg12[%add3A, %dma_start3A] : memref<16x128xf32, #tpu.memory_space<hbm>> -> memref<1x128xf32, #tpu.memory_space<hbm>>
        %dma_start3A_423 = tpu.memref_squeeze %dma_start3A_422 : memref<1x128xf32, #tpu.memory_space<hbm>> -> memref<128xf32, #tpu.memory_space<hbm>>
        %dma_start3A_424 = arith.constant 0 : i32
        %dma_start3A_425 = tpu.memref_slice %arg12[%add3A, %dma_start3A_424] : memref<16x128xf32, #tpu.memory_space<hbm>> -> memref<1x128xf32, #tpu.memory_space<hbm>>
        %dma_start3A_426 = tpu.memref_squeeze %dma_start3A_425 : memref<1x128xf32, #tpu.memory_space<hbm>> -> memref<128xf32, #tpu.memory_space<hbm>>
        tpu.enqueue_dma source(%arg31 : memref<128xf32, #tpu.memory_space<vmem>>) target(%dma_start3A_426 : memref<128xf32, #tpu.memory_space<hbm>>) target_semaphore(%run_scoped3A : memref<!tpu.dma_semaphore, #tpu.memory_space<semaphore_mem>>)
        %dma_wait3A = arith.constant 0 : i32
        %dma_wait3A_427 = tpu.memref_slice %arg12[%add3A, %dma_wait3A] : memref<16x128xf32, #tpu.memory_space<hbm>> -> memref<1x128xf32, #tpu.memory_space<hbm>>
        %dma_wait3A_428 = tpu.memref_squeeze %dma_wait3A_427 : memref<1x128xf32, #tpu.memory_space<hbm>> -> memref<128xf32, #tpu.memory_space<hbm>>
        %dma_wait3A_429 = arith.constant 0 : i32
        %dma_wait3A_430 = tpu.memref_slice %arg12[%add3A, %dma_wait3A_429] : memref<16x128xf32, #tpu.memory_space<hbm>> -> memref<1x128xf32, #tpu.memory_space<hbm>>
        %dma_wait3A_431 = tpu.memref_squeeze %dma_wait3A_430 : memref<1x128xf32, #tpu.memory_space<hbm>> -> memref<128xf32, #tpu.memory_space<hbm>>
        tpu.wait_dma2 semaphore(%run_scoped3A : memref<!tpu.dma_semaphore, #tpu.memory_space<semaphore_mem>>) src(%arg31 : memref<128xf32, #tpu.memory_space<vmem>>) dst(%dma_wait3A_431 : memref<128xf32, #tpu.memory_space<hbm>>)
        tpu.yield
      }) : () -> ()
      "tpu.region"() ({
        %run_scoped3A = tpu.sem_alloc : memref<!tpu.dma_semaphore, #tpu.memory_space<semaphore_mem>>
        %dma_start3A = arith.constant 0 : i32
        %dma_start3A_422 = tpu.memref_slice %arg13[%add3A, %dma_start3A] : memref<16x128xf32, #tpu.memory_space<hbm>> -> memref<1x128xf32, #tpu.memory_space<hbm>>
        %dma_start3A_423 = tpu.memref_squeeze %dma_start3A_422 : memref<1x128xf32, #tpu.memory_space<hbm>> -> memref<128xf32, #tpu.memory_space<hbm>>
        %dma_start3A_424 = arith.constant 0 : i32
        %dma_start3A_425 = tpu.memref_slice %arg13[%add3A, %dma_start3A_424] : memref<16x128xf32, #tpu.memory_space<hbm>> -> memref<1x128xf32, #tpu.memory_space<hbm>>
        %dma_start3A_426 = tpu.memref_squeeze %dma_start3A_425 : memref<1x128xf32, #tpu.memory_space<hbm>> -> memref<128xf32, #tpu.memory_space<hbm>>
        tpu.enqueue_dma source(%arg32 : memref<128xf32, #tpu.memory_space<vmem>>) target(%dma_start3A_426 : memref<128xf32, #tpu.memory_space<hbm>>) target_semaphore(%run_scoped3A : memref<!tpu.dma_semaphore, #tpu.memory_space<semaphore_mem>>)
        %dma_wait3A = arith.constant 0 : i32
        %dma_wait3A_427 = tpu.memref_slice %arg13[%add3A, %dma_wait3A] : memref<16x128xf32, #tpu.memory_space<hbm>> -> memref<1x128xf32, #tpu.memory_space<hbm>>
        %dma_wait3A_428 = tpu.memref_squeeze %dma_wait3A_427 : memref<1x128xf32, #tpu.memory_space<hbm>> -> memref<128xf32, #tpu.memory_space<hbm>>
        %dma_wait3A_429 = arith.constant 0 : i32
        %dma_wait3A_430 = tpu.memref_slice %arg13[%add3A, %dma_wait3A_429] : memref<16x128xf32, #tpu.memory_space<hbm>> -> memref<1x128xf32, #tpu.memory_space<hbm>>
        %dma_wait3A_431 = tpu.memref_squeeze %dma_wait3A_430 : memref<1x128xf32, #tpu.memory_space<hbm>> -> memref<128xf32, #tpu.memory_space<hbm>>
        tpu.wait_dma2 semaphore(%run_scoped3A : memref<!tpu.dma_semaphore, #tpu.memory_space<semaphore_mem>>) src(%arg32 : memref<128xf32, #tpu.memory_space<vmem>>) dst(%dma_wait3A_431 : memref<128xf32, #tpu.memory_space<hbm>>)
        tpu.yield
      }) : () -> ()
    } else {
    }
    return
  }
}

module attributes {stable_mosaic.version = 14 : i64} {
  func.func @_decode_body(%arg0: i32, %arg1: memref<3x13x13x85xf32, #tpu.memory_space<vmem>>, %arg2: memref<3x26x26x85xf32, #tpu.memory_space<vmem>>, %arg3: memref<3x52x52x85xf32, #tpu.memory_space<vmem>>, %arg4: memref<1x40x128xf32, #tpu.memory_space<vmem>>, %arg5: memref<1x80x128xf32, #tpu.memory_space<vmem>>, %arg6: memref<1x320x128xf32, #tpu.memory_space<vmem>>, %arg7: memref<88x128xf32, #tpu.memory_space<vmem>>, %arg8: memref<88x128xf32, #tpu.memory_space<vmem>>, %arg9: memref<88x128xf32, #tpu.memory_space<vmem>>, %arg10: memref<88x128xf32, #tpu.memory_space<vmem>>, %arg11: memref<88x128xi32, #tpu.memory_space<vmem>>, %arg12: memref<1x88x128xf32, #tpu.memory_space<vmem>>, %arg13: memref<1x88x128xf32, #tpu.memory_space<vmem>>, %arg14: memref<1x88x128xf32, #tpu.memory_space<vmem>>, %arg15: memref<1x88x128xf32, #tpu.memory_space<vmem>>, %arg16: memref<1x88x128xf32, #tpu.memory_space<vmem>>, %arg17: memref<1x88x128xi32, #tpu.memory_space<vmem>>) attributes {dimension_semantics = [#tpu.dimension_semantics<arbitrary>], iteration_bounds = array<i64: 16>, scalar_prefetch = 0 : i64, scratch_operands = 0 : i64, tpu.core_type = #tpu.core_type<tc>, window_params = [{transform_indices = @transform_0, window_bounds = array<i64: 3, 13, 13, 85>}, {transform_indices = @transform_1, window_bounds = array<i64: 3, 26, 26, 85>}, {transform_indices = @transform_2, window_bounds = array<i64: 3, 52, 52, 85>}, {transform_indices = @transform_3, window_bounds = array<i64: 1, 40, 128>}, {transform_indices = @transform_4, window_bounds = array<i64: 1, 80, 128>}, {transform_indices = @transform_5, window_bounds = array<i64: 1, 320, 128>}, {pipeline_mode = #tpu.pipeline_mode<synchronous>, transform_indices = @transform_6, window_bounds = array<i64: 88, 128>}, {pipeline_mode = #tpu.pipeline_mode<synchronous>, transform_indices = @transform_7, window_bounds = array<i64: 88, 128>}, {pipeline_mode = #tpu.pipeline_mode<synchronous>, transform_indices = @transform_8, window_bounds = array<i64: 88, 128>}, {pipeline_mode = #tpu.pipeline_mode<synchronous>, transform_indices = @transform_9, window_bounds = array<i64: 88, 128>}, {pipeline_mode = #tpu.pipeline_mode<synchronous>, transform_indices = @transform_10, window_bounds = array<i64: 88, 128>}, {transform_indices = @transform_11, window_bounds = array<i64: 1, 88, 128>}, {transform_indices = @transform_12, window_bounds = array<i64: 1, 88, 128>}, {transform_indices = @transform_13, window_bounds = array<i64: 1, 88, 128>}, {transform_indices = @transform_14, window_bounds = array<i64: 1, 88, 128>}, {transform_indices = @transform_15, window_bounds = array<i64: 1, 88, 128>}, {transform_indices = @transform_16, window_bounds = array<i64: 1, 88, 128>}]} {
    %get3A = arith.constant 0 : index
    %get3A_0 = arith.constant 0 : index
    %get3A_1 = arith.constant 0 : index
    %get3A_2 = arith.constant 0 : index
    %get3A_3 = vector.load %arg1[%get3A, %get3A_0, %get3A_1, %get3A_2] : memref<3x13x13x85xf32, #tpu.memory_space<vmem>>, vector<3x13x13x85xf32>
    %slice3A = vector.extract_strided_slice %get3A_3 {offsets = [0, 0, 0, 5], sizes = [3, 13, 13, 80], strides = [1, 1, 1, 1]} : vector<3x13x13x85xf32> to vector<3x13x13x80xf32>
    %argmax3A = tpu.reduce_index %slice3A {axis = 3 : i32, kind = #tpu.reduction_kind<arg_max>} : vector<3x13x13x80xf32> -> vector<3x13x13xi32>
    %reshape3A = vector.shape_cast %argmax3A : vector<3x13x13xi32> to vector<507xi32>
    %get3A_4 = arith.constant 0 : index
    %get3A_5 = arith.constant 0 : index
    %get3A_6 = arith.constant 0 : index
    %get3A_7 = vector.load %arg4[%get3A_4, %get3A_5, %get3A_6] : memref<1x40x128xf32, #tpu.memory_space<vmem>>, vector<1x40x128xf32>
    %get3A_8 = vector.shape_cast %get3A_7 : vector<1x40x128xf32> to vector<40x128xf32>
    %slice3A_9 = vector.extract_strided_slice %get3A_8 {offsets = [0, 0], sizes = [8, 128], strides = [1, 1]} : vector<40x128xf32> to vector<8x128xf32>
    %slice3A_10 = vector.extract_strided_slice %get3A_8 {offsets = [8, 0], sizes = [8, 128], strides = [1, 1]} : vector<40x128xf32> to vector<8x128xf32>
    %slice3A_11 = vector.extract_strided_slice %get3A_8 {offsets = [16, 0], sizes = [8, 128], strides = [1, 1]} : vector<40x128xf32> to vector<8x128xf32>
    %slice3A_12 = vector.extract_strided_slice %get3A_8 {offsets = [24, 0], sizes = [8, 128], strides = [1, 1]} : vector<40x128xf32> to vector<8x128xf32>
    %slice3A_13 = vector.extract_strided_slice %get3A_8 {offsets = [32, 0], sizes = [8, 128], strides = [1, 1]} : vector<40x128xf32> to vector<8x128xf32>
    %broadcast_in_dim3A = arith.constant 0 : i32
    %broadcast_in_dim3A_14 = vector.broadcast %broadcast_in_dim3A : i32 to vector<517xi32>
    %concatenate3A = tpu.concatenate %reshape3A, %broadcast_in_dim3A_14 in 0 : vector<507xi32>, vector<517xi32> -> vector<1024xi32>
    %reshape3A_15 = vector.shape_cast %concatenate3A : vector<1024xi32> to vector<8x128xi32>
    %get3A_16 = arith.constant 0 : index
    %get3A_17 = arith.constant 0 : index
    %get3A_18 = vector.load %arg7[%get3A_16, %get3A_17] : memref<88x128xf32, #tpu.memory_space<vmem>>, vector<8x128xf32>
    %get3A_19 = arith.constant 0 : index
    %get3A_20 = arith.constant 0 : index
    %get3A_21 = vector.load %arg8[%get3A_19, %get3A_20] : memref<88x128xf32, #tpu.memory_space<vmem>>, vector<8x128xf32>
    %get3A_22 = arith.constant 0 : index
    %get3A_23 = arith.constant 0 : index
    %get3A_24 = vector.load %arg9[%get3A_22, %get3A_23] : memref<88x128xf32, #tpu.memory_space<vmem>>, vector<8x128xf32>
    %get3A_25 = arith.constant 0 : index
    %get3A_26 = arith.constant 0 : index
    %get3A_27 = vector.load %arg10[%get3A_25, %get3A_26] : memref<88x128xf32, #tpu.memory_space<vmem>>, vector<8x128xf32>
    %get3A_28 = arith.constant 0 : index
    %get3A_29 = arith.constant 0 : index
    %get3A_30 = vector.load %arg11[%get3A_28, %get3A_29] : memref<88x128xi32, #tpu.memory_space<vmem>>, vector<8x128xi32>
    %logistic3A = arith.negf %slice3A_9 : vector<8x128xf32>
    %logistic3A_31 = math.exp %logistic3A : vector<8x128xf32>
    %logistic3A_32 = arith.constant 1.000000e+00 : f32
    %logistic3A_33 = vector.broadcast %logistic3A_32 : f32 to vector<8x128xf32>
    %logistic3A_34 = arith.addf %logistic3A_33, %logistic3A_31 : vector<8x128xf32>
    %logistic3A_35 = arith.divf %logistic3A_33, %logistic3A_34 : vector<8x128xf32>
    %logistic3A_36 = arith.negf %slice3A_10 : vector<8x128xf32>
    %logistic3A_37 = math.exp %logistic3A_36 : vector<8x128xf32>
    %logistic3A_38 = arith.constant 1.000000e+00 : f32
    %logistic3A_39 = vector.broadcast %logistic3A_38 : f32 to vector<8x128xf32>
    %logistic3A_40 = arith.addf %logistic3A_39, %logistic3A_37 : vector<8x128xf32>
    %logistic3A_41 = arith.divf %logistic3A_39, %logistic3A_40 : vector<8x128xf32>
    %add3A = arith.addf %logistic3A_41, %get3A_18 : vector<8x128xf32>
    %mul3A = arith.constant 3.200000e+01 : f32
    %mul3A_42 = vector.broadcast %mul3A : f32 to vector<8x128xf32>
    %mul3A_43 = arith.mulf %add3A, %mul3A_42 : vector<8x128xf32>
    %logistic3A_44 = arith.negf %slice3A_11 : vector<8x128xf32>
    %logistic3A_45 = math.exp %logistic3A_44 : vector<8x128xf32>
    %logistic3A_46 = arith.constant 1.000000e+00 : f32
    %logistic3A_47 = vector.broadcast %logistic3A_46 : f32 to vector<8x128xf32>
    %logistic3A_48 = arith.addf %logistic3A_47, %logistic3A_45 : vector<8x128xf32>
    %logistic3A_49 = arith.divf %logistic3A_47, %logistic3A_48 : vector<8x128xf32>
    %add3A_50 = arith.addf %logistic3A_49, %get3A_21 : vector<8x128xf32>
    %mul3A_51 = arith.constant 3.200000e+01 : f32
    %mul3A_52 = vector.broadcast %mul3A_51 : f32 to vector<8x128xf32>
    %mul3A_53 = arith.mulf %add3A_50, %mul3A_52 : vector<8x128xf32>
    %exp3A = math.exp %slice3A_12 : vector<8x128xf32>
    %mul3A_54 = arith.mulf %get3A_24, %exp3A : vector<8x128xf32>
    %exp3A_55 = math.exp %slice3A_13 : vector<8x128xf32>
    %mul3A_56 = arith.mulf %get3A_27, %exp3A_55 : vector<8x128xf32>
    %div3A = arith.constant 2.000000e+00 : f32
    %div3A_57 = vector.broadcast %div3A : f32 to vector<8x128xf32>
    %div3A_58 = arith.divf %mul3A_54, %div3A_57 : vector<8x128xf32>
    %sub3A = arith.subf %mul3A_43, %div3A_58 : vector<8x128xf32>
    %jit3A = arith.constant 0.000000e+00 : f32
    %jit3A_59 = arith.constant 4.160000e+02 : f32
    %max3A = vector.broadcast %jit3A : f32 to vector<8x128xf32>
    %max3A_60 = arith.maximumf %max3A, %sub3A : vector<8x128xf32>
    %min3A = vector.broadcast %jit3A_59 : f32 to vector<8x128xf32>
    %min3A_61 = arith.minimumf %min3A, %max3A_60 : vector<8x128xf32>
    %div3A_62 = arith.constant 2.000000e+00 : f32
    %div3A_63 = vector.broadcast %div3A_62 : f32 to vector<8x128xf32>
    %div3A_64 = arith.divf %mul3A_56, %div3A_63 : vector<8x128xf32>
    %sub3A_65 = arith.subf %mul3A_53, %div3A_64 : vector<8x128xf32>
    %jit3A_66 = arith.constant 0.000000e+00 : f32
    %jit3A_67 = arith.constant 4.160000e+02 : f32
    %max3A_68 = vector.broadcast %jit3A_66 : f32 to vector<8x128xf32>
    %max3A_69 = arith.maximumf %max3A_68, %sub3A_65 : vector<8x128xf32>
    %min3A_70 = vector.broadcast %jit3A_67 : f32 to vector<8x128xf32>
    %min3A_71 = arith.minimumf %min3A_70, %max3A_69 : vector<8x128xf32>
    %div3A_72 = arith.constant 2.000000e+00 : f32
    %div3A_73 = vector.broadcast %div3A_72 : f32 to vector<8x128xf32>
    %div3A_74 = arith.divf %mul3A_54, %div3A_73 : vector<8x128xf32>
    %add3A_75 = arith.addf %mul3A_43, %div3A_74 : vector<8x128xf32>
    %jit3A_76 = arith.constant 0.000000e+00 : f32
    %jit3A_77 = arith.constant 4.160000e+02 : f32
    %max3A_78 = vector.broadcast %jit3A_76 : f32 to vector<8x128xf32>
    %max3A_79 = arith.maximumf %max3A_78, %add3A_75 : vector<8x128xf32>
    %min3A_80 = vector.broadcast %jit3A_77 : f32 to vector<8x128xf32>
    %min3A_81 = arith.minimumf %min3A_80, %max3A_79 : vector<8x128xf32>
    %div3A_82 = arith.constant 2.000000e+00 : f32
    %div3A_83 = vector.broadcast %div3A_82 : f32 to vector<8x128xf32>
    %div3A_84 = arith.divf %mul3A_56, %div3A_83 : vector<8x128xf32>
    %add3A_85 = arith.addf %mul3A_53, %div3A_84 : vector<8x128xf32>
    %jit3A_86 = arith.constant 0.000000e+00 : f32
    %jit3A_87 = arith.constant 4.160000e+02 : f32
    %max3A_88 = vector.broadcast %jit3A_86 : f32 to vector<8x128xf32>
    %max3A_89 = arith.maximumf %max3A_88, %add3A_85 : vector<8x128xf32>
    %min3A_90 = vector.broadcast %jit3A_87 : f32 to vector<8x128xf32>
    %min3A_91 = arith.minimumf %min3A_90, %max3A_89 : vector<8x128xf32>
    %convert_element_type3A = arith.sitofp %reshape3A_15 : vector<8x128xi32> to vector<8x128xf32>
    %mul3A_92 = arith.constant 4.170000e+02 : f32
    %mul3A_93 = vector.broadcast %mul3A_92 : f32 to vector<8x128xf32>
    %mul3A_94 = arith.mulf %convert_element_type3A, %mul3A_93 : vector<8x128xf32>
    %add3A_95 = arith.addf %min3A_61, %mul3A_94 : vector<8x128xf32>
    %add3A_96 = arith.addf %min3A_71, %mul3A_94 : vector<8x128xf32>
    %add3A_97 = arith.addf %min3A_81, %mul3A_94 : vector<8x128xf32>
    %add3A_98 = arith.addf %min3A_91, %mul3A_94 : vector<8x128xf32>
    %ne3A = arith.constant 0 : i32
    %ne3A_99 = vector.broadcast %ne3A : i32 to vector<8x128xi32>
    %ne3A_100 = arith.cmpi ne, %get3A_30, %ne3A_99 : vector<8x128xi32>
    %gt3A = arith.constant 5.000000e-01 : f32
    %gt3A_101 = vector.broadcast %gt3A : f32 to vector<8x128xf32>
    %gt3A_102 = arith.cmpf ogt, %logistic3A_35, %gt3A_101 : vector<8x128xf32>
    %and3A = arith.andi %ne3A_100, %gt3A_102 : vector<8x128xi1>
    %jit3A_103 = arith.constant 0xFF800000 : f32
    %broadcast_in_dim3A_104 = vector.broadcast %jit3A_103 : f32 to vector<8x128xf32>
    %select_n3A = arith.select %and3A, %logistic3A_35, %broadcast_in_dim3A_104 : vector<8x128xi1>, vector<8x128xf32>
    %swap3A = arith.constant 0 : index
    %swap3A_105 = arith.constant 0 : index
    %swap3A_106 = arith.constant 0 : index
    %swap3A_107 = vector.load %arg12[%swap3A, %swap3A_105, %swap3A_106] : memref<1x88x128xf32, #tpu.memory_space<vmem>>, vector<1x8x128xf32>
    %swap3A_108 = vector.shape_cast %swap3A_107 : vector<1x8x128xf32> to vector<8x128xf32>
    %swap3A_109 = vector.shape_cast %add3A_95 : vector<8x128xf32> to vector<1x8x128xf32>
    tpu.vector_store %arg12[%swap3A, %swap3A_105, %swap3A_106], %swap3A_109 {strides = array<i32>} : memref<1x88x128xf32, #tpu.memory_space<vmem>>, vector<1x8x128xf32>,
    %swap3A_110 = arith.constant 0 : index
    %swap3A_111 = arith.constant 0 : index
    %swap3A_112 = arith.constant 0 : index
    %swap3A_113 = vector.load %arg13[%swap3A_110, %swap3A_111, %swap3A_112] : memref<1x88x128xf32, #tpu.memory_space<vmem>>, vector<1x8x128xf32>
    %swap3A_114 = vector.shape_cast %swap3A_113 : vector<1x8x128xf32> to vector<8x128xf32>
    %swap3A_115 = vector.shape_cast %add3A_96 : vector<8x128xf32> to vector<1x8x128xf32>
    tpu.vector_store %arg13[%swap3A_110, %swap3A_111, %swap3A_112], %swap3A_115 {strides = array<i32>} : memref<1x88x128xf32, #tpu.memory_space<vmem>>, vector<1x8x128xf32>,
    %swap3A_116 = arith.constant 0 : index
    %swap3A_117 = arith.constant 0 : index
    %swap3A_118 = arith.constant 0 : index
    %swap3A_119 = vector.load %arg14[%swap3A_116, %swap3A_117, %swap3A_118] : memref<1x88x128xf32, #tpu.memory_space<vmem>>, vector<1x8x128xf32>
    %swap3A_120 = vector.shape_cast %swap3A_119 : vector<1x8x128xf32> to vector<8x128xf32>
    %swap3A_121 = vector.shape_cast %add3A_97 : vector<8x128xf32> to vector<1x8x128xf32>
    tpu.vector_store %arg14[%swap3A_116, %swap3A_117, %swap3A_118], %swap3A_121 {strides = array<i32>} : memref<1x88x128xf32, #tpu.memory_space<vmem>>, vector<1x8x128xf32>,
    %swap3A_122 = arith.constant 0 : index
    %swap3A_123 = arith.constant 0 : index
    %swap3A_124 = arith.constant 0 : index
    %swap3A_125 = vector.load %arg15[%swap3A_122, %swap3A_123, %swap3A_124] : memref<1x88x128xf32, #tpu.memory_space<vmem>>, vector<1x8x128xf32>
    %swap3A_126 = vector.shape_cast %swap3A_125 : vector<1x8x128xf32> to vector<8x128xf32>
    %swap3A_127 = vector.shape_cast %add3A_98 : vector<8x128xf32> to vector<1x8x128xf32>
    tpu.vector_store %arg15[%swap3A_122, %swap3A_123, %swap3A_124], %swap3A_127 {strides = array<i32>} : memref<1x88x128xf32, #tpu.memory_space<vmem>>, vector<1x8x128xf32>,
    %swap3A_128 = arith.constant 0 : index
    %swap3A_129 = arith.constant 0 : index
    %swap3A_130 = arith.constant 0 : index
    %swap3A_131 = vector.load %arg16[%swap3A_128, %swap3A_129, %swap3A_130] : memref<1x88x128xf32, #tpu.memory_space<vmem>>, vector<1x8x128xf32>
    %swap3A_132 = vector.shape_cast %swap3A_131 : vector<1x8x128xf32> to vector<8x128xf32>
    %swap3A_133 = vector.shape_cast %select_n3A : vector<8x128xf32> to vector<1x8x128xf32>
    tpu.vector_store %arg16[%swap3A_128, %swap3A_129, %swap3A_130], %swap3A_133 {strides = array<i32>} : memref<1x88x128xf32, #tpu.memory_space<vmem>>, vector<1x8x128xf32>,
    %swap3A_134 = arith.constant 0 : index
    %swap3A_135 = arith.constant 0 : index
    %swap3A_136 = arith.constant 0 : index
    %swap3A_137 = vector.load %arg17[%swap3A_134, %swap3A_135, %swap3A_136] : memref<1x88x128xi32, #tpu.memory_space<vmem>>, vector<1x8x128xi32>
    %swap3A_138 = vector.shape_cast %swap3A_137 : vector<1x8x128xi32> to vector<8x128xi32>
    %swap3A_139 = vector.shape_cast %reshape3A_15 : vector<8x128xi32> to vector<1x8x128xi32>
    tpu.vector_store %arg17[%swap3A_134, %swap3A_135, %swap3A_136], %swap3A_139 {strides = array<i32>} : memref<1x88x128xi32, #tpu.memory_space<vmem>>, vector<1x8x128xi32>,
    %get3A_140 = arith.constant 0 : index
    %get3A_141 = arith.constant 0 : index
    %get3A_142 = arith.constant 0 : index
    %get3A_143 = arith.constant 0 : index
    %get3A_144 = vector.load %arg2[%get3A_140, %get3A_141, %get3A_142, %get3A_143] : memref<3x26x26x85xf32, #tpu.memory_space<vmem>>, vector<3x26x26x85xf32>
    %slice3A_145 = vector.extract_strided_slice %get3A_144 {offsets = [0, 0, 0, 5], sizes = [3, 26, 26, 80], strides = [1, 1, 1, 1]} : vector<3x26x26x85xf32> to vector<3x26x26x80xf32>
    %argmax3A_146 = tpu.reduce_index %slice3A_145 {axis = 3 : i32, kind = #tpu.reduction_kind<arg_max>} : vector<3x26x26x80xf32> -> vector<3x26x26xi32>
    %reshape3A_147 = vector.shape_cast %argmax3A_146 : vector<3x26x26xi32> to vector<2028xi32>
    %get3A_148 = arith.constant 0 : index
    %get3A_149 = arith.constant 0 : index
    %get3A_150 = arith.constant 0 : index
    %get3A_151 = vector.load %arg5[%get3A_148, %get3A_149, %get3A_150] : memref<1x80x128xf32, #tpu.memory_space<vmem>>, vector<1x80x128xf32>
    %get3A_152 = vector.shape_cast %get3A_151 : vector<1x80x128xf32> to vector<80x128xf32>
    %slice3A_153 = vector.extract_strided_slice %get3A_152 {offsets = [0, 0], sizes = [16, 128], strides = [1, 1]} : vector<80x128xf32> to vector<16x128xf32>
    %slice3A_154 = vector.extract_strided_slice %get3A_152 {offsets = [16, 0], sizes = [16, 128], strides = [1, 1]} : vector<80x128xf32> to vector<16x128xf32>
    %slice3A_155 = vector.extract_strided_slice %get3A_152 {offsets = [32, 0], sizes = [16, 128], strides = [1, 1]} : vector<80x128xf32> to vector<16x128xf32>
    %slice3A_156 = vector.extract_strided_slice %get3A_152 {offsets = [48, 0], sizes = [16, 128], strides = [1, 1]} : vector<80x128xf32> to vector<16x128xf32>
    %slice3A_157 = vector.extract_strided_slice %get3A_152 {offsets = [64, 0], sizes = [16, 128], strides = [1, 1]} : vector<80x128xf32> to vector<16x128xf32>
    %broadcast_in_dim3A_158 = arith.constant 0 : i32
    %broadcast_in_dim3A_159 = vector.broadcast %broadcast_in_dim3A_158 : i32 to vector<20xi32>
    %concatenate3A_160 = tpu.concatenate %reshape3A_147, %broadcast_in_dim3A_159 in 0 : vector<2028xi32>, vector<20xi32> -> vector<2048xi32>
    %reshape3A_161 = vector.shape_cast %concatenate3A_160 : vector<2048xi32> to vector<16x128xi32>
    %get3A_162 = arith.constant 8 : index
    %get3A_163 = arith.constant 0 : index
    %get3A_164 = vector.load %arg7[%get3A_162, %get3A_163] : memref<88x128xf32, #tpu.memory_space<vmem>>, vector<16x128xf32>
    %get3A_165 = arith.constant 8 : index
    %get3A_166 = arith.constant 0 : index
    %get3A_167 = vector.load %arg8[%get3A_165, %get3A_166] : memref<88x128xf32, #tpu.memory_space<vmem>>, vector<16x128xf32>
    %get3A_168 = arith.constant 8 : index
    %get3A_169 = arith.constant 0 : index
    %get3A_170 = vector.load %arg9[%get3A_168, %get3A_169] : memref<88x128xf32, #tpu.memory_space<vmem>>, vector<16x128xf32>
    %get3A_171 = arith.constant 8 : index
    %get3A_172 = arith.constant 0 : index
    %get3A_173 = vector.load %arg10[%get3A_171, %get3A_172] : memref<88x128xf32, #tpu.memory_space<vmem>>, vector<16x128xf32>
    %get3A_174 = arith.constant 8 : index
    %get3A_175 = arith.constant 0 : index
    %get3A_176 = vector.load %arg11[%get3A_174, %get3A_175] : memref<88x128xi32, #tpu.memory_space<vmem>>, vector<16x128xi32>
    %logistic3A_177 = arith.negf %slice3A_153 : vector<16x128xf32>
    %logistic3A_178 = math.exp %logistic3A_177 : vector<16x128xf32>
    %logistic3A_179 = arith.constant 1.000000e+00 : f32
    %logistic3A_180 = vector.broadcast %logistic3A_179 : f32 to vector<16x128xf32>
    %logistic3A_181 = arith.addf %logistic3A_180, %logistic3A_178 : vector<16x128xf32>
    %logistic3A_182 = arith.divf %logistic3A_180, %logistic3A_181 : vector<16x128xf32>
    %logistic3A_183 = arith.negf %slice3A_154 : vector<16x128xf32>
    %logistic3A_184 = math.exp %logistic3A_183 : vector<16x128xf32>
    %logistic3A_185 = arith.constant 1.000000e+00 : f32
    %logistic3A_186 = vector.broadcast %logistic3A_185 : f32 to vector<16x128xf32>
    %logistic3A_187 = arith.addf %logistic3A_186, %logistic3A_184 : vector<16x128xf32>
    %logistic3A_188 = arith.divf %logistic3A_186, %logistic3A_187 : vector<16x128xf32>
    %add3A_189 = arith.addf %logistic3A_188, %get3A_164 : vector<16x128xf32>
    %mul3A_190 = arith.constant 1.600000e+01 : f32
    %mul3A_191 = vector.broadcast %mul3A_190 : f32 to vector<16x128xf32>
    %mul3A_192 = arith.mulf %add3A_189, %mul3A_191 : vector<16x128xf32>
    %logistic3A_193 = arith.negf %slice3A_155 : vector<16x128xf32>
    %logistic3A_194 = math.exp %logistic3A_193 : vector<16x128xf32>
    %logistic3A_195 = arith.constant 1.000000e+00 : f32
    %logistic3A_196 = vector.broadcast %logistic3A_195 : f32 to vector<16x128xf32>
    %logistic3A_197 = arith.addf %logistic3A_196, %logistic3A_194 : vector<16x128xf32>
    %logistic3A_198 = arith.divf %logistic3A_196, %logistic3A_197 : vector<16x128xf32>
    %add3A_199 = arith.addf %logistic3A_198, %get3A_167 : vector<16x128xf32>
    %mul3A_200 = arith.constant 1.600000e+01 : f32
    %mul3A_201 = vector.broadcast %mul3A_200 : f32 to vector<16x128xf32>
    %mul3A_202 = arith.mulf %add3A_199, %mul3A_201 : vector<16x128xf32>
    %exp3A_203 = math.exp %slice3A_156 : vector<16x128xf32>
    %mul3A_204 = arith.mulf %get3A_170, %exp3A_203 : vector<16x128xf32>
    %exp3A_205 = math.exp %slice3A_157 : vector<16x128xf32>
    %mul3A_206 = arith.mulf %get3A_173, %exp3A_205 : vector<16x128xf32>
    %div3A_207 = arith.constant 2.000000e+00 : f32
    %div3A_208 = vector.broadcast %div3A_207 : f32 to vector<16x128xf32>
    %div3A_209 = arith.divf %mul3A_204, %div3A_208 : vector<16x128xf32>
    %sub3A_210 = arith.subf %mul3A_192, %div3A_209 : vector<16x128xf32>
    %jit3A_211 = arith.constant 0.000000e+00 : f32
    %jit3A_212 = arith.constant 4.160000e+02 : f32
    %max3A_213 = vector.broadcast %jit3A_211 : f32 to vector<16x128xf32>
    %max3A_214 = arith.maximumf %max3A_213, %sub3A_210 : vector<16x128xf32>
    %min3A_215 = vector.broadcast %jit3A_212 : f32 to vector<16x128xf32>
    %min3A_216 = arith.minimumf %min3A_215, %max3A_214 : vector<16x128xf32>
    %div3A_217 = arith.constant 2.000000e+00 : f32
    %div3A_218 = vector.broadcast %div3A_217 : f32 to vector<16x128xf32>
    %div3A_219 = arith.divf %mul3A_206, %div3A_218 : vector<16x128xf32>
    %sub3A_220 = arith.subf %mul3A_202, %div3A_219 : vector<16x128xf32>
    %jit3A_221 = arith.constant 0.000000e+00 : f32
    %jit3A_222 = arith.constant 4.160000e+02 : f32
    %max3A_223 = vector.broadcast %jit3A_221 : f32 to vector<16x128xf32>
    %max3A_224 = arith.maximumf %max3A_223, %sub3A_220 : vector<16x128xf32>
    %min3A_225 = vector.broadcast %jit3A_222 : f32 to vector<16x128xf32>
    %min3A_226 = arith.minimumf %min3A_225, %max3A_224 : vector<16x128xf32>
    %div3A_227 = arith.constant 2.000000e+00 : f32
    %div3A_228 = vector.broadcast %div3A_227 : f32 to vector<16x128xf32>
    %div3A_229 = arith.divf %mul3A_204, %div3A_228 : vector<16x128xf32>
    %add3A_230 = arith.addf %mul3A_192, %div3A_229 : vector<16x128xf32>
    %jit3A_231 = arith.constant 0.000000e+00 : f32
    %jit3A_232 = arith.constant 4.160000e+02 : f32
    %max3A_233 = vector.broadcast %jit3A_231 : f32 to vector<16x128xf32>
    %max3A_234 = arith.maximumf %max3A_233, %add3A_230 : vector<16x128xf32>
    %min3A_235 = vector.broadcast %jit3A_232 : f32 to vector<16x128xf32>
    %min3A_236 = arith.minimumf %min3A_235, %max3A_234 : vector<16x128xf32>
    %div3A_237 = arith.constant 2.000000e+00 : f32
    %div3A_238 = vector.broadcast %div3A_237 : f32 to vector<16x128xf32>
    %div3A_239 = arith.divf %mul3A_206, %div3A_238 : vector<16x128xf32>
    %add3A_240 = arith.addf %mul3A_202, %div3A_239 : vector<16x128xf32>
    %jit3A_241 = arith.constant 0.000000e+00 : f32
    %jit3A_242 = arith.constant 4.160000e+02 : f32
    %max3A_243 = vector.broadcast %jit3A_241 : f32 to vector<16x128xf32>
    %max3A_244 = arith.maximumf %max3A_243, %add3A_240 : vector<16x128xf32>
    %min3A_245 = vector.broadcast %jit3A_242 : f32 to vector<16x128xf32>
    %min3A_246 = arith.minimumf %min3A_245, %max3A_244 : vector<16x128xf32>
    %convert_element_type3A_247 = arith.sitofp %reshape3A_161 : vector<16x128xi32> to vector<16x128xf32>
    %mul3A_248 = arith.constant 4.170000e+02 : f32
    %mul3A_249 = vector.broadcast %mul3A_248 : f32 to vector<16x128xf32>
    %mul3A_250 = arith.mulf %convert_element_type3A_247, %mul3A_249 : vector<16x128xf32>
    %add3A_251 = arith.addf %min3A_216, %mul3A_250 : vector<16x128xf32>
    %add3A_252 = arith.addf %min3A_226, %mul3A_250 : vector<16x128xf32>
    %add3A_253 = arith.addf %min3A_236, %mul3A_250 : vector<16x128xf32>
    %add3A_254 = arith.addf %min3A_246, %mul3A_250 : vector<16x128xf32>
    %ne3A_255 = arith.constant 0 : i32
    %ne3A_256 = vector.broadcast %ne3A_255 : i32 to vector<16x128xi32>
    %ne3A_257 = arith.cmpi ne, %get3A_176, %ne3A_256 : vector<16x128xi32>
    %gt3A_258 = arith.constant 5.000000e-01 : f32
    %gt3A_259 = vector.broadcast %gt3A_258 : f32 to vector<16x128xf32>
    %gt3A_260 = arith.cmpf ogt, %logistic3A_182, %gt3A_259 : vector<16x128xf32>
    %and3A_261 = arith.andi %ne3A_257, %gt3A_260 : vector<16x128xi1>
    %jit3A_262 = arith.constant 0xFF800000 : f32
    %broadcast_in_dim3A_263 = vector.broadcast %jit3A_262 : f32 to vector<16x128xf32>
    %select_n3A_264 = arith.select %and3A_261, %logistic3A_182, %broadcast_in_dim3A_263 : vector<16x128xi1>, vector<16x128xf32>
    %swap3A_265 = arith.constant 0 : index
    %swap3A_266 = arith.constant 8 : index
    %swap3A_267 = arith.constant 0 : index
    %swap3A_268 = vector.load %arg12[%swap3A_265, %swap3A_266, %swap3A_267] : memref<1x88x128xf32, #tpu.memory_space<vmem>>, vector<1x16x128xf32>
    %swap3A_269 = vector.shape_cast %swap3A_268 : vector<1x16x128xf32> to vector<16x128xf32>
    %swap3A_270 = vector.shape_cast %add3A_251 : vector<16x128xf32> to vector<1x16x128xf32>
    tpu.vector_store %arg12[%swap3A_265, %swap3A_266, %swap3A_267], %swap3A_270 {strides = array<i32>} : memref<1x88x128xf32, #tpu.memory_space<vmem>>, vector<1x16x128xf32>,
    %swap3A_271 = arith.constant 0 : index
    %swap3A_272 = arith.constant 8 : index
    %swap3A_273 = arith.constant 0 : index
    %swap3A_274 = vector.load %arg13[%swap3A_271, %swap3A_272, %swap3A_273] : memref<1x88x128xf32, #tpu.memory_space<vmem>>, vector<1x16x128xf32>
    %swap3A_275 = vector.shape_cast %swap3A_274 : vector<1x16x128xf32> to vector<16x128xf32>
    %swap3A_276 = vector.shape_cast %add3A_252 : vector<16x128xf32> to vector<1x16x128xf32>
    tpu.vector_store %arg13[%swap3A_271, %swap3A_272, %swap3A_273], %swap3A_276 {strides = array<i32>} : memref<1x88x128xf32, #tpu.memory_space<vmem>>, vector<1x16x128xf32>,
    %swap3A_277 = arith.constant 0 : index
    %swap3A_278 = arith.constant 8 : index
    %swap3A_279 = arith.constant 0 : index
    %swap3A_280 = vector.load %arg14[%swap3A_277, %swap3A_278, %swap3A_279] : memref<1x88x128xf32, #tpu.memory_space<vmem>>, vector<1x16x128xf32>
    %swap3A_281 = vector.shape_cast %swap3A_280 : vector<1x16x128xf32> to vector<16x128xf32>
    %swap3A_282 = vector.shape_cast %add3A_253 : vector<16x128xf32> to vector<1x16x128xf32>
    tpu.vector_store %arg14[%swap3A_277, %swap3A_278, %swap3A_279], %swap3A_282 {strides = array<i32>} : memref<1x88x128xf32, #tpu.memory_space<vmem>>, vector<1x16x128xf32>,
    %swap3A_283 = arith.constant 0 : index
    %swap3A_284 = arith.constant 8 : index
    %swap3A_285 = arith.constant 0 : index
    %swap3A_286 = vector.load %arg15[%swap3A_283, %swap3A_284, %swap3A_285] : memref<1x88x128xf32, #tpu.memory_space<vmem>>, vector<1x16x128xf32>
    %swap3A_287 = vector.shape_cast %swap3A_286 : vector<1x16x128xf32> to vector<16x128xf32>
    %swap3A_288 = vector.shape_cast %add3A_254 : vector<16x128xf32> to vector<1x16x128xf32>
    tpu.vector_store %arg15[%swap3A_283, %swap3A_284, %swap3A_285], %swap3A_288 {strides = array<i32>} : memref<1x88x128xf32, #tpu.memory_space<vmem>>, vector<1x16x128xf32>,
    %swap3A_289 = arith.constant 0 : index
    %swap3A_290 = arith.constant 8 : index
    %swap3A_291 = arith.constant 0 : index
    %swap3A_292 = vector.load %arg16[%swap3A_289, %swap3A_290, %swap3A_291] : memref<1x88x128xf32, #tpu.memory_space<vmem>>, vector<1x16x128xf32>
    %swap3A_293 = vector.shape_cast %swap3A_292 : vector<1x16x128xf32> to vector<16x128xf32>
    %swap3A_294 = vector.shape_cast %select_n3A_264 : vector<16x128xf32> to vector<1x16x128xf32>
    tpu.vector_store %arg16[%swap3A_289, %swap3A_290, %swap3A_291], %swap3A_294 {strides = array<i32>} : memref<1x88x128xf32, #tpu.memory_space<vmem>>, vector<1x16x128xf32>,
    %swap3A_295 = arith.constant 0 : index
    %swap3A_296 = arith.constant 8 : index
    %swap3A_297 = arith.constant 0 : index
    %swap3A_298 = vector.load %arg17[%swap3A_295, %swap3A_296, %swap3A_297] : memref<1x88x128xi32, #tpu.memory_space<vmem>>, vector<1x16x128xi32>
    %swap3A_299 = vector.shape_cast %swap3A_298 : vector<1x16x128xi32> to vector<16x128xi32>
    %swap3A_300 = vector.shape_cast %reshape3A_161 : vector<16x128xi32> to vector<1x16x128xi32>
    tpu.vector_store %arg17[%swap3A_295, %swap3A_296, %swap3A_297], %swap3A_300 {strides = array<i32>} : memref<1x88x128xi32, #tpu.memory_space<vmem>>, vector<1x16x128xi32>,
    %get3A_301 = arith.constant 0 : index
    %get3A_302 = arith.constant 0 : index
    %get3A_303 = arith.constant 0 : index
    %get3A_304 = arith.constant 0 : index
    %get3A_305 = vector.load %arg3[%get3A_301, %get3A_302, %get3A_303, %get3A_304] : memref<3x52x52x85xf32, #tpu.memory_space<vmem>>, vector<3x52x52x85xf32>
    %slice3A_306 = vector.extract_strided_slice %get3A_305 {offsets = [0, 0, 0, 5], sizes = [3, 52, 52, 80], strides = [1, 1, 1, 1]} : vector<3x52x52x85xf32> to vector<3x52x52x80xf32>
    %argmax3A_307 = tpu.reduce_index %slice3A_306 {axis = 3 : i32, kind = #tpu.reduction_kind<arg_max>} : vector<3x52x52x80xf32> -> vector<3x52x52xi32>
    %reshape3A_308 = vector.shape_cast %argmax3A_307 : vector<3x52x52xi32> to vector<8112xi32>
    %get3A_309 = arith.constant 0 : index
    %get3A_310 = arith.constant 0 : index
    %get3A_311 = arith.constant 0 : index
    %get3A_312 = vector.load %arg6[%get3A_309, %get3A_310, %get3A_311] : memref<1x320x128xf32, #tpu.memory_space<vmem>>, vector<1x320x128xf32>
    %get3A_313 = vector.shape_cast %get3A_312 : vector<1x320x128xf32> to vector<320x128xf32>
    %slice3A_314 = vector.extract_strided_slice %get3A_313 {offsets = [0, 0], sizes = [64, 128], strides = [1, 1]} : vector<320x128xf32> to vector<64x128xf32>
    %slice3A_315 = vector.extract_strided_slice %get3A_313 {offsets = [64, 0], sizes = [64, 128], strides = [1, 1]} : vector<320x128xf32> to vector<64x128xf32>
    %slice3A_316 = vector.extract_strided_slice %get3A_313 {offsets = [128, 0], sizes = [64, 128], strides = [1, 1]} : vector<320x128xf32> to vector<64x128xf32>
    %slice3A_317 = vector.extract_strided_slice %get3A_313 {offsets = [192, 0], sizes = [64, 128], strides = [1, 1]} : vector<320x128xf32> to vector<64x128xf32>
    %slice3A_318 = vector.extract_strided_slice %get3A_313 {offsets = [256, 0], sizes = [64, 128], strides = [1, 1]} : vector<320x128xf32> to vector<64x128xf32>
    %broadcast_in_dim3A_319 = arith.constant 0 : i32
    %broadcast_in_dim3A_320 = vector.broadcast %broadcast_in_dim3A_319 : i32 to vector<80xi32>
    %concatenate3A_321 = tpu.concatenate %reshape3A_308, %broadcast_in_dim3A_320 in 0 : vector<8112xi32>, vector<80xi32> -> vector<8192xi32>
    %reshape3A_322 = vector.shape_cast %concatenate3A_321 : vector<8192xi32> to vector<64x128xi32>
    %get3A_323 = arith.constant 24 : index
    %get3A_324 = arith.constant 0 : index
    %get3A_325 = vector.load %arg7[%get3A_323, %get3A_324] : memref<88x128xf32, #tpu.memory_space<vmem>>, vector<64x128xf32>
    %get3A_326 = arith.constant 24 : index
    %get3A_327 = arith.constant 0 : index
    %get3A_328 = vector.load %arg8[%get3A_326, %get3A_327] : memref<88x128xf32, #tpu.memory_space<vmem>>, vector<64x128xf32>
    %get3A_329 = arith.constant 24 : index
    %get3A_330 = arith.constant 0 : index
    %get3A_331 = vector.load %arg9[%get3A_329, %get3A_330] : memref<88x128xf32, #tpu.memory_space<vmem>>, vector<64x128xf32>
    %get3A_332 = arith.constant 24 : index
    %get3A_333 = arith.constant 0 : index
    %get3A_334 = vector.load %arg10[%get3A_332, %get3A_333] : memref<88x128xf32, #tpu.memory_space<vmem>>, vector<64x128xf32>
    %get3A_335 = arith.constant 24 : index
    %get3A_336 = arith.constant 0 : index
    %get3A_337 = vector.load %arg11[%get3A_335, %get3A_336] : memref<88x128xi32, #tpu.memory_space<vmem>>, vector<64x128xi32>
    %logistic3A_338 = arith.negf %slice3A_314 : vector<64x128xf32>
    %logistic3A_339 = math.exp %logistic3A_338 : vector<64x128xf32>
    %logistic3A_340 = arith.constant 1.000000e+00 : f32
    %logistic3A_341 = vector.broadcast %logistic3A_340 : f32 to vector<64x128xf32>
    %logistic3A_342 = arith.addf %logistic3A_341, %logistic3A_339 : vector<64x128xf32>
    %logistic3A_343 = arith.divf %logistic3A_341, %logistic3A_342 : vector<64x128xf32>
    %logistic3A_344 = arith.negf %slice3A_315 : vector<64x128xf32>
    %logistic3A_345 = math.exp %logistic3A_344 : vector<64x128xf32>
    %logistic3A_346 = arith.constant 1.000000e+00 : f32
    %logistic3A_347 = vector.broadcast %logistic3A_346 : f32 to vector<64x128xf32>
    %logistic3A_348 = arith.addf %logistic3A_347, %logistic3A_345 : vector<64x128xf32>
    %logistic3A_349 = arith.divf %logistic3A_347, %logistic3A_348 : vector<64x128xf32>
    %add3A_350 = arith.addf %logistic3A_349, %get3A_325 : vector<64x128xf32>
    %mul3A_351 = arith.constant 8.000000e+00 : f32
    %mul3A_352 = vector.broadcast %mul3A_351 : f32 to vector<64x128xf32>
    %mul3A_353 = arith.mulf %add3A_350, %mul3A_352 : vector<64x128xf32>
    %logistic3A_354 = arith.negf %slice3A_316 : vector<64x128xf32>
    %logistic3A_355 = math.exp %logistic3A_354 : vector<64x128xf32>
    %logistic3A_356 = arith.constant 1.000000e+00 : f32
    %logistic3A_357 = vector.broadcast %logistic3A_356 : f32 to vector<64x128xf32>
    %logistic3A_358 = arith.addf %logistic3A_357, %logistic3A_355 : vector<64x128xf32>
    %logistic3A_359 = arith.divf %logistic3A_357, %logistic3A_358 : vector<64x128xf32>
    %add3A_360 = arith.addf %logistic3A_359, %get3A_328 : vector<64x128xf32>
    %mul3A_361 = arith.constant 8.000000e+00 : f32
    %mul3A_362 = vector.broadcast %mul3A_361 : f32 to vector<64x128xf32>
    %mul3A_363 = arith.mulf %add3A_360, %mul3A_362 : vector<64x128xf32>
    %exp3A_364 = math.exp %slice3A_317 : vector<64x128xf32>
    %mul3A_365 = arith.mulf %get3A_331, %exp3A_364 : vector<64x128xf32>
    %exp3A_366 = math.exp %slice3A_318 : vector<64x128xf32>
    %mul3A_367 = arith.mulf %get3A_334, %exp3A_366 : vector<64x128xf32>
    %div3A_368 = arith.constant 2.000000e+00 : f32
    %div3A_369 = vector.broadcast %div3A_368 : f32 to vector<64x128xf32>
    %div3A_370 = arith.divf %mul3A_365, %div3A_369 : vector<64x128xf32>
    %sub3A_371 = arith.subf %mul3A_353, %div3A_370 : vector<64x128xf32>
    %jit3A_372 = arith.constant 0.000000e+00 : f32
    %jit3A_373 = arith.constant 4.160000e+02 : f32
    %max3A_374 = vector.broadcast %jit3A_372 : f32 to vector<64x128xf32>
    %max3A_375 = arith.maximumf %max3A_374, %sub3A_371 : vector<64x128xf32>
    %min3A_376 = vector.broadcast %jit3A_373 : f32 to vector<64x128xf32>
    %min3A_377 = arith.minimumf %min3A_376, %max3A_375 : vector<64x128xf32>
    %div3A_378 = arith.constant 2.000000e+00 : f32
    %div3A_379 = vector.broadcast %div3A_378 : f32 to vector<64x128xf32>
    %div3A_380 = arith.divf %mul3A_367, %div3A_379 : vector<64x128xf32>
    %sub3A_381 = arith.subf %mul3A_363, %div3A_380 : vector<64x128xf32>
    %jit3A_382 = arith.constant 0.000000e+00 : f32
    %jit3A_383 = arith.constant 4.160000e+02 : f32
    %max3A_384 = vector.broadcast %jit3A_382 : f32 to vector<64x128xf32>
    %max3A_385 = arith.maximumf %max3A_384, %sub3A_381 : vector<64x128xf32>
    %min3A_386 = vector.broadcast %jit3A_383 : f32 to vector<64x128xf32>
    %min3A_387 = arith.minimumf %min3A_386, %max3A_385 : vector<64x128xf32>
    %div3A_388 = arith.constant 2.000000e+00 : f32
    %div3A_389 = vector.broadcast %div3A_388 : f32 to vector<64x128xf32>
    %div3A_390 = arith.divf %mul3A_365, %div3A_389 : vector<64x128xf32>
    %add3A_391 = arith.addf %mul3A_353, %div3A_390 : vector<64x128xf32>
    %jit3A_392 = arith.constant 0.000000e+00 : f32
    %jit3A_393 = arith.constant 4.160000e+02 : f32
    %max3A_394 = vector.broadcast %jit3A_392 : f32 to vector<64x128xf32>
    %max3A_395 = arith.maximumf %max3A_394, %add3A_391 : vector<64x128xf32>
    %min3A_396 = vector.broadcast %jit3A_393 : f32 to vector<64x128xf32>
    %min3A_397 = arith.minimumf %min3A_396, %max3A_395 : vector<64x128xf32>
    %div3A_398 = arith.constant 2.000000e+00 : f32
    %div3A_399 = vector.broadcast %div3A_398 : f32 to vector<64x128xf32>
    %div3A_400 = arith.divf %mul3A_367, %div3A_399 : vector<64x128xf32>
    %add3A_401 = arith.addf %mul3A_363, %div3A_400 : vector<64x128xf32>
    %jit3A_402 = arith.constant 0.000000e+00 : f32
    %jit3A_403 = arith.constant 4.160000e+02 : f32
    %max3A_404 = vector.broadcast %jit3A_402 : f32 to vector<64x128xf32>
    %max3A_405 = arith.maximumf %max3A_404, %add3A_401 : vector<64x128xf32>
    %min3A_406 = vector.broadcast %jit3A_403 : f32 to vector<64x128xf32>
    %min3A_407 = arith.minimumf %min3A_406, %max3A_405 : vector<64x128xf32>
    %convert_element_type3A_408 = arith.sitofp %reshape3A_322 : vector<64x128xi32> to vector<64x128xf32>
    %mul3A_409 = arith.constant 4.170000e+02 : f32
    %mul3A_410 = vector.broadcast %mul3A_409 : f32 to vector<64x128xf32>
    %mul3A_411 = arith.mulf %convert_element_type3A_408, %mul3A_410 : vector<64x128xf32>
    %add3A_412 = arith.addf %min3A_377, %mul3A_411 : vector<64x128xf32>
    %add3A_413 = arith.addf %min3A_387, %mul3A_411 : vector<64x128xf32>
    %add3A_414 = arith.addf %min3A_397, %mul3A_411 : vector<64x128xf32>
    %add3A_415 = arith.addf %min3A_407, %mul3A_411 : vector<64x128xf32>
    %ne3A_416 = arith.constant 0 : i32
    %ne3A_417 = vector.broadcast %ne3A_416 : i32 to vector<64x128xi32>
    %ne3A_418 = arith.cmpi ne, %get3A_337, %ne3A_417 : vector<64x128xi32>
    %gt3A_419 = arith.constant 5.000000e-01 : f32
    %gt3A_420 = vector.broadcast %gt3A_419 : f32 to vector<64x128xf32>
    %gt3A_421 = arith.cmpf ogt, %logistic3A_343, %gt3A_420 : vector<64x128xf32>
    %and3A_422 = arith.andi %ne3A_418, %gt3A_421 : vector<64x128xi1>
    %jit3A_423 = arith.constant 0xFF800000 : f32
    %broadcast_in_dim3A_424 = vector.broadcast %jit3A_423 : f32 to vector<64x128xf32>
    %select_n3A_425 = arith.select %and3A_422, %logistic3A_343, %broadcast_in_dim3A_424 : vector<64x128xi1>, vector<64x128xf32>
    %swap3A_426 = arith.constant 0 : index
    %swap3A_427 = arith.constant 24 : index
    %swap3A_428 = arith.constant 0 : index
    %swap3A_429 = vector.load %arg12[%swap3A_426, %swap3A_427, %swap3A_428] : memref<1x88x128xf32, #tpu.memory_space<vmem>>, vector<1x64x128xf32>
    %swap3A_430 = vector.shape_cast %swap3A_429 : vector<1x64x128xf32> to vector<64x128xf32>
    %swap3A_431 = vector.shape_cast %add3A_412 : vector<64x128xf32> to vector<1x64x128xf32>
    tpu.vector_store %arg12[%swap3A_426, %swap3A_427, %swap3A_428], %swap3A_431 {strides = array<i32>} : memref<1x88x128xf32, #tpu.memory_space<vmem>>, vector<1x64x128xf32>,
    %swap3A_432 = arith.constant 0 : index
    %swap3A_433 = arith.constant 24 : index
    %swap3A_434 = arith.constant 0 : index
    %swap3A_435 = vector.load %arg13[%swap3A_432, %swap3A_433, %swap3A_434] : memref<1x88x128xf32, #tpu.memory_space<vmem>>, vector<1x64x128xf32>
    %swap3A_436 = vector.shape_cast %swap3A_435 : vector<1x64x128xf32> to vector<64x128xf32>
    %swap3A_437 = vector.shape_cast %add3A_413 : vector<64x128xf32> to vector<1x64x128xf32>
    tpu.vector_store %arg13[%swap3A_432, %swap3A_433, %swap3A_434], %swap3A_437 {strides = array<i32>} : memref<1x88x128xf32, #tpu.memory_space<vmem>>, vector<1x64x128xf32>,
    %swap3A_438 = arith.constant 0 : index
    %swap3A_439 = arith.constant 24 : index
    %swap3A_440 = arith.constant 0 : index
    %swap3A_441 = vector.load %arg14[%swap3A_438, %swap3A_439, %swap3A_440] : memref<1x88x128xf32, #tpu.memory_space<vmem>>, vector<1x64x128xf32>
    %swap3A_442 = vector.shape_cast %swap3A_441 : vector<1x64x128xf32> to vector<64x128xf32>
    %swap3A_443 = vector.shape_cast %add3A_414 : vector<64x128xf32> to vector<1x64x128xf32>
    tpu.vector_store %arg14[%swap3A_438, %swap3A_439, %swap3A_440], %swap3A_443 {strides = array<i32>} : memref<1x88x128xf32, #tpu.memory_space<vmem>>, vector<1x64x128xf32>,
    %swap3A_444 = arith.constant 0 : index
    %swap3A_445 = arith.constant 24 : index
    %swap3A_446 = arith.constant 0 : index
    %swap3A_447 = vector.load %arg15[%swap3A_444, %swap3A_445, %swap3A_446] : memref<1x88x128xf32, #tpu.memory_space<vmem>>, vector<1x64x128xf32>
    %swap3A_448 = vector.shape_cast %swap3A_447 : vector<1x64x128xf32> to vector<64x128xf32>
    %swap3A_449 = vector.shape_cast %add3A_415 : vector<64x128xf32> to vector<1x64x128xf32>
    tpu.vector_store %arg15[%swap3A_444, %swap3A_445, %swap3A_446], %swap3A_449 {strides = array<i32>} : memref<1x88x128xf32, #tpu.memory_space<vmem>>, vector<1x64x128xf32>,
    %swap3A_450 = arith.constant 0 : index
    %swap3A_451 = arith.constant 24 : index
    %swap3A_452 = arith.constant 0 : index
    %swap3A_453 = vector.load %arg16[%swap3A_450, %swap3A_451, %swap3A_452] : memref<1x88x128xf32, #tpu.memory_space<vmem>>, vector<1x64x128xf32>
    %swap3A_454 = vector.shape_cast %swap3A_453 : vector<1x64x128xf32> to vector<64x128xf32>
    %swap3A_455 = vector.shape_cast %select_n3A_425 : vector<64x128xf32> to vector<1x64x128xf32>
    tpu.vector_store %arg16[%swap3A_450, %swap3A_451, %swap3A_452], %swap3A_455 {strides = array<i32>} : memref<1x88x128xf32, #tpu.memory_space<vmem>>, vector<1x64x128xf32>,
    %swap3A_456 = arith.constant 0 : index
    %swap3A_457 = arith.constant 24 : index
    %swap3A_458 = arith.constant 0 : index
    %swap3A_459 = vector.load %arg17[%swap3A_456, %swap3A_457, %swap3A_458] : memref<1x88x128xi32, #tpu.memory_space<vmem>>, vector<1x64x128xi32>
    %swap3A_460 = vector.shape_cast %swap3A_459 : vector<1x64x128xi32> to vector<64x128xi32>
    %swap3A_461 = vector.shape_cast %reshape3A_322 : vector<64x128xi32> to vector<1x64x128xi32>
    tpu.vector_store %arg17[%swap3A_456, %swap3A_457, %swap3A_458], %swap3A_461 {strides = array<i32>} : memref<1x88x128xi32, #tpu.memory_space<vmem>>, vector<1x64x128xi32>,
    return
  }
  func.func @transform_0(%arg0: i32) -> (i32, i32, i32, i32) {
    %c0_i32 = arith.constant 0 : i32
    %c0_i32_0 = arith.constant 0 : i32
    %c0_i32_1 = arith.constant 0 : i32
    %c0_i32_2 = arith.constant 0 : i32
    return %arg0, %c0_i32, %c0_i32_0, %c0_i32_1 : i32, i32, i32, i32
  }
  func.func @transform_1(%arg0: i32) -> (i32, i32, i32, i32) {
    %c0_i32 = arith.constant 0 : i32
    %c0_i32_0 = arith.constant 0 : i32
    %c0_i32_1 = arith.constant 0 : i32
    %c0_i32_2 = arith.constant 0 : i32
    return %arg0, %c0_i32, %c0_i32_0, %c0_i32_1 : i32, i32, i32, i32
  }
  func.func @transform_2(%arg0: i32) -> (i32, i32, i32, i32) {
    %c0_i32 = arith.constant 0 : i32
    %c0_i32_0 = arith.constant 0 : i32
    %c0_i32_1 = arith.constant 0 : i32
    %c0_i32_2 = arith.constant 0 : i32
    return %arg0, %c0_i32, %c0_i32_0, %c0_i32_1 : i32, i32, i32, i32
  }
  func.func @transform_3(%arg0: i32) -> (i32, i32, i32) {
    %c0_i32 = arith.constant 0 : i32
    %c0_i32_0 = arith.constant 0 : i32
    %c0_i32_1 = arith.constant 0 : i32
    return %arg0, %c0_i32, %c0_i32_0 : i32, i32, i32
  }
  func.func @transform_4(%arg0: i32) -> (i32, i32, i32) {
    %c0_i32 = arith.constant 0 : i32
    %c0_i32_0 = arith.constant 0 : i32
    %c0_i32_1 = arith.constant 0 : i32
    return %arg0, %c0_i32, %c0_i32_0 : i32, i32, i32
  }
  func.func @transform_5(%arg0: i32) -> (i32, i32, i32) {
    %c0_i32 = arith.constant 0 : i32
    %c0_i32_0 = arith.constant 0 : i32
    %c0_i32_1 = arith.constant 0 : i32
    return %arg0, %c0_i32, %c0_i32_0 : i32, i32, i32
  }
  func.func @transform_6(%arg0: i32) -> (i32, i32) {
    %c0_i32 = arith.constant 0 : i32
    %c0_i32_0 = arith.constant 0 : i32
    %c0_i32_1 = arith.constant 0 : i32
    return %c0_i32, %c0_i32_0 : i32, i32
  }
  func.func @transform_7(%arg0: i32) -> (i32, i32) {
    %c0_i32 = arith.constant 0 : i32
    %c0_i32_0 = arith.constant 0 : i32
    %c0_i32_1 = arith.constant 0 : i32
    return %c0_i32, %c0_i32_0 : i32, i32
  }
  func.func @transform_8(%arg0: i32) -> (i32, i32) {
    %c0_i32 = arith.constant 0 : i32
    %c0_i32_0 = arith.constant 0 : i32
    %c0_i32_1 = arith.constant 0 : i32
    return %c0_i32, %c0_i32_0 : i32, i32
  }
  func.func @transform_9(%arg0: i32) -> (i32, i32) {
    %c0_i32 = arith.constant 0 : i32
    %c0_i32_0 = arith.constant 0 : i32
    %c0_i32_1 = arith.constant 0 : i32
    return %c0_i32, %c0_i32_0 : i32, i32
  }
  func.func @transform_10(%arg0: i32) -> (i32, i32) {
    %c0_i32 = arith.constant 0 : i32
    %c0_i32_0 = arith.constant 0 : i32
    %c0_i32_1 = arith.constant 0 : i32
    return %c0_i32, %c0_i32_0 : i32, i32
  }
  func.func @transform_11(%arg0: i32) -> (i32, i32, i32) {
    %c0_i32 = arith.constant 0 : i32
    %c0_i32_0 = arith.constant 0 : i32
    %c0_i32_1 = arith.constant 0 : i32
    return %arg0, %c0_i32, %c0_i32_0 : i32, i32, i32
  }
  func.func @transform_12(%arg0: i32) -> (i32, i32, i32) {
    %c0_i32 = arith.constant 0 : i32
    %c0_i32_0 = arith.constant 0 : i32
    %c0_i32_1 = arith.constant 0 : i32
    return %arg0, %c0_i32, %c0_i32_0 : i32, i32, i32
  }
  func.func @transform_13(%arg0: i32) -> (i32, i32, i32) {
    %c0_i32 = arith.constant 0 : i32
    %c0_i32_0 = arith.constant 0 : i32
    %c0_i32_1 = arith.constant 0 : i32
    return %arg0, %c0_i32, %c0_i32_0 : i32, i32, i32
  }
  func.func @transform_14(%arg0: i32) -> (i32, i32, i32) {
    %c0_i32 = arith.constant 0 : i32
    %c0_i32_0 = arith.constant 0 : i32
    %c0_i32_1 = arith.constant 0 : i32
    return %arg0, %c0_i32, %c0_i32_0 : i32, i32, i32
  }
  func.func @transform_15(%arg0: i32) -> (i32, i32, i32) {
    %c0_i32 = arith.constant 0 : i32
    %c0_i32_0 = arith.constant 0 : i32
    %c0_i32_1 = arith.constant 0 : i32
    return %arg0, %c0_i32, %c0_i32_0 : i32, i32, i32
  }
  func.func @transform_16(%arg0: i32) -> (i32, i32, i32) {
    %c0_i32 = arith.constant 0 : i32
    %c0_i32_0 = arith.constant 0 : i32
    %c0_i32_1 = arith.constant 0 : i32
    return %arg0, %c0_i32, %c0_i32_0 : i32, i32, i32
  }
}

</mosaic_0001>

<sc_bundles>
// kernel: kernel.4.cloned.1.call-start
scs
__scs_entry_jumppad:
0x0: {  	(pc) =	sbr.rel $0x88, $3  }
0x1: {  	(tag) =	ssettag $0x0;
	lr =	simm.s32 $0x1  }
0x2: {  	[smem:$0x3F9E] =	sst lr;
	_ =	strace $0xD0000000  }
0x3: {  	_ = 	snop  }
0x4: {  	_ = 	snop  }
0x5: {  	_ = 	snop  }
0x6: {  	_ = 	snop  }
0x7: {  	_ = 	snop  }
__scs_overlays_trampoline_lowered:
0x8: {  	[smem:$0x3FAD] =	sst s0  }
0x9: {  	[smem:$0x3FAE] =	sst s1  }
0xa: {  	[smem:$0x3FAF] =	sst s2  }
0xb: {  	[smem:$0x3FB0] =	sst s3  }
0xc: {  	[smem:$0x3FB1] =	sst s4  }
0xd: {  	[smem:$0x3FB2] =	sst s5  }
0xe: {  	[smem:$0x3FB3] =	sst s6  }
0xf: {  	[smem:$0x3FB4] =	sst s7  }
0x10: {  	[smem:$0x3FB5] =	sst s8  }
0x11: {  	[smem:$0x3FB6] =	sst s9;
	s0 =	simm.s32 @!p0 $0x0  }
0x12: {  	s1 =	sld [smem:$0x3F9C];
	s0 =	simm.s32 @p0 $0x1  }
0x13: {  	[smem:$0x3FB7] =	sst s0;
	s0 =	simm.s32 @!p1 $0x0  }
0x14: {  	s2 =	sld [smem:$0x3F9B];
	s0 =	simm.s32 @p1 $0x1  }
0x15: {  	[smem:$0x3FB8] =	sst s0;
	s0 =	simm.s32 @!p2 $0x0  }
0x16: {  	s3 =	sld [smem:$0x3FDB];
	s0 =	simm.s32 @p2 $0x1  }
0x17: {  	s4 =	simm.s32 $0x1BF5;
	[smem:$0x3FBA] =	sst s0  }
0x18: {  	s0 =	sld [smem:$0x3F9D];
	_ =	swait.ge [sflag:s4], $0x0  }
0x19: {  	s7 =	sld [smem:$0x3F9E]  }
0x1a: {  	s8 =	sadd.s32 $0xFFFFE003, lr  }
0x1b: {  	s9 =	sadd.s32 $0xFFFFFEF7, lr;
	s5 =	simm.s32 $0xFFFFFFFF;
	p2 =	slt.u32 s8, $0xFFFFF086  }
0x1c: {  	p1 =	slt.u32 s9, $0xF7A;
	s5 =	simm.s32 @!p2 $0x0  }
0x1d: {  	s5 =	simm.s32 @p1 $0x1;
	p0 =	seq.s32 s7, s2  }
0x1e: {  	s7 =	smul.u32 @!p0 $0xF7A, s2;
	p2 =	seq.s32 @!p0 s5, $0x0  }
0x1f: {  	s9 =	smul.u32 $0xF7A, s1;
	s8 =	simm.s32 @!p0 $0x1BF5;
	p2 =	por !p2, p0  }
0x20: {  	[sflag:s8] =	ssyncset.s32 @!p0 $0xFFFFF086;
	s6 =	sadd.s32 @!p0 s3, s7;
	s7 =	simm.s32 @!p0 $0x108  }
0x21: {  	s3 =	sadd.s32 s3, s9;
	s6 =	sadd.s32 @!p0 $0x88, s6;
	s7 =	simm.s32 @p2 $0x1082  }
0x22: {  	[simem:s7], [sflag:s8] =	dma.local @!p0 [hbm:s6], $0xF7A  }
0x23: {  	s9 =	sor.u32 $0xD0000000, s2;
	s6 =	simm.s32 $0x108;
	_ =	swait.ge @!p0 [sflag:s8], $0x0  }
0x24: {  	s3 =	sadd.s32 $0x88, s3;
	s6 =	simm.s32 @!p1 $0x1082;
	[sflag:s4] =	ssyncset.s32 $0xFFFFF086  }
0x25: {  	[simem:s6], [sflag:s4] =	dma.local [hbm:s3], $0xF7A  }
0x26: {  	[smem:$0x3F9E] =	sst s1;
	(tag) =	ssettag s2;
	_ =	strace s9  }
0x27: {  	s1 =	sld [smem:$0x3FAE]  }
0x28: {  	s2 =	sld [smem:$0x3FAF]  }
0x29: {  	s4 =	sld [smem:$0x3FB1]  }
0x2a: {  	p0 =	seq.s32 s5, $0x0;
	s5 =	sld [smem:$0x3FB2]  }
0x2b: {  	s6 =	sld [smem:$0x3FB3]  }
0x2c: {  	s7 =	sld [smem:$0x3FB4]  }
0x2d: {  	s3 =	simm.s32 $0x108;
	s8 =	sld [smem:$0x3FB5]  }
0x2e: {  	s3 =	simm.s32 @!p0 $0x1082;
	s9 =	sld [smem:$0x3FB6]  }
0x2f: {  	lr =	sadd.s32 s0, s3;
	s0 =	sld [smem:$0x3FAD]  }
0x30: {  	s3 =	sld [smem:$0x3FB0]  }
0x31: {  	[smem:$0x3FB9] =	sst s10  }
0x32: {  	s10 =	sld [smem:$0x3FB7];
	_ =	sdelay $0x3  }
0x33: {  	p0 =	seq.s32 s10, $0x1;
	s10 =	sld [smem:$0x3FB9];
	_ =	sdelay $0x3  }
0x34: {  	[smem:$0x3FB9] =	sst s10  }
0x35: {  	s10 =	sld [smem:$0x3FB8];
	_ =	sdelay $0x3  }
0x36: {  	p1 =	seq.s32 s10, $0x1;
	s10 =	sld [smem:$0x3FB9];
	_ =	sdelay $0x3  }
0x37: {  	[smem:$0x3FB9] =	sst s10  }
0x38: {  	s10 =	sld [smem:$0x3FBA]  }
0x39: {  	_ = 	snop;
	(pc) =	sbr.ind lr, $3  }
0x3a: {  	_ = 	snop  }
0x3b: {  	_ = 	snop  }
0x3c: {  	p2 =	seq.s32 s10, $0x1;
	s10 =	sld [smem:$0x3FB9]  }
0x3d: {  	_ =	shalt  }
0x3e: {  	_ =	shalt  }
0x3f: {  	_ =	shalt  }
0x40: {  	_ =	shalt  }
0x41: {  	_ =	shalt  }
0x42: {  	_ =	shalt  }
0x43: {  	_ =	shalt  }
0x44: {  	_ =	shalt  }
0x45: {  	_ =	shalt  }
0x46: {  	_ =	shalt  }
0x47: {  	_ =	shalt  }
0x48: {  	_ =	shalt  }
0x49: {  	_ =	shalt  }
0x4a: {  	_ =	shalt  }
0x4b: {  	_ =	shalt  }
0x4c: {  	_ =	shalt  }
0x4d: {  	_ =	shalt  }
0x4e: {  	_ =	shalt  }
0x4f: {  	_ =	shalt  }
0x50: {  	_ =	shalt  }
0x51: {  	_ =	shalt  }
0x52: {  	_ =	shalt  }
0x53: {  	_ =	shalt  }
0x54: {  	_ =	shalt  }
0x55: {  	_ =	shalt  }
0x56: {  	_ =	shalt  }
0x57: {  	_ =	shalt  }
0x58: {  	_ =	shalt  }
0x59: {  	_ =	shalt  }
0x5a: {  	_ =	shalt  }
0x5b: {  	_ =	shalt  }
0x5c: {  	_ =	shalt  }
0x5d: {  	_ =	shalt  }
0x5e: {  	_ =	shalt  }
0x5f: {  	_ =	shalt  }
0x60: {  	_ =	shalt  }
0x61: {  	_ =	shalt  }
0x62: {  	_ =	shalt  }
0x63: {  	_ =	shalt  }
0x64: {  	_ =	shalt  }
0x65: {  	_ =	shalt  }
0x66: {  	_ =	shalt  }
0x67: {  	_ =	shalt  }
0x68: {  	_ =	shalt  }
0x69: {  	_ =	shalt  }
0x6a: {  	_ =	shalt  }
0x6b: {  	_ =	shalt  }
0x6c: {  	_ =	shalt  }
0x6d: {  	_ =	shalt  }
0x6e: {  	_ =	shalt  }
0x6f: {  	_ =	shalt  }
0x70: {  	_ =	shalt  }
0x71: {  	_ =	shalt  }
0x72: {  	_ =	shalt  }
0x73: {  	_ =	shalt  }
0x74: {  	_ =	shalt  }
0x75: {  	_ =	shalt  }
0x76: {  	_ =	shalt  }
0x77: {  	_ =	shalt  }
0x78: {  	_ =	shalt  }
0x79: {  	_ =	shalt  }
0x7a: {  	_ =	shalt  }
0x7b: {  	_ =	shalt  }
0x7c: {  	_ =	shalt  }
0x7d: {  	_ =	shalt  }
0x7e: {  	_ =	shalt  }
0x7f: {  	_ =	shalt  }
0x80: {  	_ =	shalt  }
0x81: {  	_ =	shalt  }
0x82: {  	_ =	shalt  }
0x83: {  	_ =	shalt  }
0x84: {  	_ =	shalt  }
0x85: {  	_ =	shalt  }
0x86: {  	_ =	shalt  }
0x87: {  	_ =	shalt  }
.Lfunc_end0:
.L_simem_size_0:
called_computation_lowered:
.L_overlay_start_0:
0x88: {  	s2 =	sld [smem:$0x3FD9]  }
0x89: {  	s3 =	sld [smem:$0x3FFE];
	_ =	sdelay $0x1  }
0x8a: {  	s1 =	srdreg.scid  }
0x8b: {  	s0 =	sand.u32 $0x1, s1  }
0x8c: {  	s14 =	sshll.u32 s0, $0xA;
	s2 =	sadd.s32 s3, s2  }
0x8d: {  	s2 =	sadd.s32 s2, s14  }
0x8e: {  	[smem:$0x3FC5] =	sst s2  }
0x8f: {  	_ = 	snop  }
0x90: {  	s2 =	sld [smem:$0x3FD0];
	_ =	sdelay $0x2  }
0x91: {  	s15 =	simm.s32 $0xA;
	s4 =	simm.s32 $0x10  }
0x92: {  	[smem:s4], [sflag:s15] =	dma.local [hbm:s2], $0x1  }
0x93: {  	_ =	swait.eq [sflag:s15], $0x1  }
0x94: {  	s16 =	sld [smem:$0x10];
	[sflag:s15] =	ssyncset.done $0x0  }
0x95: {  	s17 =	sld [smem:$0x11];
	[sflag:s15] =	ssyncadd.s32 $0xFFFFFFFF  }
0x96: {  	s18 =	sld [smem:$0x12];
	(tm) =	ssettm $0x1  }
0x97: {  	s5 =	sld [smem:$0x3FFB];
	_ =	sdelay $0x3  }
0x98: {  	_ =	strace s5  }
0x99: {  	s5 =	sld [smem:$0x3FFC];
	_ =	sdelay $0x3  }
0x9a: {  	_ =	strace s5  }
0x9b: {  	s5 =	sld [smem:$0x3FFD];
	_ =	sdelay $0x3  }
0x9c: {  	_ =	strace s5  }
0x9d: {  	_ =	strace $0x8FFFFFFF  }
0x9e: {  	s19 =	sld [smem:$0x3FDB];
	_ =	sdelay $0x1  }
0x9f: {  	s6 =	simm.s32 $_scs_section_size  }
0xa0: {  	s7 =	simm.s32 $_size__tile_overlayer_lowered;
	s8 =	simm.s32 $_tile_overlayer_lowered  }
0xa1: {  	s22 =	simm.s32 $0x1BFF;
	s21 =	sshll.u32 s8, $0x1;
	s5 =	sadd.s32 s6, s19  }
0xa2: {  	s9 =	simm.s32 $0x0;
	s20 =	sshll.u32 s7, $0x1;
	s7 =	sadd.s32 s21, s5  }
0xa3: {  	[timem:s9], [sflag:s22] =	dma.local [hbm:s7], s20  }
0xa4: {  	_ =	swait.ge [sflag:s22], s20  }
0xa5: {  	s6 =	ssub.s32 $0x0, s20;
	[sflag:s22] =	ssyncset.done $0x0  }
0xa6: {  	[sflag:s22] =	ssyncadd.s32 s6;
	_ =	sdelay $0x1  }
0xa7: {  	s23 =	simm.s32 $0x1B8B  }
0xa8: {  	_ =	swait.ge [sflag:s23], $0x1  }
0xa9: {  	[sflag:s23] =	ssyncset.done $0x0  }
0xaa: {  	s25 =	simm.s32 $0x1B8E;
	s24 =	sld [smem:$0x3FFE];
	[sflag:s23] =	ssyncadd.s32 $0xFFFFFFFF  }
0xab: {  	s26 =	simm.s32 $execute0_lowered;
	[smem:$0x3FD2] =	sst s25  }
0xac: {  	s7 =	sshll.u32 s26, $0x1;
	_ =	strace $0x80000046;
	[dreg:$0x1] =	wrdreg $0xFFFFFFFF  }
0xad: {  	s28 =	simm.s32 $_size_execute0_lowered;
	s5 =	sadd.s32 s5, s7;
	[dreg:$0x0] =	wrdreg $0x0  }
0xae: {  	s7 =	sshll.u32 s28, $0x1;
	[dreg:$0x2] =	wrdreg s5  }
0xaf: {  	[dreg:$0x3] =	wrdreg s7  }
0xb0: {  	[dreg:$0x4] =	wrdreg $0xC0  }
0xb1: {  	_ =	task [dreg:s9], $0x5FFFF  }
0xb2: {  	[dreg:$0x1] =	wrdreg $0xFFFFFFFF  }
0xb3: {  	[dreg:$0x0] =	wrdreg $0x60  }
0xb4: {  	[dreg:$0x2] =	wrdreg s24  }
0xb5: {  	[dreg:$0x3] =	wrdreg s17  }
0xb6: {  	[dreg:$0x4] =	wrdreg s18  }
0xb7: {  	[dreg:$0x5] =	wrdreg s16  }
0xb8: {  	[dreg:$0x6] =	wrdreg $0x9  }
0xb9: {  	_ =	task.clear_ibuf [dreg:s9], $0x7FFFF;
	_ =	strace $0x90000046  }
0xba: {  	s29 =	simm.s32 $0x9;
	_ =	strace $0x80000048  }
0xbb: {  	_ =	swait.ge [sflag:s29], $0x1  }
0xbc: {  	[sflag:s29] =	ssyncadd.s32 $0xFFFFFFFF  }
0xbd: {  	_ =	strace $0x90000048  }
0xbe: {  	_ =	sfence  }
0xbf: {  	s30 =	sld [smem:$0x0];
	_ =	sdelay $0x2  }
0xc0: {  	s31 =	sshll.u32 s1, $0xD;
	s1 =	sshrl.u32 s1, $0x2  }
0xc1: {  	s3 =	sand.u32 $0x4000, s31;
	s1 =	sadd.s32 s1, s30  }
0xc2: {  	s0 =	sor.u32 s3, s0;
	s1 =	sshll.u32 s1, $0x11  }
0xc3: {  	s0 =	sor.u32 s1, s0  }
0xc4: {  	s0 =	sadd.s32 $0x8F2B, s0  }
0xc5: {  	[sflag:s0] =	ssyncadd.remote.s32 $0x1  }
0xc6: {  	_ =	sfence.sel $0xFFFF  }
0xc7: {  	[dreg:$0x0] =	wrdreg $0xFFFFFFFF;
	(pc) =	sbr.abs _section_cstart, $3  }
0xc8: {  	[dreg:$0x1] =	wrdreg $0xFFFFFFFF  }
0xc9: {  	_ =	task.clear_ibuf [dreg:s9], $0x2FFFF;
	_ =	strace $0x9FFFFFFF  }
0xca: {  	(tm) =	ssettm $0x7FFFFFFF  }
0xcb: {  	_ =	shalt  }
tec
execute0_lowered:
.L_overlay_start_1:
0x0: {  	(tag) =	ssettag $0x1  }
0x1: {  	s4 =	stileid.u32  }
0x2: {  	p0 =	sgt.u32 s4, $0x7  }
.Ltmp0:
0x3: {  	s3 =	rddreg [dreg:$0x0];
	(pc) =	sbr.rel @p0 .LBB2_10-.Ltmp0, $4  }
0x4: {  	s8 =	rddreg [dreg:$0x1]  }
0x5: {  	s0 =	rddreg [dreg:$0x2];
	s2 =	simm.s32 $0x0  }
0x6: {  	[smem:$0x7FF] =	sst s2  }
0x7: {  	s1 =	rddreg [dreg:$0x3];
	_ =	strace $0x80000047  }
0x8: {  	s4 =	srdreg.scid  }
0x9: {  	s26 =	stileid.u32;
	s15 =	sadd.s32 $0x3200, s3;
	s17 =	simm.s32 $0x5800  }
0xa: {  	s18 =	simm.s32 $0x8400;
	s19 =	simm.s32 $0xB000;
	s20 =	simm.s32 $0xDC00  }
0xb: {  	s21 =	simm.s32 $0x10800;
	s22 =	simm.s32 $0x10B00;
	s29 =	simm.s32 $0x1  }
0xc: {  	s30 =	simm.s32 $0x11080;
	s9 =	sand.u32 $0x1, s4;
	s4 =	sshll.u32 s26, $0x1  }
0xd: {  	s31 =	simm.s32 $0x0;
	s4 =	sor.u32 s9, s4;
	s16 =	ssub.s32 $0x2, s9  }
0xe: {  	s14 =	smul.u32 $0x580, s4;
	s10 =	sshll.u32 s4, $0x4;
	s28 =	sshrl.u32 s16, $0x1  }
0xf: {  	s13 =	sadd.s32 s10, s3;
	s8 =	sadd.s32 s8, s10;
	s9 =	sadd.s32 s0, s10  }
.Ltmp1:
0x10: {  	s10 =	sadd.s32 s1, s10;
	s0 =	ssub.s32 s16, s28;
	(pc) =	sbr.rel .LBB2_2-.Ltmp1, $4  }
0x11: {  	v0 =	vimm.f32 $1.000000000e+09;
	v1 =	vimm.f32 $0.0e+00;
	v3 =	vimm.f32 $-Inf;
	s16 =	simm.s32 $0x2C00;
	s7 =	sadd.s32 s14, s3;
	s11 =	sadd.s32 $0x24200, s13  }
0x12: {  	v4 =	vimm.s32 $0x28;
	v5 =	vimm.s32 $0x29;
	v10 =	vlaneseq.u32;
	s12 =	sadd.s32 $0x24400, s13;
	s13 =	sadd.s32 $0x24600, s13;
	s14 =	sadd.s32 s15, s14  }
0x13: {  	v6 =	vimm.s32 $0x2A;
	v7 =	vimm.s32 $0x2B;
	v9 =	vor.u32 $0x80000010, v10;
	s15 =	smax.u32 s0, $0x1;
	s3 =	sadd.s32 $0x8A00, s7;
	s4 =	sadd.s32 $0xE200, s7  }
0x14: {  	v2 =	vimm.s32 $0xFFFFFFFF;
	v8 =	vor.u32 $0x80000000, v10;
	v10 =	vor.u32 $0x80000020, v10;
	s5 =	sadd.s32 $0x13A00, s7;
	s6 =	sadd.s32 $0x19200, s7;
	s7 =	sadd.s32 $0x1EA00, s7  }
.LBB2_9:
0x15: {  	s0 =	simm.s32 $0x10E00  }
0x16: {  	[hbm4b:s8+s2] =	stream.linear.scatter [tilespmem:s0], [sflag:$0x1], $0x80, $0x38;
	[tilespmem:$0x11100] =	vst v63  }
0x17: {  	_ =	swait.ge [sflag:s29], $0x80  }
0x18: {  	[sflag:s29] =	ssyncset.done $0x0  }
0x19: {  	s24 =	simm.s32 $0x10E80;
	[sflag:s29] =	ssyncadd.s32 $0xFFFFFF80  }
0x1a: {  	[hbm4b:s9+s2] =	stream.linear.scatter [tilespmem:s24], [sflag:$0x1], $0x80, $0x38;
	[tilespmem:$0x11100] =	vst v63  }
0x1b: {  	_ =	swait.ge [sflag:s29], $0x80  }
0x1c: {  	[sflag:s29] =	ssyncset.done $0x0  }
0x1d: {  	s25 =	simm.s32 $0x10F00;
	[sflag:s29] =	ssyncadd.s32 $0xFFFFFF80  }
0x1e: {  	[hbm4b:s10+s2] =	stream.linear.scatter [tilespmem:s25], [sflag:$0x1], $0x80, $0x38;
	[tilespmem:$0x11100] =	vst v63  }
0x1f: {  	_ =	swait.ge [sflag:s29], $0x80  }
0x20: {  	[sflag:s29] =	ssyncset.done $0x0  }
0x21: {  	s26 =	simm.s32 $0x10F80;
	[sflag:s29] =	ssyncadd.s32 $0xFFFFFF80  }
0x22: {  	[hbm4b:s11+s2] =	stream.linear.scatter [tilespmem:s26], [sflag:$0x1], $0x80, $0x38;
	[tilespmem:$0x11100] =	vst v63  }
0x23: {  	_ =	swait.ge [sflag:s29], $0x80  }
0x24: {  	[sflag:s29] =	ssyncset.done $0x0  }
0x25: {  	s28 =	simm.s32 $0x11000;
	[sflag:s29] =	ssyncadd.s32 $0xFFFFFF80  }
0x26: {  	[hbm4b:s12+s2] =	stream.linear.scatter [tilespmem:s28], [sflag:$0x1], $0x80, $0x38;
	[tilespmem:$0x11100] =	vst v63  }
0x27: {  	s31 =	sadd.s32 $0x1, s31;
	_ =	swait.ge [sflag:s29], $0x80  }
0x28: {  	p0 =	sne.s32 s31, s15;
	[sflag:s29] =	ssyncset.done $0x0  }
.Ltmp2:
0x29: {  	[sflag:s29] =	ssyncadd.s32 $0xFFFFFF80;
	(pc) =	sbr.rel @!p0 .LBB2_10-.Ltmp2, $4  }
0x2a: {  	[hbm4b:s13+s2] =	stream.linear.scatter [tilespmem:s30], [sflag:$0x1], $0x80, $0x38;
	[tilespmem:$0x11100] =	vst v63  }
0x2b: {  	_ =	swait.ge [sflag:s29], $0x80  }
0x2c: {  	[sflag:s29] =	ssyncset.done $0x0  }
0x2d: {  	[sflag:s29] =	ssyncadd.s32 $0xFFFFFF80  }
.LBB2_2:
0x2e: {  	s1 =	simm.s32 $0x0  }
0x2f: {  	[tilespmem:s1], [sflag:$0x1] =	stream.linear.gather [hbm4b:s14+s1], $0x2C00, $0x38;
	[tilespmem:$0x11100] =	vst v63  }
0x30: {  	_ =	swait.ge [sflag:s29], $0x2C00  }
0x31: {  	[sflag:s29] =	ssyncset.done $0x0  }
0x32: {  	[sflag:s29] =	ssyncadd.s32 $0xFFFFD400  }
0x33: {  	[tilespmem:s16], [sflag:$0x1] =	stream.linear.gather [hbm4b:s3+s1], $0x2C00, $0x38;
	[tilespmem:$0x11100] =	vst v63  }
0x34: {  	_ =	swait.ge [sflag:s29], $0x2C00  }
0x35: {  	[sflag:s29] =	ssyncset.done $0x0  }
0x36: {  	[sflag:s29] =	ssyncadd.s32 $0xFFFFD400  }
0x37: {  	[tilespmem:s17], [sflag:$0x1] =	stream.linear.gather [hbm4b:s4+s1], $0x2C00, $0x38;
	[tilespmem:$0x11100] =	vst v63  }
0x38: {  	_ =	swait.ge [sflag:s29], $0x2C00  }
0x39: {  	[sflag:s29] =	ssyncset.done $0x0  }
0x3a: {  	[sflag:s29] =	ssyncadd.s32 $0xFFFFD400  }
0x3b: {  	[tilespmem:s18], [sflag:$0x1] =	stream.linear.gather [hbm4b:s5+s1], $0x2C00, $0x38;
	[tilespmem:$0x11100] =	vst v63  }
0x3c: {  	_ =	swait.ge [sflag:s29], $0x2C00  }
0x3d: {  	[sflag:s29] =	ssyncset.done $0x0  }
0x3e: {  	[sflag:s29] =	ssyncadd.s32 $0xFFFFD400  }
0x3f: {  	[tilespmem:s19], [sflag:$0x1] =	stream.linear.gather [hbm4b:s6+s1], $0x2C00, $0x38;
	[tilespmem:$0x11100] =	vst v63  }
0x40: {  	_ =	swait.ge [sflag:s29], $0x2C00  }
0x41: {  	[sflag:s29] =	ssyncset.done $0x0  }
0x42: {  	[sflag:s29] =	ssyncadd.s32 $0xFFFFD400  }
0x43: {  	[tilespmem:s20], [sflag:$0x1] =	stream.linear.gather [hbm4b:s7+s1], $0x2C00, $0x38;
	[tilespmem:$0x11100] =	vst v63  }
0x44: {  	_ =	swait.ge [sflag:s29], $0x2C00  }
0x45: {  	[sflag:s29] =	ssyncset.done $0x0  }
0x46: {  	[sflag:s29] =	ssyncadd.s32 $0xFFFFD400  }
0x47: {  	[tilespmem:$0x10B80] =	vst v0  }
0x48: {  	[tilespmem:$0x10C00] =	vst v0  }
0x49: {  	[tilespmem:$0x10C80] =	vst v0  }
0x4a: {  	[tilespmem:$0x10D00] =	vst v0  }
0x4b: {  	[tilespmem:$0x10D80] =	vst v1  }
0x4c: {  	[tilespmem:$0x10B90] =	vst v0  }
0x4d: {  	[tilespmem:$0x10C10] =	vst v0  }
0x4e: {  	[tilespmem:$0x10C90] =	vst v0  }
0x4f: {  	[tilespmem:$0x10D10] =	vst v0  }
0x50: {  	[tilespmem:$0x10D90] =	vst v1  }
0x51: {  	[tilespmem:$0x10BA0] =	vst v0  }
0x52: {  	[tilespmem:$0x10C20] =	vst v0  }
0x53: {  	[tilespmem:$0x10CA0] =	vst v0  }
0x54: {  	[tilespmem:$0x10D20] =	vst v0  }
0x55: {  	[tilespmem:$0x10DA0] =	vst v1  }
0x56: {  	[tilespmem:$0x10BB0] =	vst v0  }
0x57: {  	[tilespmem:$0x10C30] =	vst v0  }
0x58: {  	[tilespmem:$0x10CB0] =	vst v0  }
0x59: {  	[tilespmem:$0x10D30] =	vst v0  }
0x5a: {  	[tilespmem:$0x10DB0] =	vst v1  }
0x5b: {  	[tilespmem:$0x10BC0] =	vst v0  }
0x5c: {  	[tilespmem:$0x10C40] =	vst v0  }
0x5d: {  	[tilespmem:$0x10CC0] =	vst v0  }
0x5e: {  	[tilespmem:$0x10D40] =	vst v0  }
0x5f: {  	[tilespmem:$0x10DC0] =	vst v1  }
0x60: {  	[tilespmem:$0x10BD0] =	vst v0  }
0x61: {  	[tilespmem:$0x10C50] =	vst v0  }
0x62: {  	[tilespmem:$0x10CD0] =	vst v0  }
0x63: {  	[tilespmem:$0x10D50] =	vst v0  }
0x64: {  	[tilespmem:$0x10DD0] =	vst v1  }
0x65: {  	[tilespmem:$0x10BE0] =	vst v0  }
0x66: {  	[tilespmem:$0x10C60] =	vst v0  }
0x67: {  	[tilespmem:$0x10CE0] =	vst v0  }
0x68: {  	[tilespmem:$0x10D60] =	vst v0  }
0x69: {  	[tilespmem:$0x10DE0] =	vst v1  }
0x6a: {  	[tilespmem:$0x10E00] =	vst v1  }
0x6b: {  	[tilespmem:$0x10E80] =	vst v2  }
0x6c: {  	[tilespmem:$0x10F00] =	vst v1  }
0x6d: {  	[tilespmem:$0x10F80] =	vst v1  }
0x6e: {  	[tilespmem:$0x11000] =	vst v1  }
0x6f: {  	[tilespmem:$0x11080] =	vst v1  }
0x70: {  	[tilespmem:$0x10E10] =	vst v1  }
0x71: {  	[tilespmem:$0x10E90] =	vst v2  }
0x72: {  	[tilespmem:$0x10F10] =	vst v1  }
0x73: {  	[tilespmem:$0x10F90] =	vst v1  }
0x74: {  	[tilespmem:$0x11010] =	vst v1  }
0x75: {  	[tilespmem:$0x11090] =	vst v1  }
0x76: {  	[tilespmem:$0x10E20] =	vst v1  }
0x77: {  	[tilespmem:$0x10EA0] =	vst v2  }
0x78: {  	[tilespmem:$0x10F20] =	vst v1  }
0x79: {  	[tilespmem:$0x10FA0] =	vst v1  }
0x7a: {  	[tilespmem:$0x11020] =	vst v1  }
0x7b: {  	[tilespmem:$0x110A0] =	vst v1  }
0x7c: {  	[tilespmem:$0x10E30] =	vst v1  }
0x7d: {  	[tilespmem:$0x10EB0] =	vst v2  }
0x7e: {  	[tilespmem:$0x10F30] =	vst v1  }
0x7f: {  	[tilespmem:$0x10FB0] =	vst v1  }
0x80: {  	[tilespmem:$0x11030] =	vst v1  }
0x81: {  	[tilespmem:$0x110B0] =	vst v1  }
0x82: {  	[tilespmem:$0x10E40] =	vst v1  }
0x83: {  	[tilespmem:$0x10EC0] =	vst v2  }
0x84: {  	[tilespmem:$0x10F40] =	vst v1  }
0x85: {  	[tilespmem:$0x10FC0] =	vst v1  }
0x86: {  	[tilespmem:$0x11040] =	vst v1  }
0x87: {  	[tilespmem:$0x110C0] =	vst v1  }
0x88: {  	[tilespmem:$0x10E50] =	vst v1  }
0x89: {  	[tilespmem:$0x10ED0] =	vst v2  }
0x8a: {  	[tilespmem:$0x10F50] =	vst v1  }
0x8b: {  	[tilespmem:$0x10FD0] =	vst v1  }
0x8c: {  	[tilespmem:$0x11050] =	vst v1  }
0x8d: {  	[tilespmem:$0x110D0] =	vst v1  }
0x8e: {  	[tilespmem:$0x10E60] =	vst v1  }
0x8f: {  	[tilespmem:$0x10EE0] =	vst v2  }
0x90: {  	[tilespmem:$0x10F60] =	vst v1  }
0x91: {  	[tilespmem:$0x10FE0] =	vst v1  }
0x92: {  	[tilespmem:$0x11060] =	vst v1  }
0x93: {  	[tilespmem:$0x110E0] =	vst v1  }
0x94: {  	[tilespmem:$0x10E70] =	vst v1  }
0x95: {  	[tilespmem:$0x10EF0] =	vst v2  }
0x96: {  	[tilespmem:$0x10F70] =	vst v1  }
0x97: {  	[tilespmem:$0x10FF0] =	vst v1  }
0x98: {  	[tilespmem:$0x11070] =	vst v1  }
0x99: {  	[tilespmem:$0x110F0] =	vst v1  }
0x9a: {  	[tilespmem:$0x10AC0] =	vst v3  }
0x9b: {  	[tilespmem:$0x10AD0] =	vst v3  }
0x9c: {  	[tilespmem:$0x10AE0] =	vst v3  }
0x9d: {  	s0 =	simm.s32 $0xB040;
	[tilespmem:$0x10AF0] =	vst v3  }
0x9e: {  	v11 =	vld [tilespmem:s0+$0xFFFFFFC0];
	_ =	sdelay $0x4  }
0x9f: {  	(xrf0) =	vmax.scan.msk.f32 $0xffff, v11  }
0xa0: {  	v11 =	vmov s1  }
0xa1: {  	v11 =	vand.u32 $0xFFFFFFF8, v11  }
0xa2: {  	v11 =	vbroadcast v11, $0x0;
	_ =	sdelay $0x2  }
0xa3: {  	v12, _, _ =	vpop (xrf0)  }
0xa4: {  	v12 =	vbroadcast v12, $0xF;
	_ =	sdelay $0x1  }
0xa5: {  	[tilespmem:v11+s21+$0x0] =	vst.idx.msk $0x1, v12  }
0xa6: {  	v11 =	vld [tilespmem:s0+$0xFFFFFFD0];
	_ =	sdelay $0x4  }
0xa7: {  	s28 =	simm.s32 $0x1;
	(xrf0) =	vmax.scan.msk.f32 $0xffff, v11  }
0xa8: {  	v11 =	vmov s28  }
0xa9: {  	v11 =	vand.u32 $0xFFFFFFF9, v11  }
0xaa: {  	v11 =	vbroadcast v11, $0x0;
	_ =	sdelay $0x2  }
0xab: {  	v12, _, _ =	vpop (xrf0)  }
0xac: {  	v12 =	vbroadcast v12, $0xF;
	_ =	sdelay $0x1  }
0xad: {  	[tilespmem:v11+s21+$0x0] =	vst.idx.msk $0x1, v12  }
0xae: {  	v11 =	vld [tilespmem:s0+$0xFFFFFFE0];
	_ =	sdelay $0x4  }
0xaf: {  	s23 =	simm.s32 $0x2;
	(xrf0) =	vmax.scan.msk.f32 $0xffff, v11  }
0xb0: {  	v11 =	vmov s23  }
0xb1: {  	v11 =	vand.u32 $0xFFFFFFFA, v11  }
0xb2: {  	v11 =	vbroadcast v11, $0x0;
	_ =	sdelay $0x2  }
0xb3: {  	v12, _, _ =	vpop (xrf0)  }
0xb4: {  	v12 =	vbroadcast v12, $0xF;
	_ =	sdelay $0x1  }
0xb5: {  	[tilespmem:v11+s21+$0x0] =	vst.idx.msk $0x1, v12  }
0xb6: {  	v11 =	vld [tilespmem:s0+$0xFFFFFFF0];
	_ =	sdelay $0x4  }
0xb7: {  	s24 =	simm.s32 $0x3;
	(xrf0) =	vmax.scan.msk.f32 $0xffff, v11  }
0xb8: {  	v11 =	vmov s24  }
0xb9: {  	v11 =	vand.u32 $0xFFFFFFFB, v11  }
0xba: {  	v11 =	vbroadcast v11, $0x0;
	_ =	sdelay $0x2  }
0xbb: {  	v12, _, _ =	vpop (xrf0)  }
0xbc: {  	v12 =	vbroadcast v12, $0xF;
	_ =	sdelay $0x1  }
0xbd: {  	[tilespmem:v11+s21+$0x0] =	vst.idx.msk $0x1, v12  }
0xbe: {  	v11 =	vld [tilespmem:s0+$0x0];
	_ =	sdelay $0x4  }
0xbf: {  	s25 =	simm.s32 $0x4;
	(xrf0) =	vmax.scan.msk.f32 $0xffff, v11  }
0xc0: {  	v11 =	vmov s25  }
0xc1: {  	v11 =	vand.u32 $0xFFFFFFFC, v11  }
0xc2: {  	v11 =	vbroadcast v11, $0x0;
	_ =	sdelay $0x2  }
0xc3: {  	v12, _, _ =	vpop (xrf0)  }
0xc4: {  	v12 =	vbroadcast v12, $0xF;
	_ =	sdelay $0x1  }
0xc5: {  	[tilespmem:v11+s21+$0x0] =	vst.idx.msk $0x1, v12  }
0xc6: {  	v11 =	vld [tilespmem:s0+$0x10];
	_ =	sdelay $0x4  }
0xc7: {  	s26 =	simm.s32 $0x5;
	(xrf0) =	vmax.scan.msk.f32 $0xffff, v11  }
0xc8: {  	v11 =	vmov s26  }
0xc9: {  	v11 =	vand.u32 $0xFFFFFFFD, v11  }
0xca: {  	v11 =	vbroadcast v11, $0x0;
	_ =	sdelay $0x2  }
0xcb: {  	v12, _, _ =	vpop (xrf0)  }
0xcc: {  	v12 =	vbroadcast v12, $0xF;
	_ =	sdelay $0x1  }
0xcd: {  	[tilespmem:v11+s21+$0x0] =	vst.idx.msk $0x1, v12  }
0xce: {  	v11 =	vld [tilespmem:s0+$0x20];
	_ =	sdelay $0x4  }
0xcf: {  	s28 =	simm.s32 $0x6;
	(xrf0) =	vmax.scan.msk.f32 $0xffff, v11  }
0xd0: {  	v11 =	vmov s28  }
0xd1: {  	v11 =	vand.u32 $0xFFFFFFFE, v11  }
0xd2: {  	v11 =	vbroadcast v11, $0x0;
	_ =	sdelay $0x2  }
0xd3: {  	v12, _, _ =	vpop (xrf0)  }
0xd4: {  	v12 =	vbroadcast v12, $0xF;
	_ =	sdelay $0x1  }
0xd5: {  	[tilespmem:v11+s21+$0x0] =	vst.idx.msk $0x1, v12  }
0xd6: {  	v11 =	vld [tilespmem:s0+$0x30];
	_ =	sdelay $0x4  }
0xd7: {  	(xrf0) =	vmax.scan.msk.f32 $0xffff, v11;
	_ =	sdelay $0x2  }
0xd8: {  	s23 =	simm.s32 $0x7  }
0xd9: {  	v11 =	vmov s23;
	_ =	sdelay $0x1  }
0xda: {  	v12, _, _ =	vpop (xrf0)  }
0xdb: {  	s1 =	simm.s32 $0x8;
	v12 =	vbroadcast v12, $0xF  }
.LBB2_3:
0xdc: {  	p0 =	slt.u32 s1, $0x2B8  }
0xdd: {  	s0 =	sadd.s32 $0x80, s0;
	s23 =	smov.u32 s1;
	s1 =	sadd.s32 $0x8, s1;
	[tilespmem:v11+s21+$0x0] =	vst.idx.msk $0x1, v12  }
0xde: {  	v11 =	vld [tilespmem:s0+$0xFFFFFFC0];
	_ =	sdelay $0x4  }
0xdf: {  	(xrf0) =	vmax.scan.msk.f32 $0xffff, v11  }
0xe0: {  	v11 =	vmov s23  }
0xe1: {  	v11 =	vand.u32 $0xFFFFFFF8, v11  }
0xe2: {  	v11 =	vbroadcast v11, $0x0;
	_ =	sdelay $0x2  }
0xe3: {  	v12, _, _ =	vpop (xrf0)  }
0xe4: {  	v12 =	vbroadcast v12, $0xF;
	_ =	sdelay $0x1  }
0xe5: {  	[tilespmem:v11+s21+$0x0] =	vst.idx.msk $0x1, v12  }
0xe6: {  	v11 =	vld [tilespmem:s0+$0xFFFFFFD0];
	_ =	sdelay $0x4  }
0xe7: {  	s24 =	sadd.s32 $0x1, s23;
	(xrf0) =	vmax.scan.msk.f32 $0xffff, v11  }
0xe8: {  	v11 =	vmov s24  }
0xe9: {  	v11 =	vand.u32 $0xFFFFFFF9, v11  }
0xea: {  	v11 =	vbroadcast v11, $0x0;
	_ =	sdelay $0x2  }
0xeb: {  	v12, _, _ =	vpop (xrf0)  }
0xec: {  	v12 =	vbroadcast v12, $0xF;
	_ =	sdelay $0x1  }
0xed: {  	[tilespmem:v11+s21+$0x0] =	vst.idx.msk $0x1, v12  }
0xee: {  	v11 =	vld [tilespmem:s0+$0xFFFFFFE0];
	_ =	sdelay $0x4  }
0xef: {  	s24 =	sadd.s32 $0x2, s23;
	(xrf0) =	vmax.scan.msk.f32 $0xffff, v11  }
0xf0: {  	v11 =	vmov s24  }
0xf1: {  	v11 =	vand.u32 $0xFFFFFFFA, v11  }
0xf2: {  	v11 =	vbroadcast v11, $0x0;
	_ =	sdelay $0x2  }
0xf3: {  	v12, _, _ =	vpop (xrf0)  }
0xf4: {  	v12 =	vbroadcast v12, $0xF;
	_ =	sdelay $0x1  }
0xf5: {  	[tilespmem:v11+s21+$0x0] =	vst.idx.msk $0x1, v12  }
0xf6: {  	v11 =	vld [tilespmem:s0+$0xFFFFFFF0];
	_ =	sdelay $0x4  }
0xf7: {  	s24 =	sadd.s32 $0x3, s23;
	(xrf0) =	vmax.scan.msk.f32 $0xffff, v11  }
0xf8: {  	v11 =	vmov s24  }
0xf9: {  	v11 =	vand.u32 $0xFFFFFFFB, v11  }
0xfa: {  	v11 =	vbroadcast v11, $0x0;
	_ =	sdelay $0x2  }
0xfb: {  	v12, _, _ =	vpop (xrf0)  }
0xfc: {  	v12 =	vbroadcast v12, $0xF;
	_ =	sdelay $0x1  }
0xfd: {  	[tilespmem:v11+s21+$0x0] =	vst.idx.msk $0x1, v12  }
0xfe: {  	v11 =	vld [tilespmem:s0+$0x0];
	_ =	sdelay $0x4  }
0xff: {  	s24 =	sadd.s32 $0x4, s23;
	(xrf0) =	vmax.scan.msk.f32 $0xffff, v11  }
0x100: {  	v11 =	vmov s24  }
0x101: {  	v11 =	vand.u32 $0xFFFFFFFC, v11  }
0x102: {  	v11 =	vbroadcast v11, $0x0;
	_ =	sdelay $0x2  }
0x103: {  	v12, _, _ =	vpop (xrf0)  }
0x104: {  	v12 =	vbroadcast v12, $0xF;
	_ =	sdelay $0x1  }
0x105: {  	[tilespmem:v11+s21+$0x0] =	vst.idx.msk $0x1, v12  }
0x106: {  	v11 =	vld [tilespmem:s0+$0x10];
	_ =	sdelay $0x4  }
0x107: {  	s24 =	sadd.s32 $0x5, s23;
	(xrf0) =	vmax.scan.msk.f32 $0xffff, v11  }
0x108: {  	v11 =	vmov s24  }
0x109: {  	v11 =	vand.u32 $0xFFFFFFFD, v11  }
0x10a: {  	v11 =	vbroadcast v11, $0x0;
	_ =	sdelay $0x2  }
0x10b: {  	v12, _, _ =	vpop (xrf0)  }
0x10c: {  	v12 =	vbroadcast v12, $0xF;
	_ =	sdelay $0x1  }
0x10d: {  	[tilespmem:v11+s21+$0x0] =	vst.idx.msk $0x1, v12  }
0x10e: {  	v11 =	vld [tilespmem:s0+$0x20];
	_ =	sdelay $0x4  }
0x10f: {  	s24 =	sadd.s32 $0x6, s23;
	(xrf0) =	vmax.scan.msk.f32 $0xffff, v11  }
0x110: {  	v11 =	vmov s24  }
0x111: {  	v11 =	vand.u32 $0xFFFFFFFE, v11  }
0x112: {  	v11 =	vbroadcast v11, $0x0;
	_ =	sdelay $0x2  }
0x113: {  	v12, _, _ =	vpop (xrf0)  }
0x114: {  	v12 =	vbroadcast v12, $0xF;
	_ =	sdelay $0x1  }
0x115: {  	[tilespmem:v11+s21+$0x0] =	vst.idx.msk $0x1, v12  }
0x116: {  	v11 =	vld [tilespmem:s0+$0x30];
	_ =	sdelay $0x4  }
0x117: {  	(xrf0) =	vmax.scan.msk.f32 $0xffff, v11;
	_ =	sdelay $0x2  }
.Ltmp3:
0x118: {  	s23 =	sadd.s32 $0x7, s23;
	(pc) =	sbr.rel @p0 .LBB2_3-.Ltmp3, $3  }
0x119: {  	v11 =	vmov s23;
	_ =	sdelay $0x1  }
0x11a: {  	v12, _, _ =	vpop (xrf0)  }
0x11b: {  	v12 =	vbroadcast v12, $0xF  }
0x11c: {  	_ =	sdelay $0x3  }
0x11d: {  	[tilespmem:v11+s21+$0x0] =	vst.idx.msk $0x1, v12  }
0x11e: {  	[tilespmem:$0x10B00] =	vst v3  }
0x11f: {  	[tilespmem:$0x10B10] =	vst v3  }
0x120: {  	s0 =	simm.s32 $0x10840;
	[tilespmem:$0x10B20] =	vst v3  }
0x121: {  	v11 =	vld [tilespmem:s0+$0xFFFFFFC0];
	_ =	sdelay $0x4  }
0x122: {  	s1 =	simm.s32 $0x0;
	(xrf0) =	vmax.scan.msk.f32 $0xffff, v11  }
0x123: {  	v11 =	vmov s1  }
0x124: {  	v11 =	vand.u32 $0xFFFFFFF8, v11  }
0x125: {  	v11 =	vbroadcast v11, $0x0;
	_ =	sdelay $0x2  }
0x126: {  	v12, _, _ =	vpop (xrf0)  }
0x127: {  	v12 =	vbroadcast v12, $0xF;
	_ =	sdelay $0x1  }
0x128: {  	[tilespmem:v11+s22+$0x0] =	vst.idx.msk $0x1, v12  }
0x129: {  	v11 =	vld [tilespmem:s0+$0xFFFFFFD0];
	_ =	sdelay $0x4  }
0x12a: {  	s28 =	simm.s32 $0x1;
	(xrf0) =	vmax.scan.msk.f32 $0xffff, v11  }
0x12b: {  	v11 =	vmov s28  }
0x12c: {  	v11 =	vand.u32 $0xFFFFFFF9, v11  }
0x12d: {  	v11 =	vbroadcast v11, $0x0;
	_ =	sdelay $0x2  }
0x12e: {  	v12, _, _ =	vpop (xrf0)  }
0x12f: {  	v12 =	vbroadcast v12, $0xF;
	_ =	sdelay $0x1  }
0x130: {  	[tilespmem:v11+s22+$0x0] =	vst.idx.msk $0x1, v12  }
0x131: {  	v11 =	vld [tilespmem:s0+$0xFFFFFFE0];
	_ =	sdelay $0x4  }
0x132: {  	s23 =	simm.s32 $0x2;
	(xrf0) =	vmax.scan.msk.f32 $0xffff, v11  }
0x133: {  	v11 =	vmov s23  }
0x134: {  	v11 =	vand.u32 $0xFFFFFFFA, v11  }
0x135: {  	v11 =	vbroadcast v11, $0x0;
	_ =	sdelay $0x2  }
0x136: {  	v12, _, _ =	vpop (xrf0)  }
0x137: {  	v12 =	vbroadcast v12, $0xF;
	_ =	sdelay $0x1  }
0x138: {  	[tilespmem:v11+s22+$0x0] =	vst.idx.msk $0x1, v12  }
0x139: {  	v11 =	vld [tilespmem:s0+$0xFFFFFFF0];
	_ =	sdelay $0x4  }
0x13a: {  	s24 =	simm.s32 $0x3;
	(xrf0) =	vmax.scan.msk.f32 $0xffff, v11  }
0x13b: {  	v11 =	vmov s24  }
0x13c: {  	v11 =	vand.u32 $0xFFFFFFFB, v11  }
0x13d: {  	v11 =	vbroadcast v11, $0x0;
	_ =	sdelay $0x2  }
0x13e: {  	v12, _, _ =	vpop (xrf0)  }
0x13f: {  	v12 =	vbroadcast v12, $0xF;
	_ =	sdelay $0x1  }
0x140: {  	[tilespmem:v11+s22+$0x0] =	vst.idx.msk $0x1, v12  }
0x141: {  	v11 =	vld [tilespmem:s0+$0x0];
	_ =	sdelay $0x4  }
0x142: {  	s25 =	simm.s32 $0x4;
	(xrf0) =	vmax.scan.msk.f32 $0xffff, v11  }
0x143: {  	v11 =	vmov s25  }
0x144: {  	v11 =	vand.u32 $0xFFFFFFFC, v11  }
0x145: {  	v11 =	vbroadcast v11, $0x0;
	_ =	sdelay $0x2  }
0x146: {  	v12, _, _ =	vpop (xrf0)  }
0x147: {  	v12 =	vbroadcast v12, $0xF;
	_ =	sdelay $0x1  }
0x148: {  	[tilespmem:v11+s22+$0x0] =	vst.idx.msk $0x1, v12  }
0x149: {  	v11 =	vld [tilespmem:s0+$0x10];
	_ =	sdelay $0x4  }
0x14a: {  	s26 =	simm.s32 $0x5;
	(xrf0) =	vmax.scan.msk.f32 $0xffff, v11  }
0x14b: {  	v11 =	vmov s26  }
0x14c: {  	v11 =	vand.u32 $0xFFFFFFFD, v11  }
0x14d: {  	v11 =	vbroadcast v11, $0x0;
	_ =	sdelay $0x2  }
0x14e: {  	v12, _, _ =	vpop (xrf0)  }
0x14f: {  	v12 =	vbroadcast v12, $0xF;
	_ =	sdelay $0x1  }
0x150: {  	[tilespmem:v11+s22+$0x0] =	vst.idx.msk $0x1, v12  }
0x151: {  	v11 =	vld [tilespmem:s0+$0x20];
	_ =	sdelay $0x4  }
0x152: {  	s28 =	simm.s32 $0x6;
	(xrf0) =	vmax.scan.msk.f32 $0xffff, v11  }
0x153: {  	v11 =	vmov s28  }
0x154: {  	v11 =	vand.u32 $0xFFFFFFFE, v11  }
0x155: {  	v11 =	vbroadcast v11, $0x0;
	_ =	sdelay $0x2  }
0x156: {  	v12, _, _ =	vpop (xrf0)  }
0x157: {  	v12 =	vbroadcast v12, $0xF;
	_ =	sdelay $0x1  }
0x158: {  	[tilespmem:v11+s22+$0x0] =	vst.idx.msk $0x1, v12  }
0x159: {  	v11 =	vld [tilespmem:s0+$0x30];
	_ =	sdelay $0x4  }
0x15a: {  	(xrf0) =	vmax.scan.msk.f32 $0xffff, v11;
	_ =	sdelay $0x2  }
0x15b: {  	s23 =	simm.s32 $0x7  }
0x15c: {  	v11 =	vmov s23;
	_ =	sdelay $0x1  }
0x15d: {  	v12, _, _ =	vpop (xrf0)  }
0x15e: {  	s1 =	simm.s32 $0x8;
	v12 =	vbroadcast v12, $0xF  }
.LBB2_5:
0x15f: {  	p0 =	slt.u32 s1, $0x20  }
0x160: {  	s0 =	sadd.s32 $0x80, s0;
	s23 =	smov.u32 s1;
	s1 =	sadd.s32 $0x8, s1;
	[tilespmem:v11+s22+$0x0] =	vst.idx.msk $0x1, v12  }
0x161: {  	v11 =	vld [tilespmem:s0+$0xFFFFFFC0];
	_ =	sdelay $0x4  }
0x162: {  	(xrf0) =	vmax.scan.msk.f32 $0xffff, v11  }
0x163: {  	v11 =	vmov s23  }
0x164: {  	v11 =	vand.u32 $0xFFFFFFF8, v11  }
0x165: {  	v11 =	vbroadcast v11, $0x0;
	_ =	sdelay $0x2  }
0x166: {  	v12, _, _ =	vpop (xrf0)  }
0x167: {  	v12 =	vbroadcast v12, $0xF;
	_ =	sdelay $0x1  }
0x168: {  	[tilespmem:v11+s22+$0x0] =	vst.idx.msk $0x1, v12  }
0x169: {  	v11 =	vld [tilespmem:s0+$0xFFFFFFD0];
	_ =	sdelay $0x4  }
0x16a: {  	s24 =	sadd.s32 $0x1, s23;
	(xrf0) =	vmax.scan.msk.f32 $0xffff, v11  }
0x16b: {  	v11 =	vmov s24  }
0x16c: {  	v11 =	vand.u32 $0xFFFFFFF9, v11  }
0x16d: {  	v11 =	vbroadcast v11, $0x0;
	_ =	sdelay $0x2  }
0x16e: {  	v12, _, _ =	vpop (xrf0)  }
0x16f: {  	v12 =	vbroadcast v12, $0xF;
	_ =	sdelay $0x1  }
0x170: {  	[tilespmem:v11+s22+$0x0] =	vst.idx.msk $0x1, v12  }
0x171: {  	v11 =	vld [tilespmem:s0+$0xFFFFFFE0];
	_ =	sdelay $0x4  }
0x172: {  	s24 =	sadd.s32 $0x2, s23;
	(xrf0) =	vmax.scan.msk.f32 $0xffff, v11  }
0x173: {  	v11 =	vmov s24  }
0x174: {  	v11 =	vand.u32 $0xFFFFFFFA, v11  }
0x175: {  	v11 =	vbroadcast v11, $0x0;
	_ =	sdelay $0x2  }
0x176: {  	v12, _, _ =	vpop (xrf0)  }
0x177: {  	v12 =	vbroadcast v12, $0xF;
	_ =	sdelay $0x1  }
0x178: {  	[tilespmem:v11+s22+$0x0] =	vst.idx.msk $0x1, v12  }
0x179: {  	v11 =	vld [tilespmem:s0+$0xFFFFFFF0];
	_ =	sdelay $0x4  }
0x17a: {  	s24 =	sadd.s32 $0x3, s23;
	(xrf0) =	vmax.scan.msk.f32 $0xffff, v11  }
0x17b: {  	v11 =	vmov s24  }
0x17c: {  	v11 =	vand.u32 $0xFFFFFFFB, v11  }
0x17d: {  	v11 =	vbroadcast v11, $0x0;
	_ =	sdelay $0x2  }
0x17e: {  	v12, _, _ =	vpop (xrf0)  }
0x17f: {  	v12 =	vbroadcast v12, $0xF;
	_ =	sdelay $0x1  }
0x180: {  	[tilespmem:v11+s22+$0x0] =	vst.idx.msk $0x1, v12  }
0x181: {  	v11 =	vld [tilespmem:s0+$0x0];
	_ =	sdelay $0x4  }
0x182: {  	s24 =	sadd.s32 $0x4, s23;
	(xrf0) =	vmax.scan.msk.f32 $0xffff, v11  }
0x183: {  	v11 =	vmov s24  }
0x184: {  	v11 =	vand.u32 $0xFFFFFFFC, v11  }
0x185: {  	v11 =	vbroadcast v11, $0x0;
	_ =	sdelay $0x2  }
0x186: {  	v12, _, _ =	vpop (xrf0)  }
0x187: {  	v12 =	vbroadcast v12, $0xF;
	_ =	sdelay $0x1  }
0x188: {  	[tilespmem:v11+s22+$0x0] =	vst.idx.msk $0x1, v12  }
0x189: {  	v11 =	vld [tilespmem:s0+$0x10];
	_ =	sdelay $0x4  }
0x18a: {  	s24 =	sadd.s32 $0x5, s23;
	(xrf0) =	vmax.scan.msk.f32 $0xffff, v11  }
0x18b: {  	v11 =	vmov s24  }
0x18c: {  	v11 =	vand.u32 $0xFFFFFFFD, v11  }
0x18d: {  	v11 =	vbroadcast v11, $0x0;
	_ =	sdelay $0x2  }
0x18e: {  	v12, _, _ =	vpop (xrf0)  }
0x18f: {  	v12 =	vbroadcast v12, $0xF;
	_ =	sdelay $0x1  }
0x190: {  	[tilespmem:v11+s22+$0x0] =	vst.idx.msk $0x1, v12  }
0x191: {  	v11 =	vld [tilespmem:s0+$0x20];
	_ =	sdelay $0x4  }
0x192: {  	s24 =	sadd.s32 $0x6, s23;
	(xrf0) =	vmax.scan.msk.f32 $0xffff, v11  }
0x193: {  	v11 =	vmov s24  }
0x194: {  	v11 =	vand.u32 $0xFFFFFFFE, v11  }
0x195: {  	v11 =	vbroadcast v11, $0x0;
	_ =	sdelay $0x2  }
0x196: {  	v12, _, _ =	vpop (xrf0)  }
0x197: {  	v12 =	vbroadcast v12, $0xF;
	_ =	sdelay $0x1  }
0x198: {  	[tilespmem:v11+s22+$0x0] =	vst.idx.msk $0x1, v12  }
0x199: {  	v11 =	vld [tilespmem:s0+$0x30];
	_ =	sdelay $0x4  }
0x19a: {  	(xrf0) =	vmax.scan.msk.f32 $0xffff, v11;
	_ =	sdelay $0x2  }
.Ltmp4:
0x19b: {  	s23 =	sadd.s32 $0x7, s23;
	(pc) =	sbr.rel @p0 .LBB2_5-.Ltmp4, $3  }
0x19c: {  	v11 =	vmov s23;
	_ =	sdelay $0x1  }
0x19d: {  	v12, _, _ =	vpop (xrf0)  }
0x19e: {  	v12 =	vbroadcast v12, $0xF  }
0x19f: {  	_ =	sdelay $0x3  }
0x1a0: {  	[tilespmem:v11+s22+$0x0] =	vst.idx.msk $0x1, v12  }
0x1a1: {  	v11 =	vld [tilespmem:$0x10A80];
	_ =	sdelay $0x4  }
0x1a2: {  	(xrf0) =	vmax.scan.msk.f32 $0xffff, v11;
	_ =	sdelay $0x5  }
0x1a3: {  	v11, _, _ =	vpop (xrf0)  }
0x1a4: {  	v11 =	vbroadcast v11, $0xF;
	_ =	sdelay $0x1  }
0x1a5: {  	[tilespmem:v4+s22+$0x0] =	vst.idx.msk $0x1, v11  }
0x1a6: {  	v11 =	vld [tilespmem:$0x10A90];
	_ =	sdelay $0x4  }
0x1a7: {  	(xrf0) =	vmax.scan.msk.f32 $0xffff, v11;
	_ =	sdelay $0x5  }
0x1a8: {  	v11, _, _ =	vpop (xrf0)  }
0x1a9: {  	v11 =	vbroadcast v11, $0xF;
	_ =	sdelay $0x1  }
0x1aa: {  	[tilespmem:v5+s22+$0x0] =	vst.idx.msk $0x1, v11  }
0x1ab: {  	v11 =	vld [tilespmem:$0x10AA0];
	_ =	sdelay $0x4  }
0x1ac: {  	(xrf0) =	vmax.scan.msk.f32 $0xffff, v11;
	_ =	sdelay $0x5  }
0x1ad: {  	v11, _, _ =	vpop (xrf0)  }
0x1ae: {  	v11 =	vbroadcast v11, $0xF;
	_ =	sdelay $0x1  }
0x1af: {  	[tilespmem:v6+s22+$0x0] =	vst.idx.msk $0x1, v11  }
0x1b0: {  	v11 =	vld [tilespmem:$0x10AB0];
	_ =	sdelay $0x4  }
0x1b1: {  	(xrf0) =	vmax.scan.msk.f32 $0xffff, v11;
	_ =	sdelay $0x5  }
0x1b2: {  	v11, _, _ =	vpop (xrf0)  }
0x1b3: {  	v11 =	vbroadcast v11, $0xF;
	_ =	sdelay $0x1  }
0x1b4: {  	[tilespmem:v7+s22+$0x0] =	vst.idx.msk $0x1, v11  }
0x1b5: {  	v13 =	vld [tilespmem:$0x10B00]  }
0x1b6: {  	v12 =	vld [tilespmem:$0x10B10]  }
0x1b7: {  	v11 =	vld [tilespmem:$0x10B20];
	_ =	sdelay $0x3  }
0x1b8: {  	v14 =	vmax.f32 v13, v12  }
0x1b9: {  	v14 =	vmax.f32 v14, v11  }
0x1ba: {  	(xrf0) =	vmax.scan.msk.f32 $0xffff, v14;
	_ =	sdelay $0x5  }
0x1bb: {  	v14, _, _ =	vpop (xrf0)  }
0x1bc: {  	(v2sf) =	vpush v14, $0xF;
	_ =	sdelay $0xe  }
0x1bd: {  	s1 =	spop (v2sf)  }
0x1be: {  	p0 =	slt.f32 s1, $-Inf;
	p1 =	sgt.f32 s1, $-Inf  }
0x1bf: {  	_ = 	snop  }
0x1c0: {  	p0 =	por p1, p0  }
0x1c1: {  	p0 =	por !p0, !p0  }
.Ltmp5:
0x1c2: {  	_ = 	snop;
	(pc) =	sbr.rel @p0 .LBB2_9-.Ltmp5, $1  }
0x1c3: {  	_ =	sdelay $0x3  }
0x1c4: {  	v14 =	vbroadcast v14, $0xF;
	_ =	sdelay $0x1  }
0x1c5: {  	vm0 =	veq.f32 v13, v14  }
0x1c6: {  	vm12 =	veq.f32 v12, v14;
	v13 =	vnsel vm0, $0xC0000000, v8  }
0x1c7: {  	v12 =	vnsel vm12, $0xC0000000, v9;
	(xrf0) =	vmin.scan.msk.u32 $0xffff, v13  }
0x1c8: {  	vm13 =	veq.f32 v11, v14;
	(xrf0) =	vmin.scan.msk.u32 $0xffff, v12  }
0x1c9: {  	v11 =	vnsel vm13, $0xC0000000, v10  }
0x1ca: {  	(xrf0) =	vmin.scan.msk.u32 $0xffff, v11;
	_ =	sdelay $0x2  }
0x1cb: {  	v11, _, _ =	vpop (xrf0)  }
0x1cc: {  	v12, _, _ =	vpop (xrf0);
	(v2sf) =	vpush v11, $0xF  }
0x1cd: {  	(v2sf) =	vpush v12, $0xF  }
0x1ce: {  	v11, _, _ =	vpop (xrf0)  }
0x1cf: {  	(v2sf) =	vpush v11, $0xF;
	_ =	sdelay $0xb  }
0x1d0: {  	s0 =	spop (v2sf)  }
0x1d1: {  	s23 =	spop (v2sf)  }
0x1d2: {  	s0 =	sxor.u32 $0x80000000, s0;
	s23 =	sxor.u32 $0x80000000, s23  }
0x1d3: {  	s24 =	spop (v2sf);
	p0 =	slt.s32 s0, s23  }
0x1d4: {  	s23 =	smov.u32 @p0 s0;
	s0 =	sxor.u32 $0x80000000, s24  }
0x1d5: {  	p0 =	slt.s32 s23, s0  }
0x1d6: {  	s0 =	smov.u32 @p0 s23  }
0x1d7: {  	p0 =	slt.s32 s0, $0x2B  }
0x1d8: {  	s0 =	simm.s32 @!p0 $0x2B  }
0x1d9: {  	s0 =	sshll.u32 s0, $0x4  }
0x1da: {  	v11 =	vld [tilespmem:s0+$0x10800];
	_ =	sdelay $0x4  }
0x1db: {  	vm14 =	veq.f32 v11, v14  }
0x1dc: {  	v11 =	vnsel vm14, $0xC0000000, v8  }
0x1dd: {  	(xrf0) =	vmin.scan.msk.u32 $0xffff, v11;
	_ =	sdelay $0x5  }
0x1de: {  	v11, _, _ =	vpop (xrf0)  }
0x1df: {  	(v2sf) =	vpush v11, $0xF;
	_ =	sdelay $0xe  }
0x1e0: {  	s28 =	spop (v2sf)  }
0x1e1: {  	s0 =	sadd.s32 s28, s0  }
0x1e2: {  	s0 =	sadd.s32 $0x80000000, s0  }
0x1e3: {  	p0 =	slt.s32 s0, $0x2BF  }
0x1e4: {  	p1 =	slt.s32 s0, $0x1;
	s0 =	simm.s32 @!p0 $0x2BF  }
0x1e5: {  	s24 =	sshra.s32 s0, $0x1F  }
0x1e6: {  	s23 =	sshrl.u32 s24, $0x1D  }
0x1e7: {  	s23 =	sadd.s32 s23, s0  }
0x1e8: {  	s25 =	sand.u32 $0xFFFFFFF8, s23  }
0x1e9: {  	p0 =	sne.s32 s0, s25  }
0x1ea: {  	p0 =	por !p1, !p0  }
0x1eb: {  	s24 =	simm.s32 $0x1;
	p0 =	por !p0, !p0  }
0x1ec: {  	s23 =	sshrl.u32 s23, $0x3;
	s24 =	simm.s32 @!p0 $0x0  }
0x1ed: {  	s0 =	sshll.u32 s0, $0x4;
	s23 =	ssub.s32 s23, s24  }
0x1ee: {  	s26 =	sadd.s32 $0x80, s0;
	s23 =	sshll.u32 s23, $0x9  }
0x1ef: {  	s24 =	sand.u32 $0x70, s26;
	s23 =	sshra.s32 s23, $0x2  }
0x1f0: {  	s23 =	sor.u32 s24, s23  }
0x1f1: {  	v11 =	vld [tilespmem:s23+$0xB000];
	_ =	sdelay $0x4  }
0x1f2: {  	vm15 =	veq.f32 v11, v14  }
0x1f3: {  	v11 =	vnsel vm15, $0xC0000000, v8  }
0x1f4: {  	(xrf0) =	vmin.scan.msk.u32 $0xffff, v11;
	_ =	sdelay $0x5  }
0x1f5: {  	v11, _, _ =	vpop (xrf0)  }
0x1f6: {  	(v2sf) =	vpush v11, $0xF;
	_ =	sdelay $0xe  }
0x1f7: {  	s28 =	spop (v2sf)  }
0x1f8: {  	s23 =	sxor.u32 $0x80000000, s28  }
0x1f9: {  	p0 =	slt.s32 s23, $0xF  }
0x1fa: {  	s23 =	simm.s32 @!p0 $0xF  }
0x1fb: {  	s23 =	sadd.s32 s23, s0;
	s0 =	simm.s32 $0x0  }
.LBB2_8:
0x1fc: {  	s24 =	sshra.s32 s23, $0x1F  }
0x1fd: {  	v16 =	vld [tilespmem:$0x10B80];
	s25 =	sshrl.u32 s24, $0x19  }
0x1fe: {  	v17 =	vld [tilespmem:$0x10C00];
	s25 =	sadd.s32 s25, s23  }
0x1ff: {  	v18 =	vld [tilespmem:$0x10C80];
	s26 =	sand.u32 $0xFFFFFF80, s25  }
0x200: {  	p0 =	slt.s32 s23, $0x1;
	v19 =	vld [tilespmem:$0x10D00];
	p1 =	sne.s32 s23, s26  }
0x201: {  	v20 =	vld [tilespmem:$0x10D80];
	p1 =	por !p0, !p1  }
0x202: {  	v21 =	vld [tilespmem:$0x10B90];
	s26 =	simm.s32 $0x1;
	p1 =	por !p1, !p1  }
0x203: {  	v22 =	vld [tilespmem:$0x10C10];
	s25 =	sshrl.u32 s25, $0x7;
	s26 =	simm.s32 @!p1 $0x0  }
0x204: {  	v23 =	vld [tilespmem:$0x10C90];
	s25 =	ssub.s32 s25, s26  }
0x205: {  	s28 =	sand.u32 $0x7F, s23;
	v24 =	vld [tilespmem:$0x10D10];
	s25 =	sshll.u32 s25, $0x7  }
0x206: {  	v25 =	vld [tilespmem:$0x10D90];
	s25 =	sor.u32 s28, s25  }
0x207: {  	v28 =	vld [tilespmem:$0x10BA0];
	v11 =	vmov s25  }
0x208: {  	v29 =	vld [tilespmem:$0x10C20]  }
0x209: {  	v37 =	vld [tilespmem:$0x10CA0]  }
0x20a: {  	v30 =	vld [tilespmem:$0x10C30]  }
0x20b: {  	v31 =	vld [tilespmem:$0x10CB0]  }
0x20c: {  	v15 =	vld.idx.msk [tilespmem:v11+s2+$0x0], $0xffff  }
0x20d: {  	v14 =	vld.idx.msk [tilespmem:v11+s16+$0x0], $0xffff  }
0x20e: {  	v13 =	vld.idx.msk [tilespmem:v11+s17+$0x0], $0xffff  }
0x20f: {  	v12 =	vld.idx.msk [tilespmem:v11+s18+$0x0], $0xffff  }
0x210: {  	v32 =	vld [tilespmem:$0x10D30]  }
0x211: {  	v33 =	vld [tilespmem:$0x10BC0]  }
0x212: {  	v44 =	vld [tilespmem:$0x10CC0]  }
0x213: {  	v52 =	vld [tilespmem:$0x10D50];
	v26 =	vsub.f32 v13, v15  }
0x214: {  	v56 =	vld [tilespmem:$0x10CE0];
	v27 =	vsub.f32 v12, v14;
	v16 =	vmax.f32 v16, v15;
	v17 =	vmax.f32 v17, v14  }
0x215: {  	v55 =	vld [tilespmem:$0x10C60];
	v18 =	vmin.f32 v18, v13;
	v19 =	vmin.f32 v19, v12;
	v21 =	vmax.f32 v21, v15  }
0x216: {  	v42 =	vld [tilespmem:$0x10C40];
	v23 =	vmin.f32 v23, v13;
	v22 =	vmax.f32 v22, v14;
	v24 =	vmin.f32 v24, v12  }
0x217: {  	v45 =	vld [tilespmem:$0x10D40];
	v43 =	vmax.f32 v28, v15;
	v29 =	vmax.f32 v29, v14;
	v51 =	vmin.f32 v31, v13  }
0x218: {  	v38 =	vld [tilespmem:$0x10D20];
	v30 =	vmax.f32 v30, v14;
	v32 =	vmin.f32 v32, v12;
	v54 =	vmax.f32 v33, v15  }
0x219: {  	v57 =	vld [tilespmem:$0x10D60];
	v28 =	vmin.f32 v44, v13;
	v59 =	vmin.f32 v52, v12;
	v61 =	vmin.f32 v56, v13  }
0x21a: {  	v39 =	vld [tilespmem:$0x10DA0];
	v63 =	vmax.f32 v55, v14;
	v18 =	vsub.f32 v18, v16;
	v17 =	vsub.f32 v19, v17  }
0x21b: {  	v41 =	vld [tilespmem:$0x10BB0];
	v21 =	vsub.f32 v23, v21;
	v22 =	vsub.f32 v24, v22;
	v19 =	vmin.f32 v37, v13  }
0x21c: {  	v46 =	vld [tilespmem:$0x10BD0];
	v30 =	vsub.f32 v32, v30;
	v23 =	vmax.f32 v42, v14;
	v24 =	vmin.f32 v45, v12  }
0x21d: {  	v53 =	vld [tilespmem:$0x10BE0];
	v28 =	vsub.f32 v28, v54;
	v16 =	vmul.f32 v27, v26;
	v26 =	vmin.f32 v38, v12  }
0x21e: {  	v58 =	vld [tilespmem:$0x10DB0];
	v19 =	vsub.f32 v19, v43;
	v23 =	vsub.f32 v24, v23;
	v24 =	vmin.f32 v57, v12  }
0x21f: {  	v60 =	vld [tilespmem:$0x10DC0];
	v18 =	vmax.f32 v18, $0.0e+00;
	v17 =	vmax.f32 v17, $0.0e+00;
	v21 =	vmax.f32 v21, $0.0e+00  }
0x220: {  	v36 =	vld [tilespmem:$0x10DE0];
	v22 =	vmax.f32 v22, $0.0e+00;
	v26 =	vsub.f32 v26, v29;
	v30 =	vmax.f32 v30, $0.0e+00  }
0x221: {  	v50 =	vld [tilespmem:$0x10CD0];
	v29 =	vmax.f32 v46, v15;
	v28 =	vmax.f32 v28, $0.0e+00;
	v24 =	vsub.f32 v24, v63  }
0x222: {  	v17 =	vmul.f32 v17, v18;
	v40 =	vadd.f32 v20, v16;
	v48 =	vadd.f32 v25, v16  }
0x223: {  	v19 =	vmax.f32 v19, $0.0e+00;
	v20 =	vmax.f32 v41, v15;
	v27 =	vadd.f32 v39, v16  }
0x224: {  	v47 =	vld [tilespmem:$0x10C50];
	v25 =	vmax.f32 v53, v15;
	v37 =	vadd.f32 v58, v16;
	v39 =	vadd.f32 v60, v16  }
0x225: {  	v62 =	vld [tilespmem:$0x10DD0];
	v23 =	vmax.f32 v23, $0.0e+00;
	v42 =	vadd.f32 v36, v16;
	v18 =	vsub.f32 v40, v17  }
0x226: {  	v49 =	vmax.f32 v26, $0.0e+00;
	v20 =	vsub.f32 v51, v20;
	v26 =	vmin.f32 v50, v13  }
0x227: {  	v25 =	vsub.f32 v61, v25;
	v23 =	vmul.f32 v23, v28;
	v18 =	vadd.f32 $9.999999710e-10, v18  }
0x228: {  	v24 =	vmax.f32 v24, $0.0e+00;
	v19 =	vmul.f32 v49, v19;
	v26 =	vsub.f32 v26, v29  }
0x229: {  	(erf) = vrcp.f32 v18;
	v18 =	vmul.f32 v22, v21;
	v21 =	vmax.f32 v47, v14  }
0x22a: {  	v40 =	vadd.f32 v62, v16;
	v20 =	vmax.f32 v20, $0.0e+00;
	v21 =	vsub.f32 v59, v21  }
0x22b: {  	v25 =	vmax.f32 v25, $0.0e+00;
	v20 =	vmul.f32 v30, v20;
	v22 =	vsub.f32 v48, v18  }
0x22c: {  	v27 =	vsub.f32 v27, v19;
	v26 =	vmax.f32 v26, $0.0e+00;
	v21 =	vmax.f32 v21, $0.0e+00  }
0x22d: {  	v38 =	vsub.f32 v37, v20;
	v22 =	vadd.f32 $9.999999710e-10, v22;
	v21 =	vmul.f32 v21, v26  }
0x22e: {  	v41 =	vsub.f32 v39, v23;
	v24 =	vmul.f32 v24, v25;
	v27 =	vadd.f32 $9.999999710e-10, v27  }
0x22f: {  	v43 =	vadd.f32 $9.999999710e-10, v38;
	(erf) = vrcp.f32 v22;
	v44 =	vsub.f32 v40, v21  }
0x230: {  	v25 =	vadd.f32 $9.999999710e-10, v41;
	v45 =	vsub.f32 v42, v24;
	(erf) = vrcp.f32 v27  }
0x231: {  	(erf) = vrcp.f32 v43;
	v46 =	vadd.f32 $9.999999710e-10, v44  }
0x232: {  	v47 =	vadd.f32 $9.999999710e-10, v45;
	(erf) = vrcp.f32 v25  }
0x233: {  	(erf) = vrcp.f32 v46  }
0x234: {  	(erf) = vrcp.f32 v47;
	_ =	sdelay $0x2  }
0x235: {  	v48 =	vpop (erf)  }
0x236: {  	v17 =	vmul.f32 v48, v17;
	v49 =	vpop (erf)  }
0x237: {  	v50 =	vpop (erf);
	v18 =	vmul.f32 v49, v18  }
0x238: {  	v17 =	vmax.f32 v17, $0.0e+00;
	v51 =	vpop (erf);
	v19 =	vmul.f32 v50, v19  }
0x239: {  	v52 =	vpop (erf);
	v17 =	vmax.f32 v17, v18;
	v53 =	vmul.f32 v51, v20  }
0x23a: {  	v54 =	vpop (erf);
	v17 =	vmax.f32 v17, v19;
	v55 =	vmul.f32 v52, v23  }
0x23b: {  	v17 =	vmax.f32 v17, v53;
	v56 =	vmul.f32 v54, v21;
	v57 =	vpop (erf)  }
0x23c: {  	v17 =	vmax.f32 v17, v55;
	v58 =	vmul.f32 v57, v24  }
0x23d: {  	v17 =	vmax.f32 v17, v56  }
0x23e: {  	v17 =	vmax.f32 v17, v58  }
0x23f: {  	(xrf0) =	vmax.scan.msk.f32 $0xffff, v17;
	_ =	sdelay $0x5  }
0x240: {  	v17, _, _ =	vpop (xrf0)  }
0x241: {  	(v2sf) =	vpush v17, $0xF;
	_ =	sdelay $0xe  }
0x242: {  	s26 =	spop (v2sf)  }
0x243: {  	p1 =	sgt.f32 s26, $5.000000000e-01  }
0x244: {  	s28 =	sand.u32 $0xF, s23  }
0x245: {  	p2 =	sne.s32 s28, $0x0;
	v17 =	vmov @!p1 s0  }
0x246: {  	s24 =	sshrl.u32 s24, $0x1C;
	p0 =	por !p0, !p2;
	v18 =	vld.idx.msk [tilespmem:v11+s20+$0x0], $0xffff  }
0x247: {  	p0 =	por !p0, !p0;
	s26 =	sadd.s32 s24, s23;
	s24 =	simm.s32 $0x1  }
0x248: {  	s23 =	sshra.s32 s26, $0x4;
	s24 =	simm.s32 @!p0 $0x0  }
0x249: {  	s25 =	simm.s32 @!p1 $0x10B80;
	s23 =	ssub.s32 s23, s24  }
0x24a: {  	s24 =	simm.s32 @!p1 $0x10C00;
	[tilespmem:v17+s25+$0x0] =	vst.idx.msk @!p1 $0x1, v15;
	s25 =	sshra.s32 s23, $0x1F  }
0x24b: {  	v19 =	vcvt.s32.f32 @!p1 v18;
	[tilespmem:v17+s24+$0x0] =	vst.idx.msk @!p1 $0x1, v14;
	s24 =	simm.s32 @!p1 $0x10C80;
	s28 =	sshrl.u32 s25, $0x1D  }
0x24c: {  	[tilespmem:v17+s24+$0x0] =	vst.idx.msk @!p1 $0x1, v13;
	s24 =	simm.s32 @!p1 $0x10D00;
	s26 =	sadd.s32 s28, s23  }
0x24d: {  	v19 =	vmul.f32 @!p1 $4.170000000e+02, v19;
	[tilespmem:v17+s24+$0x0] =	vst.idx.msk @!p1 $0x1, v12;
	s24 =	simm.s32 @!p1 $0x10D80;
	s28 =	sand.u32 $0xFFFFFFF8, s26  }
0x24e: {  	p3 =	slt.s32 s23, $0x1;
	[tilespmem:v17+s24+$0x0] =	vst.idx.msk @!p1 $0x1, v16;
	v16 =	vmov @!p1 s1;
	s1 =	simm.s32 @!p1 $0x10E00;
	p4 =	sne.s32 s23, s28  }
0x24f: {  	v15 =	vsub.f32 @!p1 v15, v19;
	[tilespmem:v17+s1+$0x0] =	vst.idx.msk @!p1 $0x1, v16;
	s1 =	simm.s32 @!p1 $0x10E80;
	p2 =	por !p3, !p4  }
0x250: {  	v14 =	vsub.f32 @!p1 v14, v19;
	s24 =	simm.s32 $0x1;
	[tilespmem:v17+s1+$0x0] =	vst.idx.msk @!p1 $0x1, v18;
	s1 =	simm.s32 @!p1 $0x10F00;
	p2 =	por !p2, !p2  }
0x251: {  	v13 =	vsub.f32 @!p1 v13, v19;
	s26 =	sshrl.u32 s26, $0x3;
	[tilespmem:v17+s1+$0x0] =	vst.idx.msk @!p1 $0x1, v15;
	s1 =	simm.s32 @!p1 $0x10F80;
	s24 =	simm.s32 @!p2 $0x0  }
0x252: {  	v12 =	vsub.f32 @!p1 v12, v19;
	s28 =	sshll.u32 s23, $0x4;
	[tilespmem:v17+s1+$0x0] =	vst.idx.msk @!p1 $0x1, v14;
	s1 =	simm.s32 @!p1 $0x11000;
	s24 =	ssub.s32 s26, s24  }
0x253: {  	s26 =	sadd.s32 $0x80, s28;
	[tilespmem:v17+s1+$0x0] =	vst.idx.msk @!p1 $0x1, v13;
	s1 =	simm.s32 @!p1 $0x11080;
	s24 =	sshll.u32 s24, $0x9  }
0x254: {  	s26 =	sand.u32 $0x70, s26;
	[tilespmem:v17+s1+$0x0] =	vst.idx.msk @!p1 $0x1, v12;
	s24 =	sshra.s32 s24, $0x2  }
0x255: {  	[tilespmem:v11+s19+$0x0] =	vst.idx.msk $0x1, v3;
	s1 =	sor.u32 s26, s24  }
0x256: {  	v11 =	vld [tilespmem:s1+$0xB000];
	_ =	sdelay $0x4  }
0x257: {  	(xrf0) =	vmax.scan.msk.f32 $0xffff, v11;
	_ =	sdelay $0x1  }
0x258: {  	s28 =	sand.u32 $0xF, s23  }
0x259: {  	p5 =	sne.s32 s28, $0x0  }
0x25a: {  	p0 =	por !p3, !p5;
	s24 =	sshrl.u32 s25, $0x1C;
	v11 =	vmov s23  }
0x25b: {  	p0 =	por !p0, !p0;
	s1 =	sadd.s32 s24, s23;
	s23 =	simm.s32 $0x1  }
0x25c: {  	s1 =	sshra.s32 s1, $0x4;
	s23 =	simm.s32 @!p0 $0x0;
	v59, _, _ =	vpop (xrf0)  }
0x25d: {  	s1 =	ssub.s32 s1, s23;
	v12 =	vbroadcast v59, $0xF  }
0x25e: {  	s23 =	sshll.u32 s1, $0x6  }
0x25f: {  	s23 =	sshra.s32 s23, $0x2;
	[tilespmem:v11+s21+$0x0] =	vst.idx.msk $0x1, v12  }
0x260: {  	v11 =	vld [tilespmem:s23+$0x10800];
	_ =	sdelay $0x4  }
0x261: {  	(xrf0) =	vmax.scan.msk.f32 $0xffff, v11;
	_ =	sdelay $0x3  }
0x262: {  	v11 =	vmov s1;
	_ =	sdelay $0x1  }
0x263: {  	v60, _, _ =	vpop (xrf0)  }
0x264: {  	v12 =	vbroadcast v60, $0xF;
	_ =	sdelay $0x1  }
0x265: {  	[tilespmem:v11+s22+$0x0] =	vst.idx.msk $0x1, v12  }
0x266: {  	v11 =	vld [tilespmem:$0x10B00]  }
0x267: {  	v12 =	vld [tilespmem:$0x10B10]  }
0x268: {  	v13 =	vld [tilespmem:$0x10B20];
	_ =	sdelay $0x3  }
0x269: {  	v61 =	vmax.f32 v11, v12  }
0x26a: {  	v14 =	vmax.f32 v61, v13  }
0x26b: {  	(xrf0) =	vmax.scan.msk.f32 $0xffff, v14;
	_ =	sdelay $0x5  }
0x26c: {  	v14, _, _ =	vpop (xrf0)  }
0x26d: {  	v62 =	vbroadcast v14, $0xF;
	_ =	sdelay $0x1  }
0x26e: {  	vm0 =	veq.f32 v11, v62  }
0x26f: {  	vm12 =	veq.f32 v12, v62;
	v11 =	vnsel vm0, $0xC0000000, v8  }
0x270: {  	(xrf0) =	vmin.scan.msk.u32 $0xffff, v11;
	v11 =	vnsel vm12, $0xC0000000, v9  }
0x271: {  	vm13 =	veq.f32 v13, v62;
	(xrf0) =	vmin.scan.msk.u32 $0xffff, v11  }
0x272: {  	v11 =	vnsel vm13, $0xC0000000, v10  }
0x273: {  	(xrf0) =	vmin.scan.msk.u32 $0xffff, v11;
	_ =	sdelay $0x2  }
0x274: {  	(v2sf) =	vpush v14, $0xF;
	v11, _, _ =	vpop (xrf0)  }
0x275: {  	v63, _, _ =	vpop (xrf0);
	(v2sf) =	vpush v11, $0xF  }
0x276: {  	(v2sf) =	vpush v63, $0xF  }
0x277: {  	v11, _, _ =	vpop (xrf0)  }
0x278: {  	(v2sf) =	vpush v11, $0xF;
	_ =	sdelay $0xa  }
0x279: {  	s1 =	spop (v2sf)  }
0x27a: {  	s25 =	spop (v2sf)  }
0x27b: {  	s26 =	spop (v2sf)  }
0x27c: {  	s23 =	sxor.u32 $0x80000000, s25;
	s24 =	sxor.u32 $0x80000000, s26  }
0x27d: {  	s28 =	spop (v2sf);
	p0 =	slt.s32 s23, s24  }
0x27e: {  	s24 =	smov.u32 @p0 s23;
	s23 =	sxor.u32 $0x80000000, s28  }
0x27f: {  	p0 =	slt.s32 s24, s23  }
0x280: {  	s23 =	smov.u32 @p0 s24  }
0x281: {  	p0 =	slt.s32 s23, $0x2B  }
0x282: {  	s23 =	simm.s32 @!p0 $0x2B  }
0x283: {  	s23 =	sshll.u32 s23, $0x4  }
0x284: {  	v11 =	vld [tilespmem:s23+$0x10800];
	_ =	sdelay $0x4  }
0x285: {  	vm14 =	veq.f32 v11, v62  }
0x286: {  	v11 =	vnsel vm14, $0xC0000000, v8  }
0x287: {  	(xrf0) =	vmin.scan.msk.u32 $0xffff, v11;
	_ =	sdelay $0x5  }
0x288: {  	v11, _, _ =	vpop (xrf0)  }
0x289: {  	(v2sf) =	vpush v11, $0xF;
	_ =	sdelay $0xe  }
0x28a: {  	s25 =	spop (v2sf)  }
0x28b: {  	s23 =	sadd.s32 s25, s23  }
0x28c: {  	s23 =	sadd.s32 $0x80000000, s23  }
0x28d: {  	p0 =	slt.s32 s23, $0x2BF  }
0x28e: {  	p6 =	slt.s32 s23, $0x1;
	s23 =	simm.s32 @!p0 $0x2BF  }
0x28f: {  	s26 =	sshra.s32 s23, $0x1F  }
0x290: {  	s24 =	sshrl.u32 s26, $0x1D  }
0x291: {  	s24 =	sadd.s32 s24, s23  }
0x292: {  	s28 =	sand.u32 $0xFFFFFFF8, s24  }
0x293: {  	p0 =	sne.s32 s23, s28  }
0x294: {  	p0 =	por !p6, !p0  }
0x295: {  	s25 =	simm.s32 $0x1;
	p0 =	por !p0, !p0  }
0x296: {  	s24 =	sshrl.u32 s24, $0x3;
	s25 =	simm.s32 @!p0 $0x0  }
0x297: {  	s23 =	sshll.u32 s23, $0x4;
	s24 =	ssub.s32 s24, s25  }
0x298: {  	s26 =	sadd.s32 $0x80, s23;
	s24 =	sshll.u32 s24, $0x9  }
0x299: {  	s25 =	sand.u32 $0x70, s26;
	s24 =	sshra.s32 s24, $0x2  }
0x29a: {  	s24 =	sor.u32 s25, s24  }
0x29b: {  	v11 =	vld [tilespmem:s24+$0xB000];
	_ =	sdelay $0x4  }
0x29c: {  	vm15 =	veq.f32 v11, v62  }
0x29d: {  	v11 =	vnsel vm15, $0xC0000000, v8  }
0x29e: {  	(xrf0) =	vmin.scan.msk.u32 $0xffff, v11;
	_ =	sdelay $0x5  }
0x29f: {  	v11, _, _ =	vpop (xrf0)  }
0x2a0: {  	(v2sf) =	vpush v11, $0xF;
	_ =	sdelay $0x7  }
0x2a1: {  	p0 =	por !p1, !p1;
	s24 =	simm.s32 $0x1  }
0x2a2: {  	s24 =	simm.s32 @!p0 $0x0  }
0x2a3: {  	s0 =	sadd.s32 s24, s0  }
0x2a4: {  	p0 =	sgt.u32 s0, $0x63  }
0x2a5: {  	p1 =	sgt.f32 @!p0 s1, $-Inf;
	_ =	sdelay $0x1  }
0x2a6: {  	p0 =	por p0, !p1  }
.Ltmp6:
0x2a7: {  	s28 =	spop (v2sf);
	(pc) =	sbr.rel @!p0 .LBB2_8-.Ltmp6, $4  }
0x2a8: {  	s24 =	sxor.u32 $0x80000000, s28  }
0x2a9: {  	p2 =	slt.s32 s24, $0xF  }
0x2aa: {  	s24 =	simm.s32 @!p2 $0xF  }
0x2ab: {  	s23 =	sadd.s32 s24, s23  }
.Ltmp7:
0x2ac: {  	_ = 	snop;
	(pc) =	sbr.rel .LBB2_9-.Ltmp7, $1  }
0x2ad: {  	_ =	sdelay $0x3  }
.LBB2_10:
0x2ae: {  	_ =	sfence.sel $0x180000  }
0x2af: {  	[bflag:$0x0] =	sbarrier.arrive $0xFFFF  }
0x2b0: {  	_ =	strace $0x90000047  }
0x2b1: {  	s0 =	stileid.u32;
	[bflag:$0x2] =	sbarrier.arrive $0xFFFF  }
0x2b2: {  	p0 =	sne.s32 s0, $0x0;
	s0 =	rddreg [dreg:$0x4]  }
0x2b3: {  	s0 =	sadd.s32 @!p0 $0x100000, s0  }
0x2b4: {  	[sflag:s0] =	ssyncadd.tile.s32 @!p0 $0x1;
	_ =	shalt  }
.Lfunc_end2:
_tile_overlayer_lowered:
.L_overlay_start_2:
0x2b5: {  	(tag) =	ssettag $0x2  }
0x2b6: {  	s0 =	rddreg [dreg:$0x0];
	s2 =	stileid.u32  }
0x2b7: {  	s1 =	rddreg [dreg:$0x1];
	p0 =	sne.s32 s2, $0x0  }
0x2b8: {  	s3 =	rddreg [dreg:$0x2];
	[bflag:$0x3] =	sbarrier.arrive $0xFFFF;
	s2 =	simm.s32 @!p0 $0x1C01  }
0x2b9: {  	[timem:s3], [sflag:s2] =	dma.local @!p0 [hbm:s0], s1  }
0x2ba: {  	s0 =	simm.s32 @!p0 $0x1  }
0x2bb: {  	_ =	swait.ge @!p0 [sflag:s0], s1  }
0x2bc: {  	s1 =	ssub.s32 @!p0 $0x0, s1;
	[sflag:s0] =	ssyncset.done @!p0 $0x0  }
0x2bd: {  	[sflag:s0] =	ssyncadd.s32 @!p0 s1  }
0x2be: {  	[bflag:$0x3] =	sbarrier.arrive $0xFFFF  }
0x2bf: {  	_ =	shalt  }

</sc_bundles>
